<compile_context>
chip_gen: v7x
topology: tpu7x:2x2x1
jax: 0.10.2.dev20260603
libtpu: 0.0.44.dev20260713+nightly
codegen_flags: <defaults>
</compile_context>

<pallas_src>
import functools

import jax
import jax.numpy as jnp
from jax import lax
from jax.experimental import pallas as pl
from jax.experimental.pallas import tpu as pltpu
from jax.experimental.pallas import tpu_sc as plsc

N = 2048
D = 768
E = 16
FF = 512
K = 2
COEFF = 0.01
TILE = 128
MAX_TILES = 48
PAD = MAX_TILES * TILE

NW = 32
_SQRT2 = 1.4142135623730951


def _gate_body(x_ref, gw_ref, gb_ref, d0_ref, d1_ref, w0_ref, w1_ref,
               te_ref, nt_ref, loss_ref, xpk_ref):
    x = x_ref[...]
    xb = x.astype(jnp.bfloat16)
    lo32 = lax.bitcast_convert_type(xb[:, :D // 2], jnp.uint16).astype(jnp.uint32)
    hi32 = lax.bitcast_convert_type(xb[:, D // 2:], jnp.uint16).astype(jnp.uint32)
    xpk_ref[...] = lax.bitcast_convert_type(lo32 | (hi32 << 16), jnp.int32)
    logits = jnp.dot(x, gw_ref[...], preferred_element_type=jnp.float32)
    logits = logits + gb_ref[...]
    lanes = lax.broadcasted_iota(jnp.int32, (N, E), 1)

    m1 = jnp.max(logits, axis=1, keepdims=True)
    i1 = jnp.min(jnp.where(logits == m1, lanes, E), axis=1, keepdims=True)
    masked = jnp.where(lanes == i1, jnp.float32(-1e30), logits)
    m2 = jnp.max(masked, axis=1, keepdims=True)
    i2 = jnp.min(jnp.where(masked == m2, lanes, E), axis=1, keepdims=True)

    t = jnp.exp(m2 - m1)
    w0_ref[...] = (1.0 / (1.0 + t)).reshape(N // 128, 128)
    w1_ref[...] = (t / (1.0 + t)).reshape(N // 128, 128)

    ez = jnp.exp(logits - m1)
    probs = ez / jnp.sum(ez, axis=1, keepdims=True)
    mean_probs = jnp.mean(probs, axis=0, keepdims=True)
    onehot_a = (lanes == i1).astype(jnp.int32)
    onehot_b = (lanes == i2).astype(jnp.int32)
    chosen = (onehot_a + onehot_b).astype(jnp.float32)
    frac = jnp.mean(chosen, axis=0, keepdims=True)
    loss_ref[...] = COEFF * E * jnp.sum(frac * mean_probs, keepdims=True).reshape(1, 1)

    oh = onehot_a + onehot_b
    cum = oh
    s = 1
    while s < N:
        shifted = jnp.concatenate(
            [jnp.zeros((s, E), jnp.int32), cum[:-s]], axis=0)
        cum = cum + shifted
        s *= 2
    cum_excl = cum - oh
    counts = cum[N - 1:N]
    tiles_per = (counts + (TILE - 1)) >> 7
    bound = tiles_per
    s = 1
    while s < E:
        bshift = jnp.concatenate(
            [jnp.zeros((1, s), jnp.int32), bound[:, :-s]], axis=1)
        bound = bound + bshift
        s *= 2
    padded_off = (bound - tiles_per) * TILE
    rank0 = jnp.sum(onehot_a * cum_excl, axis=1, keepdims=True)
    rank1 = jnp.sum(onehot_b * cum_excl, axis=1, keepdims=True)
    off0 = jnp.sum(onehot_a * padded_off, axis=1, keepdims=True)
    off1 = jnp.sum(onehot_b * padded_off, axis=1, keepdims=True)
    d0_ref[...] = (off0 + rank0).reshape(N // 128, 128)
    d1_ref[...] = (off1 + rank1).reshape(N // 128, 128)
    tiota = lax.broadcasted_iota(jnp.int32, (MAX_TILES, E), 0)
    te_ref[...] = jnp.minimum(
        jnp.sum((jnp.broadcast_to(bound, (MAX_TILES, E)) <= tiota).astype(
            jnp.int32), axis=1, keepdims=True), E - 1)
    nt_ref[...] = bound[:, E - 1:E]


def _gate(x2d, gate_W, gate_b):
    return pl.pallas_call(
        _gate_body,
        out_shape=(
            jax.ShapeDtypeStruct((N // 128, 128), jnp.int32),
            jax.ShapeDtypeStruct((N // 128, 128), jnp.int32),
            jax.ShapeDtypeStruct((N // 128, 128), jnp.float32),
            jax.ShapeDtypeStruct((N // 128, 128), jnp.float32),
            jax.ShapeDtypeStruct((MAX_TILES, 1), jnp.int32),
            jax.ShapeDtypeStruct((1, 1), jnp.int32),
            jax.ShapeDtypeStruct((1, 1), jnp.float32),
            jax.ShapeDtypeStruct((N, D // 2), jnp.int32),
        ),
    )(x2d, gate_W, gate_b.reshape(1, E))


_S_TOK = N // NW
_S_NCH = 2
_S_CH = _S_TOK // _S_NCH


@functools.lru_cache(maxsize=None)
def _sc_mesh():
    return plsc.VectorSubcoreMesh(core_axis_name="c", subcore_axis_name="s")


@functools.lru_cache(maxsize=None)
def _sc_scatter_kernel():
    @functools.partial(
        pl.kernel,
        mesh=_sc_mesh(),
        out_type=jax.ShapeDtypeStruct((PAD, D // 2), jnp.int32),
        scratch_types=[
            pltpu.VMEM((_S_NCH, _S_CH), jnp.int32),
            pltpu.VMEM((_S_NCH, _S_CH), jnp.int32),
            [pltpu.VMEM((_S_CH, D // 2), jnp.int32)] * _S_NCH,
            [pltpu.SemaphoreType.DMA] * _S_NCH,
            [pltpu.SemaphoreType.DMA] * (2 * _S_NCH),
        ],
    )
    def _sc_scatter(x_hbm, d0_hbm, d1_hbm, xs_hbm,
                    i0_v, i1_v, bufs, lsems, ssems):
        wid = lax.axis_index("s") * 2 + lax.axis_index("c")
        lo = wid * _S_TOK
        for c in range(_S_NCH):
            pltpu.sync_copy(d0_hbm.at[pl.ds(lo + c * _S_CH, _S_CH)], i0_v.at[c])
            pltpu.sync_copy(d1_hbm.at[pl.ds(lo + c * _S_CH, _S_CH)], i1_v.at[c])
        ld = {}
        for c in range(_S_NCH):
            ld[c] = pltpu.async_copy(
                x_hbm.at[pl.ds(lo + c * _S_CH, _S_CH)], bufs[c], lsems[c])
        sd = {}
        for c in range(_S_NCH):
            ld[c].wait()
            sd[2 * c] = pltpu.async_copy(
                bufs[c], xs_hbm.at[i0_v.at[c]], ssems[2 * c])
            sd[2 * c + 1] = pltpu.async_copy(
                bufs[c], xs_hbm.at[i1_v.at[c]], ssems[2 * c + 1])
        for c in range(2 * _S_NCH):
            sd[c].wait()

    return _sc_scatter


def _expert_body(te_ref, nt_ref, xs_ref, w1_ref, b1_ref, w2_ref, b2_ref,
                 ys_ref):
    @pl.when(pl.program_id(0) < nt_ref[0])
    def _():
        xu = lax.bitcast_convert_type(xs_ref[...], jnp.uint32)
        xlo = lax.bitcast_convert_type(xu << 16, jnp.float32)
        xhi = lax.bitcast_convert_type(xu & jnp.uint32(0xFFFF0000), jnp.float32)
        xg = jnp.concatenate([xlo, xhi], axis=1)
        h = jnp.dot(xg, w1_ref[0], preferred_element_type=jnp.float32)
        h = h + b1_ref[0]
        a = h[:, :FF]
        g = h[:, FF:]
        act = a * (0.5 * g * (1.0 + lax.erf(g / _SQRT2)))
        eo = jnp.dot(act, w2_ref[0], preferred_element_type=jnp.float32)
        eo = eo + b2_ref[0]
        eb = eo.astype(jnp.bfloat16)
        lo32 = lax.bitcast_convert_type(eb[:, :D // 2], jnp.uint16).astype(jnp.uint32)
        hi32 = lax.bitcast_convert_type(eb[:, D // 2:], jnp.uint16).astype(jnp.uint32)
        ys_ref[...] = lax.bitcast_convert_type(lo32 | (hi32 << 16), jnp.int32)


def _experts(xs, fc1_W, fc1_b, fc2_W, fc2_b, tile_expert, num_tiles):
    grid_spec = pltpu.PrefetchScalarGridSpec(
        num_scalar_prefetch=2,
        grid=(MAX_TILES,),
        in_specs=[
            pl.BlockSpec((TILE, D // 2), lambda i, s, n: (i, 0)),
            pl.BlockSpec((1, D, 2 * FF), lambda i, s, n: (s[i], 0, 0)),
            pl.BlockSpec((1, 1, 2 * FF), lambda i, s, n: (s[i], 0, 0)),
            pl.BlockSpec((1, FF, D), lambda i, s, n: (s[i], 0, 0)),
            pl.BlockSpec((1, 1, D), lambda i, s, n: (s[i], 0, 0)),
        ],
        out_specs=pl.BlockSpec((TILE, D // 2), lambda i, s, n: (i, 0)),
    )
    return pl.pallas_call(
        _expert_body,
        grid_spec=grid_spec,
        out_shape=jax.ShapeDtypeStruct((PAD, D // 2), jnp.int32),
        compiler_params=pltpu.CompilerParams(
            dimension_semantics=("arbitrary",),
        ),
    )(tile_expert, num_tiles, xs, fc1_W, fc1_b.reshape(E, 1, 2 * FF), fc2_W,
      fc2_b.reshape(E, 1, D))


_C_TOK = N // NW
_C_CHUNK = 16
_C_VEC = D // 16


@functools.lru_cache(maxsize=None)
def _sc_combine_kernel():
    @functools.partial(
        pl.kernel,
        mesh=_sc_mesh(),
        out_type=jax.ShapeDtypeStruct((N, D), jnp.float32),
        scratch_types=[
            pltpu.VMEM((_C_TOK // _C_CHUNK, _C_CHUNK), jnp.int32),
            pltpu.VMEM((_C_TOK // _C_CHUNK, _C_CHUNK), jnp.int32),
            pltpu.VMEM((_C_TOK,), jnp.float32),
            pltpu.VMEM((_C_TOK,), jnp.float32),
            [pltpu.VMEM((_C_CHUNK, D // 2), jnp.int32)] * (_C_TOK // _C_CHUNK),
            [pltpu.VMEM((_C_CHUNK, D // 2), jnp.int32)] * (_C_TOK // _C_CHUNK),
            [pltpu.VMEM((_C_CHUNK, D), jnp.float32)] * (_C_TOK // _C_CHUNK),
            [pltpu.SemaphoreType.DMA] * (2 * (_C_TOK // _C_CHUNK)),
            [pltpu.SemaphoreType.DMA] * (_C_TOK // _C_CHUNK),
        ],
    )
    def _sc_combine(ys_hbm, d0_hbm, d1_hbm, w0_hbm, w1_hbm, out_hbm,
                    i0_v, i1_v, w0_v, w1_v, r0s, r1s, obufs, gsems, wsems):
        wid = lax.axis_index("s") * 2 + lax.axis_index("c")
        base = wid * _C_TOK
        nch = _C_TOK // _C_CHUNK
        for c in range(nch):
            pltpu.sync_copy(
                d0_hbm.at[pl.ds(base + c * _C_CHUNK, _C_CHUNK)], i0_v.at[c])
            pltpu.sync_copy(
                d1_hbm.at[pl.ds(base + c * _C_CHUNK, _C_CHUNK)], i1_v.at[c])
        pltpu.sync_copy(w0_hbm.at[pl.ds(base, _C_TOK)], w0_v)
        pltpu.sync_copy(w1_hbm.at[pl.ds(base, _C_TOK)], w1_v)
        g0 = {}
        g1 = {}
        for c in range(nch):
            g0[c] = pltpu.async_copy(
                ys_hbm.at[i0_v.at[c]], r0s[c], gsems[2 * c])
            g1[c] = pltpu.async_copy(
                ys_hbm.at[i1_v.at[c]], r1s[c], gsems[2 * c + 1])
        dn = lax.GatherDimensionNumbers(
            offset_dims=(), collapsed_slice_dims=(0,), start_index_map=(0,))
        wd = {}
        for c in range(nch):
            g0[c].wait()
            g1[c].wait()
            wv0 = w0_v[pl.ds(c * _C_CHUNK, 16)]
            wv1 = w1_v[pl.ds(c * _C_CHUNK, 16)]

            def rbody(r, carry, c=c, wv0=wv0, wv1=wv1):
                ridx = jnp.full((16, 1), r, jnp.int32)
                sc0 = lax.gather(wv0, ridx, dn, (1,),
                                 mode=lax.GatherScatterMode.PROMISE_IN_BOUNDS)
                sc1 = lax.gather(wv1, ridx, dn, (1,),
                                 mode=lax.GatherScatterMode.PROMISE_IN_BOUNDS)
                hmask = jnp.full((16,), 0xFFFF0000, jnp.uint32)

                def sbody(j, carry2):
                    col = j * 16
                    au = lax.bitcast_convert_type(
                        r0s[c][r, pl.ds(col, 16)], jnp.uint32)
                    bu = lax.bitcast_convert_type(
                        r1s[c][r, pl.ds(col, 16)], jnp.uint32)
                    alo = lax.bitcast_convert_type(au << 16, jnp.float32)
                    ahi = lax.bitcast_convert_type(au & hmask, jnp.float32)
                    blo = lax.bitcast_convert_type(bu << 16, jnp.float32)
                    bhi = lax.bitcast_convert_type(bu & hmask, jnp.float32)
                    obufs[c][r, pl.ds(col, 16)] = sc0 * alo + sc1 * blo
                    obufs[c][r, pl.ds(D // 2 + col, 16)] = sc0 * ahi + sc1 * bhi
                    return carry2

                lax.fori_loop(0, D // 32, sbody, 0)
                return carry

            lax.fori_loop(0, _C_CHUNK, rbody, 0)
            wd[c] = pltpu.async_copy(
                obufs[c], out_hbm.at[pl.ds(base + c * _C_CHUNK, _C_CHUNK)],
                wsems[c])
        for c in range(nch):
            wd[c].wait()

    return _sc_combine


def kernel(x, gate_W, gate_b, fc1_W, fc1_b, fc2_W, fc2_b):
    Bb, Tt, C = x.shape
    x2d = x.reshape(N, D)
    d0, d1, w0, w1, te, nt, loss, xbf = _gate(x2d, gate_W, gate_b)
    d0 = d0.reshape(N)
    d1 = d1.reshape(N)
    xs = _sc_scatter_kernel()(xbf, d0, d1)
    ys = _experts(xs, fc1_W, fc1_b, fc2_W, fc2_b, te.reshape(MAX_TILES),
                  nt.reshape(1))
    out = _sc_combine_kernel()(ys, d0, d1, w0.reshape(N), w1.reshape(N))
    return out.reshape(Bb, Tt, C), loss.reshape(())

# --- scband reference (transcript-rebuilt; emitter-appended) ---
"""Pipeline reference for scband-mo-elayer-89824946029282 (READ-ONLY COPY).

The authoritative reference and input builder live on the scoring server;
editing this copy changes nothing except your own understanding.
"""

import jax, jax.numpy as jnp
import numpy as np

B, T, DIM = 1, 2048, 768
FF = 512
NUM_EXPERTS = 16
TOP_K = 2
COEFF = 0.01


def setup_inputs(seed: int = 0) -> dict:
    key = jax.random.key(seed)
    ks = jax.random.split(key, 6)
    x = jax.random.normal(ks[0], (B, T, DIM), dtype=jnp.float32)
    gate_W = jax.random.normal(ks[1], (DIM, NUM_EXPERTS), dtype=jnp.float32) * (1.0 / np.sqrt(DIM))
    gate_b = jnp.zeros((NUM_EXPERTS,), dtype=jnp.float32)
    fc1_W = jax.random.normal(ks[2], (NUM_EXPERTS, DIM, 2 * FF), dtype=jnp.float32) * 0.02
    fc1_b = jnp.zeros((NUM_EXPERTS, 2 * FF), dtype=jnp.float32)
    fc2_W = jax.random.normal(ks[3], (NUM_EXPERTS, FF, DIM), dtype=jnp.float32) * 0.02
    fc2_b = jnp.zeros((NUM_EXPERTS, DIM), dtype=jnp.float32)
    return {"x": x, "gate_W": gate_W, "gate_b": gate_b, "fc1_W": fc1_W, "fc1_b": fc1_b, "fc2_W": fc2_W, "fc2_b": fc2_b}


def reference(x, gate_W, gate_b, fc1_W, fc1_b, fc2_W, fc2_b):
    Bb, Tt, C = x.shape
    xr = x.reshape(-1, C)
    N = xr.shape[0]
    gate_logits = xr @ gate_W + gate_b
    weights, indices = jax.lax.top_k(gate_logits, TOP_K)
    weights = jax.nn.softmax(weights.astype(jnp.float32), axis=-1).astype(x.dtype)
    final = jnp.zeros_like(xr)
    for i in range(NUM_EXPERTS):
        # per-token routing weight for expert i (0 if not selected)
        w_i = jnp.sum(jnp.where(indices == i, weights, jnp.zeros_like(weights)), axis=-1)
        h = xr @ fc1_W[i] + fc1_b[i]
        a, g = jnp.split(h, 2, axis=-1)
        act = a * jax.nn.gelu(g, approximate=False)
        eo = act @ fc2_W[i] + fc2_b[i]
        final = final + eo * w_i[:, None]
    router_probs = jax.nn.softmax(gate_logits.astype(jnp.float32), axis=-1)
    chosen = jnp.zeros_like(router_probs).at[jnp.arange(N)[:, None], indices].set(1.0)
    fraction_tokens_per_expert = chosen.mean(axis=0)
    mean_router_probs_per_expert = router_probs.mean(axis=0)
    load_balancing_loss = COEFF * NUM_EXPERTS * jnp.sum(fraction_tokens_per_expert * mean_router_probs_per_expert)
    return final.reshape(Bb, Tt, C), load_balancing_loss

if __name__ == "__main__":
    import jax
    _d = setup_inputs()
    print(jax.jit(kernel)(*tuple(_d.values())))

</pallas_src>

<mosaic_0001>
#map = affine_map<(d0, d1) -> (0, 0)>
#map1 = affine_map<(d0, d1) -> (0)>
module attributes {stable_mosaic.version = 14 : i64} {
  func.func @_sc_scatter(%arg0: i32, %arg1: i32, %arg2: memref<2048x384xi32, #tpu.memory_space<hbm>>, %arg3: memref<2048xi32, #tpu.memory_space<hbm>>, %arg4: memref<2048xi32, #tpu.memory_space<hbm>>, %arg5: memref<6144x384xi32, #tpu.memory_space<hbm>>, %arg6: memref<2x32xi32, #tpu.memory_space<vmem>>, %arg7: memref<2x32xi32, #tpu.memory_space<vmem>>, %arg8: memref<32x384xi32, #tpu.memory_space<vmem>>, %arg9: memref<32x384xi32, #tpu.memory_space<vmem>>, %arg10: memref<!tpu.dma_semaphore, #tpu.memory_space<semaphore_mem>>, %arg11: memref<!tpu.dma_semaphore, #tpu.memory_space<semaphore_mem>>, %arg12: memref<!tpu.dma_semaphore, #tpu.memory_space<semaphore_mem>>, %arg13: memref<!tpu.dma_semaphore, #tpu.memory_space<semaphore_mem>>, %arg14: memref<!tpu.dma_semaphore, #tpu.memory_space<semaphore_mem>>, %arg15: memref<!tpu.dma_semaphore, #tpu.memory_space<semaphore_mem>>) attributes {dimension_semantics = [#tpu.dimension_semantics<core_parallel>, #tpu.dimension_semantics<subcore_parallel>], iteration_bounds = array<i64: 2, 16>, scalar_prefetch = 0 : i64, scratch_operands = 10 : i64, tpu.core_type = #tpu.core_type<sc_vector_subcore>, window_params = [{transform_indices = #map}, {transform_indices = #map1}, {transform_indices = #map1}, {transform_indices = #map}]} {
    %mul3A = arith.constant 2 : i32
    %mul3A_0 = arith.muli %arg1, %mul3A : i32
    %add3A = arith.addi %mul3A_0, %arg0 : i32
    %mul3A_1 = arith.constant 64 : i32
    %mul3A_2 = arith.muli %add3A, %mul3A_1 : i32
    %add3A_3 = arith.constant 0 : i32
    %add3A_4 = arith.addi %mul3A_2, %add3A_3 : i32
    %run_scoped3A = arith.constant 0 : i32
    "tpu.region"() ({
      %run_scoped3A_88 = tpu.sem_alloc : memref<!tpu.dma_semaphore, #tpu.memory_space<semaphore_mem>>
      %dma_start3A_89 = arith.constant 0 : i32
      %dma_start3A_90 = tpu.memref_slice %arg6[%run_scoped3A, %dma_start3A_89] : memref<2x32xi32, #tpu.memory_space<vmem>> -> memref<1x32xi32, #tpu.memory_space<vmem>>
      %dma_start3A_91 = tpu.memref_squeeze %dma_start3A_90 : memref<1x32xi32, #tpu.memory_space<vmem>> -> memref<32xi32, #tpu.memory_space<vmem>>
      %dma_start3A_92 = tpu.memref_slice %arg3[%add3A_4] : memref<2048xi32, #tpu.memory_space<hbm>> -> memref<32xi32, #tpu.memory_space<hbm>>
      %dma_start3A_93 = arith.constant 0 : i32
      %dma_start3A_94 = tpu.memref_slice %arg6[%run_scoped3A, %dma_start3A_93] : memref<2x32xi32, #tpu.memory_space<vmem>> -> memref<1x32xi32, #tpu.memory_space<vmem>>
      %dma_start3A_95 = tpu.memref_squeeze %dma_start3A_94 : memref<1x32xi32, #tpu.memory_space<vmem>> -> memref<32xi32, #tpu.memory_space<vmem>>
      %dma_start3A_96 = tpu.memref_slice %arg3[%add3A_4] : memref<2048xi32, #tpu.memory_space<hbm>> -> memref<32xi32, #tpu.memory_space<hbm>>
      tpu.enqueue_dma source(%dma_start3A_96 : memref<32xi32, #tpu.memory_space<hbm>>) target(%dma_start3A_95 : memref<32xi32, #tpu.memory_space<vmem>>) target_semaphore(%run_scoped3A_88 : memref<!tpu.dma_semaphore, #tpu.memory_space<semaphore_mem>>)
      %dma_wait3A_97 = arith.constant 0 : i32
      %dma_wait3A_98 = tpu.memref_slice %arg6[%run_scoped3A, %dma_wait3A_97] : memref<2x32xi32, #tpu.memory_space<vmem>> -> memref<1x32xi32, #tpu.memory_space<vmem>>
      %dma_wait3A_99 = tpu.memref_squeeze %dma_wait3A_98 : memref<1x32xi32, #tpu.memory_space<vmem>> -> memref<32xi32, #tpu.memory_space<vmem>>
      %dma_wait3A_100 = tpu.memref_slice %arg3[%add3A_4] : memref<2048xi32, #tpu.memory_space<hbm>> -> memref<32xi32, #tpu.memory_space<hbm>>
      %dma_wait3A_101 = arith.constant 0 : i32
      %dma_wait3A_102 = tpu.memref_slice %arg6[%run_scoped3A, %dma_wait3A_101] : memref<2x32xi32, #tpu.memory_space<vmem>> -> memref<1x32xi32, #tpu.memory_space<vmem>>
      %dma_wait3A_103 = tpu.memref_squeeze %dma_wait3A_102 : memref<1x32xi32, #tpu.memory_space<vmem>> -> memref<32xi32, #tpu.memory_space<vmem>>
      %dma_wait3A_104 = tpu.memref_slice %arg3[%add3A_4] : memref<2048xi32, #tpu.memory_space<hbm>> -> memref<32xi32, #tpu.memory_space<hbm>>
      tpu.wait_dma2 semaphore(%run_scoped3A_88 : memref<!tpu.dma_semaphore, #tpu.memory_space<semaphore_mem>>) src(%dma_wait3A_104 : memref<32xi32, #tpu.memory_space<hbm>>) dst(%dma_wait3A_103 : memref<32xi32, #tpu.memory_space<vmem>>)
      tpu.yield
    }) : () -> ()
    %add3A_5 = arith.constant 0 : i32
    %add3A_6 = arith.addi %mul3A_2, %add3A_5 : i32
    %run_scoped3A_7 = arith.constant 0 : i32
    "tpu.region"() ({
      %run_scoped3A_88 = tpu.sem_alloc : memref<!tpu.dma_semaphore, #tpu.memory_space<semaphore_mem>>
      %dma_start3A_89 = arith.constant 0 : i32
      %dma_start3A_90 = tpu.memref_slice %arg7[%run_scoped3A_7, %dma_start3A_89] : memref<2x32xi32, #tpu.memory_space<vmem>> -> memref<1x32xi32, #tpu.memory_space<vmem>>
      %dma_start3A_91 = tpu.memref_squeeze %dma_start3A_90 : memref<1x32xi32, #tpu.memory_space<vmem>> -> memref<32xi32, #tpu.memory_space<vmem>>
      %dma_start3A_92 = tpu.memref_slice %arg4[%add3A_6] : memref<2048xi32, #tpu.memory_space<hbm>> -> memref<32xi32, #tpu.memory_space<hbm>>
      %dma_start3A_93 = arith.constant 0 : i32
      %dma_start3A_94 = tpu.memref_slice %arg7[%run_scoped3A_7, %dma_start3A_93] : memref<2x32xi32, #tpu.memory_space<vmem>> -> memref<1x32xi32, #tpu.memory_space<vmem>>
      %dma_start3A_95 = tpu.memref_squeeze %dma_start3A_94 : memref<1x32xi32, #tpu.memory_space<vmem>> -> memref<32xi32, #tpu.memory_space<vmem>>
      %dma_start3A_96 = tpu.memref_slice %arg4[%add3A_6] : memref<2048xi32, #tpu.memory_space<hbm>> -> memref<32xi32, #tpu.memory_space<hbm>>
      tpu.enqueue_dma source(%dma_start3A_96 : memref<32xi32, #tpu.memory_space<hbm>>) target(%dma_start3A_95 : memref<32xi32, #tpu.memory_space<vmem>>) target_semaphore(%run_scoped3A_88 : memref<!tpu.dma_semaphore, #tpu.memory_space<semaphore_mem>>)
      %dma_wait3A_97 = arith.constant 0 : i32
      %dma_wait3A_98 = tpu.memref_slice %arg7[%run_scoped3A_7, %dma_wait3A_97] : memref<2x32xi32, #tpu.memory_space<vmem>> -> memref<1x32xi32, #tpu.memory_space<vmem>>
      %dma_wait3A_99 = tpu.memref_squeeze %dma_wait3A_98 : memref<1x32xi32, #tpu.memory_space<vmem>> -> memref<32xi32, #tpu.memory_space<vmem>>
      %dma_wait3A_100 = tpu.memref_slice %arg4[%add3A_6] : memref<2048xi32, #tpu.memory_space<hbm>> -> memref<32xi32, #tpu.memory_space<hbm>>
      %dma_wait3A_101 = arith.constant 0 : i32
      %dma_wait3A_102 = tpu.memref_slice %arg7[%run_scoped3A_7, %dma_wait3A_101] : memref<2x32xi32, #tpu.memory_space<vmem>> -> memref<1x32xi32, #tpu.memory_space<vmem>>
      %dma_wait3A_103 = tpu.memref_squeeze %dma_wait3A_102 : memref<1x32xi32, #tpu.memory_space<vmem>> -> memref<32xi32, #tpu.memory_space<vmem>>
      %dma_wait3A_104 = tpu.memref_slice %arg4[%add3A_6] : memref<2048xi32, #tpu.memory_space<hbm>> -> memref<32xi32, #tpu.memory_space<hbm>>
      tpu.wait_dma2 semaphore(%run_scoped3A_88 : memref<!tpu.dma_semaphore, #tpu.memory_space<semaphore_mem>>) src(%dma_wait3A_104 : memref<32xi32, #tpu.memory_space<hbm>>) dst(%dma_wait3A_103 : memref<32xi32, #tpu.memory_space<vmem>>)
      tpu.yield
    }) : () -> ()
    %add3A_8 = arith.constant 32 : i32
    %add3A_9 = arith.addi %mul3A_2, %add3A_8 : i32
    %run_scoped3A_10 = arith.constant 1 : i32
    "tpu.region"() ({
      %run_scoped3A_88 = tpu.sem_alloc : memref<!tpu.dma_semaphore, #tpu.memory_space<semaphore_mem>>
      %dma_start3A_89 = arith.constant 0 : i32
      %dma_start3A_90 = tpu.memref_slice %arg6[%run_scoped3A_10, %dma_start3A_89] : memref<2x32xi32, #tpu.memory_space<vmem>> -> memref<1x32xi32, #tpu.memory_space<vmem>>
      %dma_start3A_91 = tpu.memref_squeeze %dma_start3A_90 : memref<1x32xi32, #tpu.memory_space<vmem>> -> memref<32xi32, #tpu.memory_space<vmem>>
      %dma_start3A_92 = tpu.memref_slice %arg3[%add3A_9] : memref<2048xi32, #tpu.memory_space<hbm>> -> memref<32xi32, #tpu.memory_space<hbm>>
      %dma_start3A_93 = arith.constant 0 : i32
      %dma_start3A_94 = tpu.memref_slice %arg6[%run_scoped3A_10, %dma_start3A_93] : memref<2x32xi32, #tpu.memory_space<vmem>> -> memref<1x32xi32, #tpu.memory_space<vmem>>
      %dma_start3A_95 = tpu.memref_squeeze %dma_start3A_94 : memref<1x32xi32, #tpu.memory_space<vmem>> -> memref<32xi32, #tpu.memory_space<vmem>>
      %dma_start3A_96 = tpu.memref_slice %arg3[%add3A_9] : memref<2048xi32, #tpu.memory_space<hbm>> -> memref<32xi32, #tpu.memory_space<hbm>>
      tpu.enqueue_dma source(%dma_start3A_96 : memref<32xi32, #tpu.memory_space<hbm>>) target(%dma_start3A_95 : memref<32xi32, #tpu.memory_space<vmem>>) target_semaphore(%run_scoped3A_88 : memref<!tpu.dma_semaphore, #tpu.memory_space<semaphore_mem>>)
      %dma_wait3A_97 = arith.constant 0 : i32
      %dma_wait3A_98 = tpu.memref_slice %arg6[%run_scoped3A_10, %dma_wait3A_97] : memref<2x32xi32, #tpu.memory_space<vmem>> -> memref<1x32xi32, #tpu.memory_space<vmem>>
      %dma_wait3A_99 = tpu.memref_squeeze %dma_wait3A_98 : memref<1x32xi32, #tpu.memory_space<vmem>> -> memref<32xi32, #tpu.memory_space<vmem>>
      %dma_wait3A_100 = tpu.memref_slice %arg3[%add3A_9] : memref<2048xi32, #tpu.memory_space<hbm>> -> memref<32xi32, #tpu.memory_space<hbm>>
      %dma_wait3A_101 = arith.constant 0 : i32
      %dma_wait3A_102 = tpu.memref_slice %arg6[%run_scoped3A_10, %dma_wait3A_101] : memref<2x32xi32, #tpu.memory_space<vmem>> -> memref<1x32xi32, #tpu.memory_space<vmem>>
      %dma_wait3A_103 = tpu.memref_squeeze %dma_wait3A_102 : memref<1x32xi32, #tpu.memory_space<vmem>> -> memref<32xi32, #tpu.memory_space<vmem>>
      %dma_wait3A_104 = tpu.memref_slice %arg3[%add3A_9] : memref<2048xi32, #tpu.memory_space<hbm>> -> memref<32xi32, #tpu.memory_space<hbm>>
      tpu.wait_dma2 semaphore(%run_scoped3A_88 : memref<!tpu.dma_semaphore, #tpu.memory_space<semaphore_mem>>) src(%dma_wait3A_104 : memref<32xi32, #tpu.memory_space<hbm>>) dst(%dma_wait3A_103 : memref<32xi32, #tpu.memory_space<vmem>>)
      tpu.yield
    }) : () -> ()
    %add3A_11 = arith.constant 32 : i32
    %add3A_12 = arith.addi %mul3A_2, %add3A_11 : i32
    %run_scoped3A_13 = arith.constant 1 : i32
    "tpu.region"() ({
      %run_scoped3A_88 = tpu.sem_alloc : memref<!tpu.dma_semaphore, #tpu.memory_space<semaphore_mem>>
      %dma_start3A_89 = arith.constant 0 : i32
      %dma_start3A_90 = tpu.memref_slice %arg7[%run_scoped3A_13, %dma_start3A_89] : memref<2x32xi32, #tpu.memory_space<vmem>> -> memref<1x32xi32, #tpu.memory_space<vmem>>
      %dma_start3A_91 = tpu.memref_squeeze %dma_start3A_90 : memref<1x32xi32, #tpu.memory_space<vmem>> -> memref<32xi32, #tpu.memory_space<vmem>>
      %dma_start3A_92 = tpu.memref_slice %arg4[%add3A_12] : memref<2048xi32, #tpu.memory_space<hbm>> -> memref<32xi32, #tpu.memory_space<hbm>>
      %dma_start3A_93 = arith.constant 0 : i32
      %dma_start3A_94 = tpu.memref_slice %arg7[%run_scoped3A_13, %dma_start3A_93] : memref<2x32xi32, #tpu.memory_space<vmem>> -> memref<1x32xi32, #tpu.memory_space<vmem>>
      %dma_start3A_95 = tpu.memref_squeeze %dma_start3A_94 : memref<1x32xi32, #tpu.memory_space<vmem>> -> memref<32xi32, #tpu.memory_space<vmem>>
      %dma_start3A_96 = tpu.memref_slice %arg4[%add3A_12] : memref<2048xi32, #tpu.memory_space<hbm>> -> memref<32xi32, #tpu.memory_space<hbm>>
      tpu.enqueue_dma source(%dma_start3A_96 : memref<32xi32, #tpu.memory_space<hbm>>) target(%dma_start3A_95 : memref<32xi32, #tpu.memory_space<vmem>>) target_semaphore(%run_scoped3A_88 : memref<!tpu.dma_semaphore, #tpu.memory_space<semaphore_mem>>)
      %dma_wait3A_97 = arith.constant 0 : i32
      %dma_wait3A_98 = tpu.memref_slice %arg7[%run_scoped3A_13, %dma_wait3A_97] : memref<2x32xi32, #tpu.memory_space<vmem>> -> memref<1x32xi32, #tpu.memory_space<vmem>>
      %dma_wait3A_99 = tpu.memref_squeeze %dma_wait3A_98 : memref<1x32xi32, #tpu.memory_space<vmem>> -> memref<32xi32, #tpu.memory_space<vmem>>
      %dma_wait3A_100 = tpu.memref_slice %arg4[%add3A_12] : memref<2048xi32, #tpu.memory_space<hbm>> -> memref<32xi32, #tpu.memory_space<hbm>>
      %dma_wait3A_101 = arith.constant 0 : i32
      %dma_wait3A_102 = tpu.memref_slice %arg7[%run_scoped3A_13, %dma_wait3A_101] : memref<2x32xi32, #tpu.memory_space<vmem>> -> memref<1x32xi32, #tpu.memory_space<vmem>>
      %dma_wait3A_103 = tpu.memref_squeeze %dma_wait3A_102 : memref<1x32xi32, #tpu.memory_space<vmem>> -> memref<32xi32, #tpu.memory_space<vmem>>
      %dma_wait3A_104 = tpu.memref_slice %arg4[%add3A_12] : memref<2048xi32, #tpu.memory_space<hbm>> -> memref<32xi32, #tpu.memory_space<hbm>>
      tpu.wait_dma2 semaphore(%run_scoped3A_88 : memref<!tpu.dma_semaphore, #tpu.memory_space<semaphore_mem>>) src(%dma_wait3A_104 : memref<32xi32, #tpu.memory_space<hbm>>) dst(%dma_wait3A_103 : memref<32xi32, #tpu.memory_space<vmem>>)
      tpu.yield
    }) : () -> ()
    %add3A_14 = arith.constant 0 : i32
    %add3A_15 = arith.addi %mul3A_2, %add3A_14 : i32
    %dma_start3A = arith.constant 0 : i32
    %dma_start3A_16 = tpu.memref_slice %arg2[%add3A_15, %dma_start3A] : memref<2048x384xi32, #tpu.memory_space<hbm>> -> memref<32x384xi32, #tpu.memory_space<hbm>>
    %dma_start3A_17 = arith.constant 0 : i32
    %dma_start3A_18 = tpu.memref_slice %arg2[%add3A_15, %dma_start3A_17] : memref<2048x384xi32, #tpu.memory_space<hbm>> -> memref<32x384xi32, #tpu.memory_space<hbm>>
    tpu.enqueue_dma source(%dma_start3A_18 : memref<32x384xi32, #tpu.memory_space<hbm>>) target(%arg8 : memref<32x384xi32, #tpu.memory_space<vmem>>) target_semaphore(%arg10 : memref<!tpu.dma_semaphore, #tpu.memory_space<semaphore_mem>>)
    %add3A_19 = arith.constant 32 : i32
    %add3A_20 = arith.addi %mul3A_2, %add3A_19 : i32
    %dma_start3A_21 = arith.constant 0 : i32
    %dma_start3A_22 = tpu.memref_slice %arg2[%add3A_20, %dma_start3A_21] : memref<2048x384xi32, #tpu.memory_space<hbm>> -> memref<32x384xi32, #tpu.memory_space<hbm>>
    %dma_start3A_23 = arith.constant 0 : i32
    %dma_start3A_24 = tpu.memref_slice %arg2[%add3A_20, %dma_start3A_23] : memref<2048x384xi32, #tpu.memory_space<hbm>> -> memref<32x384xi32, #tpu.memory_space<hbm>>
    tpu.enqueue_dma source(%dma_start3A_24 : memref<32x384xi32, #tpu.memory_space<hbm>>) target(%arg9 : memref<32x384xi32, #tpu.memory_space<vmem>>) target_semaphore(%arg11 : memref<!tpu.dma_semaphore, #tpu.memory_space<semaphore_mem>>)
    %dma_wait3A = arith.constant 0 : i32
    %dma_wait3A_25 = tpu.memref_slice %arg2[%add3A_15, %dma_wait3A] : memref<2048x384xi32, #tpu.memory_space<hbm>> -> memref<32x384xi32, #tpu.memory_space<hbm>>
    %dma_wait3A_26 = arith.constant 0 : i32
    %dma_wait3A_27 = tpu.memref_slice %arg2[%add3A_15, %dma_wait3A_26] : memref<2048x384xi32, #tpu.memory_space<hbm>> -> memref<32x384xi32, #tpu.memory_space<hbm>>
    tpu.wait_dma2 semaphore(%arg10 : memref<!tpu.dma_semaphore, #tpu.memory_space<semaphore_mem>>) src(%dma_wait3A_27 : memref<32x384xi32, #tpu.memory_space<hbm>>) dst(%arg8 : memref<32x384xi32, #tpu.memory_space<vmem>>)
    %dma_start3A_28 = arith.constant 0 : i32
    %dma_start3A_29 = arith.constant 0 : i32
    %dma_start3A_30 = tpu.memref_slice %arg6[%dma_start3A_28, %dma_start3A_29] : memref<2x32xi32, #tpu.memory_space<vmem>> -> memref<1x32xi32, #tpu.memory_space<vmem>>
    %dma_start3A_31 = tpu.memref_squeeze %dma_start3A_30 : memref<1x32xi32, #tpu.memory_space<vmem>> -> memref<32xi32, #tpu.memory_space<vmem>>
    %dma_start3A_32 = arith.constant 0 : i32
    %dma_start3A_33 = arith.constant 0 : i32
    %dma_start3A_34 = tpu.memref_slice %arg5[%dma_start3A_32, %dma_start3A_33] : memref<6144x384xi32, #tpu.memory_space<hbm>> -> memref<6144x384xi32, #tpu.memory_space<hbm>>
    tpu.enqueue_indirect_dma source(%arg8 : memref<32x384xi32, #tpu.memory_space<vmem>>) target(%dma_start3A_34 : memref<6144x384xi32, #tpu.memory_space<hbm>>) offsets(%dma_start3A_31 : memref<32xi32, #tpu.memory_space<vmem>>) semaphore(%arg12 : memref<!tpu.dma_semaphore, #tpu.memory_space<semaphore_mem>>)
    %dma_start3A_35 = arith.constant 0 : i32
    %dma_start3A_36 = arith.constant 0 : i32
    %dma_start3A_37 = tpu.memref_slice %arg7[%dma_start3A_35, %dma_start3A_36] : memref<2x32xi32, #tpu.memory_space<vmem>> -> memref<1x32xi32, #tpu.memory_space<vmem>>
    %dma_start3A_38 = tpu.memref_squeeze %dma_start3A_37 : memref<1x32xi32, #tpu.memory_space<vmem>> -> memref<32xi32, #tpu.memory_space<vmem>>
    %dma_start3A_39 = arith.constant 0 : i32
    %dma_start3A_40 = arith.constant 0 : i32
    %dma_start3A_41 = tpu.memref_slice %arg5[%dma_start3A_39, %dma_start3A_40] : memref<6144x384xi32, #tpu.memory_space<hbm>> -> memref<6144x384xi32, #tpu.memory_space<hbm>>
    tpu.enqueue_indirect_dma source(%arg8 : memref<32x384xi32, #tpu.memory_space<vmem>>) target(%dma_start3A_41 : memref<6144x384xi32, #tpu.memory_space<hbm>>) offsets(%dma_start3A_38 : memref<32xi32, #tpu.memory_space<vmem>>) semaphore(%arg13 : memref<!tpu.dma_semaphore, #tpu.memory_space<semaphore_mem>>)
    %dma_wait3A_42 = arith.constant 0 : i32
    %dma_wait3A_43 = tpu.memref_slice %arg2[%add3A_20, %dma_wait3A_42] : memref<2048x384xi32, #tpu.memory_space<hbm>> -> memref<32x384xi32, #tpu.memory_space<hbm>>
    %dma_wait3A_44 = arith.constant 0 : i32
    %dma_wait3A_45 = tpu.memref_slice %arg2[%add3A_20, %dma_wait3A_44] : memref<2048x384xi32, #tpu.memory_space<hbm>> -> memref<32x384xi32, #tpu.memory_space<hbm>>
    tpu.wait_dma2 semaphore(%arg11 : memref<!tpu.dma_semaphore, #tpu.memory_space<semaphore_mem>>) src(%dma_wait3A_45 : memref<32x384xi32, #tpu.memory_space<hbm>>) dst(%arg9 : memref<32x384xi32, #tpu.memory_space<vmem>>)
    %dma_start3A_46 = arith.constant 1 : i32
    %dma_start3A_47 = arith.constant 0 : i32
    %dma_start3A_48 = tpu.memref_slice %arg6[%dma_start3A_46, %dma_start3A_47] : memref<2x32xi32, #tpu.memory_space<vmem>> -> memref<1x32xi32, #tpu.memory_space<vmem>>
    %dma_start3A_49 = tpu.memref_squeeze %dma_start3A_48 : memref<1x32xi32, #tpu.memory_space<vmem>> -> memref<32xi32, #tpu.memory_space<vmem>>
    %dma_start3A_50 = arith.constant 0 : i32
    %dma_start3A_51 = arith.constant 0 : i32
    %dma_start3A_52 = tpu.memref_slice %arg5[%dma_start3A_50, %dma_start3A_51] : memref<6144x384xi32, #tpu.memory_space<hbm>> -> memref<6144x384xi32, #tpu.memory_space<hbm>>
    tpu.enqueue_indirect_dma source(%arg9 : memref<32x384xi32, #tpu.memory_space<vmem>>) target(%dma_start3A_52 : memref<6144x384xi32, #tpu.memory_space<hbm>>) offsets(%dma_start3A_49 : memref<32xi32, #tpu.memory_space<vmem>>) semaphore(%arg14 : memref<!tpu.dma_semaphore, #tpu.memory_space<semaphore_mem>>)
    %dma_start3A_53 = arith.constant 1 : i32
    %dma_start3A_54 = arith.constant 0 : i32
    %dma_start3A_55 = tpu.memref_slice %arg7[%dma_start3A_53, %dma_start3A_54] : memref<2x32xi32, #tpu.memory_space<vmem>> -> memref<1x32xi32, #tpu.memory_space<vmem>>
    %dma_start3A_56 = tpu.memref_squeeze %dma_start3A_55 : memref<1x32xi32, #tpu.memory_space<vmem>> -> memref<32xi32, #tpu.memory_space<vmem>>
    %dma_start3A_57 = arith.constant 0 : i32
    %dma_start3A_58 = arith.constant 0 : i32
    %dma_start3A_59 = tpu.memref_slice %arg5[%dma_start3A_57, %dma_start3A_58] : memref<6144x384xi32, #tpu.memory_space<hbm>> -> memref<6144x384xi32, #tpu.memory_space<hbm>>
    tpu.enqueue_indirect_dma source(%arg9 : memref<32x384xi32, #tpu.memory_space<vmem>>) target(%dma_start3A_59 : memref<6144x384xi32, #tpu.memory_space<hbm>>) offsets(%dma_start3A_56 : memref<32xi32, #tpu.memory_space<vmem>>) semaphore(%arg15 : memref<!tpu.dma_semaphore, #tpu.memory_space<semaphore_mem>>)
    %dma_wait3A_60 = arith.constant 0 : i32
    %dma_wait3A_61 = arith.constant 0 : i32
    %dma_wait3A_62 = tpu.memref_slice %arg6[%dma_wait3A_60, %dma_wait3A_61] : memref<2x32xi32, #tpu.memory_space<vmem>> -> memref<1x32xi32, #tpu.memory_space<vmem>>
    %dma_wait3A_63 = tpu.memref_squeeze %dma_wait3A_62 : memref<1x32xi32, #tpu.memory_space<vmem>> -> memref<32xi32, #tpu.memory_space<vmem>>
    %dma_wait3A_64 = arith.constant 0 : i32
    %dma_wait3A_65 = arith.constant 0 : i32
    %dma_wait3A_66 = tpu.memref_slice %arg5[%dma_wait3A_64, %dma_wait3A_65] : memref<6144x384xi32, #tpu.memory_space<hbm>> -> memref<6144x384xi32, #tpu.memory_space<hbm>>
    tpu.wait_indirect_dma semaphore(%arg12 : memref<!tpu.dma_semaphore, #tpu.memory_space<semaphore_mem>>) src(%arg8 : memref<32x384xi32, #tpu.memory_space<vmem>>) dst(%dma_wait3A_66 : memref<6144x384xi32, #tpu.memory_space<hbm>>)
    %dma_wait3A_67 = arith.constant 0 : i32
    %dma_wait3A_68 = arith.constant 0 : i32
    %dma_wait3A_69 = tpu.memref_slice %arg7[%dma_wait3A_67, %dma_wait3A_68] : memref<2x32xi32, #tpu.memory_space<vmem>> -> memref<1x32xi32, #tpu.memory_space<vmem>>
    %dma_wait3A_70 = tpu.memref_squeeze %dma_wait3A_69 : memref<1x32xi32, #tpu.memory_space<vmem>> -> memref<32xi32, #tpu.memory_space<vmem>>
    %dma_wait3A_71 = arith.constant 0 : i32
    %dma_wait3A_72 = arith.constant 0 : i32
    %dma_wait3A_73 = tpu.memref_slice %arg5[%dma_wait3A_71, %dma_wait3A_72] : memref<6144x384xi32, #tpu.memory_space<hbm>> -> memref<6144x384xi32, #tpu.memory_space<hbm>>
    tpu.wait_indirect_dma semaphore(%arg13 : memref<!tpu.dma_semaphore, #tpu.memory_space<semaphore_mem>>) src(%arg8 : memref<32x384xi32, #tpu.memory_space<vmem>>) dst(%dma_wait3A_73 : memref<6144x384xi32, #tpu.memory_space<hbm>>)
    %dma_wait3A_74 = arith.constant 1 : i32
    %dma_wait3A_75 = arith.constant 0 : i32
    %dma_wait3A_76 = tpu.memref_slice %arg6[%dma_wait3A_74, %dma_wait3A_75] : memref<2x32xi32, #tpu.memory_space<vmem>> -> memref<1x32xi32, #tpu.memory_space<vmem>>
    %dma_wait3A_77 = tpu.memref_squeeze %dma_wait3A_76 : memref<1x32xi32, #tpu.memory_space<vmem>> -> memref<32xi32, #tpu.memory_space<vmem>>
    %dma_wait3A_78 = arith.constant 0 : i32
    %dma_wait3A_79 = arith.constant 0 : i32
    %dma_wait3A_80 = tpu.memref_slice %arg5[%dma_wait3A_78, %dma_wait3A_79] : memref<6144x384xi32, #tpu.memory_space<hbm>> -> memref<6144x384xi32, #tpu.memory_space<hbm>>
    tpu.wait_indirect_dma semaphore(%arg14 : memref<!tpu.dma_semaphore, #tpu.memory_space<semaphore_mem>>) src(%arg9 : memref<32x384xi32, #tpu.memory_space<vmem>>) dst(%dma_wait3A_80 : memref<6144x384xi32, #tpu.memory_space<hbm>>)
    %dma_wait3A_81 = arith.constant 1 : i32
    %dma_wait3A_82 = arith.constant 0 : i32
    %dma_wait3A_83 = tpu.memref_slice %arg7[%dma_wait3A_81, %dma_wait3A_82] : memref<2x32xi32, #tpu.memory_space<vmem>> -> memref<1x32xi32, #tpu.memory_space<vmem>>
    %dma_wait3A_84 = tpu.memref_squeeze %dma_wait3A_83 : memref<1x32xi32, #tpu.memory_space<vmem>> -> memref<32xi32, #tpu.memory_space<vmem>>
    %dma_wait3A_85 = arith.constant 0 : i32
    %dma_wait3A_86 = arith.constant 0 : i32
    %dma_wait3A_87 = tpu.memref_slice %arg5[%dma_wait3A_85, %dma_wait3A_86] : memref<6144x384xi32, #tpu.memory_space<hbm>> -> memref<6144x384xi32, #tpu.memory_space<hbm>>
    tpu.wait_indirect_dma semaphore(%arg15 : memref<!tpu.dma_semaphore, #tpu.memory_space<semaphore_mem>>) src(%arg9 : memref<32x384xi32, #tpu.memory_space<vmem>>) dst(%dma_wait3A_87 : memref<6144x384xi32, #tpu.memory_space<hbm>>)
    return
  }
}

#map = affine_map<(d0, d1) -> (0, 0)>
#map1 = affine_map<(d0, d1) -> (0)>
module attributes {stable_mosaic.version = 14 : i64} {
  func.func @_sc_combine(%arg0: i32, %arg1: i32, %arg2: memref<6144x384xi32, #tpu.memory_space<hbm>>, %arg3: memref<2048xi32, #tpu.memory_space<hbm>>, %arg4: memref<2048xi32, #tpu.memory_space<hbm>>, %arg5: memref<2048xf32, #tpu.memory_space<hbm>>, %arg6: memref<2048xf32, #tpu.memory_space<hbm>>, %arg7: memref<2048x768xf32, #tpu.memory_space<hbm>>, %arg8: memref<4x16xi32, #tpu.memory_space<vmem>>, %arg9: memref<4x16xi32, #tpu.memory_space<vmem>>, %arg10: memref<64xf32, #tpu.memory_space<vmem>>, %arg11: memref<64xf32, #tpu.memory_space<vmem>>, %arg12: memref<16x384xi32, #tpu.memory_space<vmem>>, %arg13: memref<16x384xi32, #tpu.memory_space<vmem>>, %arg14: memref<16x384xi32, #tpu.memory_space<vmem>>, %arg15: memref<16x384xi32, #tpu.memory_space<vmem>>, %arg16: memref<16x384xi32, #tpu.memory_space<vmem>>, %arg17: memref<16x384xi32, #tpu.memory_space<vmem>>, %arg18: memref<16x384xi32, #tpu.memory_space<vmem>>, %arg19: memref<16x384xi32, #tpu.memory_space<vmem>>, %arg20: memref<16x768xf32, #tpu.memory_space<vmem>>, %arg21: memref<16x768xf32, #tpu.memory_space<vmem>>, %arg22: memref<16x768xf32, #tpu.memory_space<vmem>>, %arg23: memref<16x768xf32, #tpu.memory_space<vmem>>, %arg24: memref<!tpu.dma_semaphore, #tpu.memory_space<semaphore_mem>>, %arg25: memref<!tpu.dma_semaphore, #tpu.memory_space<semaphore_mem>>, %arg26: memref<!tpu.dma_semaphore, #tpu.memory_space<semaphore_mem>>, %arg27: memref<!tpu.dma_semaphore, #tpu.memory_space<semaphore_mem>>, %arg28: memref<!tpu.dma_semaphore, #tpu.memory_space<semaphore_mem>>, %arg29: memref<!tpu.dma_semaphore, #tpu.memory_space<semaphore_mem>>, %arg30: memref<!tpu.dma_semaphore, #tpu.memory_space<semaphore_mem>>, %arg31: memref<!tpu.dma_semaphore, #tpu.memory_space<semaphore_mem>>, %arg32: memref<!tpu.dma_semaphore, #tpu.memory_space<semaphore_mem>>, %arg33: memref<!tpu.dma_semaphore, #tpu.memory_space<semaphore_mem>>, %arg34: memref<!tpu.dma_semaphore, #tpu.memory_space<semaphore_mem>>, %arg35: memref<!tpu.dma_semaphore, #tpu.memory_space<semaphore_mem>>) attributes {dimension_semantics = [#tpu.dimension_semantics<core_parallel>, #tpu.dimension_semantics<subcore_parallel>], iteration_bounds = array<i64: 2, 16>, scalar_prefetch = 0 : i64, scratch_operands = 28 : i64, tpu.core_type = #tpu.core_type<sc_vector_subcore>, window_params = [{transform_indices = #map}, {transform_indices = #map1}, {transform_indices = #map1}, {transform_indices = #map1}, {transform_indices = #map1}, {transform_indices = #map}]} {
    %mul3A = arith.constant 2 : i32
    %mul3A_0 = arith.muli %arg1, %mul3A : i32
    %add3A = arith.addi %mul3A_0, %arg0 : i32
    %mul3A_1 = arith.constant 64 : i32
    %mul3A_2 = arith.muli %add3A, %mul3A_1 : i32
    %add3A_3 = arith.constant 0 : i32
    %add3A_4 = arith.addi %mul3A_2, %add3A_3 : i32
    %run_scoped3A = arith.constant 0 : i32
    "tpu.region"() ({
      %run_scoped3A_222 = tpu.sem_alloc : memref<!tpu.dma_semaphore, #tpu.memory_space<semaphore_mem>>
      %dma_start3A_223 = arith.constant 0 : i32
      %dma_start3A_224 = tpu.memref_slice %arg8[%run_scoped3A, %dma_start3A_223] : memref<4x16xi32, #tpu.memory_space<vmem>> -> memref<1x16xi32, #tpu.memory_space<vmem>>
      %dma_start3A_225 = tpu.memref_squeeze %dma_start3A_224 : memref<1x16xi32, #tpu.memory_space<vmem>> -> memref<16xi32, #tpu.memory_space<vmem>>
      %dma_start3A_226 = tpu.memref_slice %arg3[%add3A_4] : memref<2048xi32, #tpu.memory_space<hbm>> -> memref<16xi32, #tpu.memory_space<hbm>>
      %dma_start3A_227 = arith.constant 0 : i32
      %dma_start3A_228 = tpu.memref_slice %arg8[%run_scoped3A, %dma_start3A_227] : memref<4x16xi32, #tpu.memory_space<vmem>> -> memref<1x16xi32, #tpu.memory_space<vmem>>
      %dma_start3A_229 = tpu.memref_squeeze %dma_start3A_228 : memref<1x16xi32, #tpu.memory_space<vmem>> -> memref<16xi32, #tpu.memory_space<vmem>>
      %dma_start3A_230 = tpu.memref_slice %arg3[%add3A_4] : memref<2048xi32, #tpu.memory_space<hbm>> -> memref<16xi32, #tpu.memory_space<hbm>>
      tpu.enqueue_dma source(%dma_start3A_230 : memref<16xi32, #tpu.memory_space<hbm>>) target(%dma_start3A_229 : memref<16xi32, #tpu.memory_space<vmem>>) target_semaphore(%run_scoped3A_222 : memref<!tpu.dma_semaphore, #tpu.memory_space<semaphore_mem>>)
      %dma_wait3A_231 = arith.constant 0 : i32
      %dma_wait3A_232 = tpu.memref_slice %arg8[%run_scoped3A, %dma_wait3A_231] : memref<4x16xi32, #tpu.memory_space<vmem>> -> memref<1x16xi32, #tpu.memory_space<vmem>>
      %dma_wait3A_233 = tpu.memref_squeeze %dma_wait3A_232 : memref<1x16xi32, #tpu.memory_space<vmem>> -> memref<16xi32, #tpu.memory_space<vmem>>
      %dma_wait3A_234 = tpu.memref_slice %arg3[%add3A_4] : memref<2048xi32, #tpu.memory_space<hbm>> -> memref<16xi32, #tpu.memory_space<hbm>>
      %dma_wait3A_235 = arith.constant 0 : i32
      %dma_wait3A_236 = tpu.memref_slice %arg8[%run_scoped3A, %dma_wait3A_235] : memref<4x16xi32, #tpu.memory_space<vmem>> -> memref<1x16xi32, #tpu.memory_space<vmem>>
      %dma_wait3A_237 = tpu.memref_squeeze %dma_wait3A_236 : memref<1x16xi32, #tpu.memory_space<vmem>> -> memref<16xi32, #tpu.memory_space<vmem>>
      %dma_wait3A_238 = tpu.memref_slice %arg3[%add3A_4] : memref<2048xi32, #tpu.memory_space<hbm>> -> memref<16xi32, #tpu.memory_space<hbm>>
      tpu.wait_dma2 semaphore(%run_scoped3A_222 : memref<!tpu.dma_semaphore, #tpu.memory_space<semaphore_mem>>) src(%dma_wait3A_238 : memref<16xi32, #tpu.memory_space<hbm>>) dst(%dma_wait3A_237 : memref<16xi32, #tpu.memory_space<vmem>>)
      tpu.yield
    }) : () -> ()
    %add3A_5 = arith.constant 0 : i32
    %add3A_6 = arith.addi %mul3A_2, %add3A_5 : i32
    %run_scoped3A_7 = arith.constant 0 : i32
    "tpu.region"() ({
      %run_scoped3A_222 = tpu.sem_alloc : memref<!tpu.dma_semaphore, #tpu.memory_space<semaphore_mem>>
      %dma_start3A_223 = arith.constant 0 : i32
      %dma_start3A_224 = tpu.memref_slice %arg9[%run_scoped3A_7, %dma_start3A_223] : memref<4x16xi32, #tpu.memory_space<vmem>> -> memref<1x16xi32, #tpu.memory_space<vmem>>
      %dma_start3A_225 = tpu.memref_squeeze %dma_start3A_224 : memref<1x16xi32, #tpu.memory_space<vmem>> -> memref<16xi32, #tpu.memory_space<vmem>>
      %dma_start3A_226 = tpu.memref_slice %arg4[%add3A_6] : memref<2048xi32, #tpu.memory_space<hbm>> -> memref<16xi32, #tpu.memory_space<hbm>>
      %dma_start3A_227 = arith.constant 0 : i32
      %dma_start3A_228 = tpu.memref_slice %arg9[%run_scoped3A_7, %dma_start3A_227] : memref<4x16xi32, #tpu.memory_space<vmem>> -> memref<1x16xi32, #tpu.memory_space<vmem>>
      %dma_start3A_229 = tpu.memref_squeeze %dma_start3A_228 : memref<1x16xi32, #tpu.memory_space<vmem>> -> memref<16xi32, #tpu.memory_space<vmem>>
      %dma_start3A_230 = tpu.memref_slice %arg4[%add3A_6] : memref<2048xi32, #tpu.memory_space<hbm>> -> memref<16xi32, #tpu.memory_space<hbm>>
      tpu.enqueue_dma source(%dma_start3A_230 : memref<16xi32, #tpu.memory_space<hbm>>) target(%dma_start3A_229 : memref<16xi32, #tpu.memory_space<vmem>>) target_semaphore(%run_scoped3A_222 : memref<!tpu.dma_semaphore, #tpu.memory_space<semaphore_mem>>)
      %dma_wait3A_231 = arith.constant 0 : i32
      %dma_wait3A_232 = tpu.memref_slice %arg9[%run_scoped3A_7, %dma_wait3A_231] : memref<4x16xi32, #tpu.memory_space<vmem>> -> memref<1x16xi32, #tpu.memory_space<vmem>>
      %dma_wait3A_233 = tpu.memref_squeeze %dma_wait3A_232 : memref<1x16xi32, #tpu.memory_space<vmem>> -> memref<16xi32, #tpu.memory_space<vmem>>
      %dma_wait3A_234 = tpu.memref_slice %arg4[%add3A_6] : memref<2048xi32, #tpu.memory_space<hbm>> -> memref<16xi32, #tpu.memory_space<hbm>>
      %dma_wait3A_235 = arith.constant 0 : i32
      %dma_wait3A_236 = tpu.memref_slice %arg9[%run_scoped3A_7, %dma_wait3A_235] : memref<4x16xi32, #tpu.memory_space<vmem>> -> memref<1x16xi32, #tpu.memory_space<vmem>>
      %dma_wait3A_237 = tpu.memref_squeeze %dma_wait3A_236 : memref<1x16xi32, #tpu.memory_space<vmem>> -> memref<16xi32, #tpu.memory_space<vmem>>
      %dma_wait3A_238 = tpu.memref_slice %arg4[%add3A_6] : memref<2048xi32, #tpu.memory_space<hbm>> -> memref<16xi32, #tpu.memory_space<hbm>>
      tpu.wait_dma2 semaphore(%run_scoped3A_222 : memref<!tpu.dma_semaphore, #tpu.memory_space<semaphore_mem>>) src(%dma_wait3A_238 : memref<16xi32, #tpu.memory_space<hbm>>) dst(%dma_wait3A_237 : memref<16xi32, #tpu.memory_space<vmem>>)
      tpu.yield
    }) : () -> ()
    %add3A_8 = arith.constant 16 : i32
    %add3A_9 = arith.addi %mul3A_2, %add3A_8 : i32
    %run_scoped3A_10 = arith.constant 1 : i32
    "tpu.region"() ({
      %run_scoped3A_222 = tpu.sem_alloc : memref<!tpu.dma_semaphore, #tpu.memory_space<semaphore_mem>>
      %dma_start3A_223 = arith.constant 0 : i32
      %dma_start3A_224 = tpu.memref_slice %arg8[%run_scoped3A_10, %dma_start3A_223] : memref<4x16xi32, #tpu.memory_space<vmem>> -> memref<1x16xi32, #tpu.memory_space<vmem>>
      %dma_start3A_225 = tpu.memref_squeeze %dma_start3A_224 : memref<1x16xi32, #tpu.memory_space<vmem>> -> memref<16xi32, #tpu.memory_space<vmem>>
      %dma_start3A_226 = tpu.memref_slice %arg3[%add3A_9] : memref<2048xi32, #tpu.memory_space<hbm>> -> memref<16xi32, #tpu.memory_space<hbm>>
      %dma_start3A_227 = arith.constant 0 : i32
      %dma_start3A_228 = tpu.memref_slice %arg8[%run_scoped3A_10, %dma_start3A_227] : memref<4x16xi32, #tpu.memory_space<vmem>> -> memref<1x16xi32, #tpu.memory_space<vmem>>
      %dma_start3A_229 = tpu.memref_squeeze %dma_start3A_228 : memref<1x16xi32, #tpu.memory_space<vmem>> -> memref<16xi32, #tpu.memory_space<vmem>>
      %dma_start3A_230 = tpu.memref_slice %arg3[%add3A_9] : memref<2048xi32, #tpu.memory_space<hbm>> -> memref<16xi32, #tpu.memory_space<hbm>>
      tpu.enqueue_dma source(%dma_start3A_230 : memref<16xi32, #tpu.memory_space<hbm>>) target(%dma_start3A_229 : memref<16xi32, #tpu.memory_space<vmem>>) target_semaphore(%run_scoped3A_222 : memref<!tpu.dma_semaphore, #tpu.memory_space<semaphore_mem>>)
      %dma_wait3A_231 = arith.constant 0 : i32
      %dma_wait3A_232 = tpu.memref_slice %arg8[%run_scoped3A_10, %dma_wait3A_231] : memref<4x16xi32, #tpu.memory_space<vmem>> -> memref<1x16xi32, #tpu.memory_space<vmem>>
      %dma_wait3A_233 = tpu.memref_squeeze %dma_wait3A_232 : memref<1x16xi32, #tpu.memory_space<vmem>> -> memref<16xi32, #tpu.memory_space<vmem>>
      %dma_wait3A_234 = tpu.memref_slice %arg3[%add3A_9] : memref<2048xi32, #tpu.memory_space<hbm>> -> memref<16xi32, #tpu.memory_space<hbm>>
      %dma_wait3A_235 = arith.constant 0 : i32
      %dma_wait3A_236 = tpu.memref_slice %arg8[%run_scoped3A_10, %dma_wait3A_235] : memref<4x16xi32, #tpu.memory_space<vmem>> -> memref<1x16xi32, #tpu.memory_space<vmem>>
      %dma_wait3A_237 = tpu.memref_squeeze %dma_wait3A_236 : memref<1x16xi32, #tpu.memory_space<vmem>> -> memref<16xi32, #tpu.memory_space<vmem>>
      %dma_wait3A_238 = tpu.memref_slice %arg3[%add3A_9] : memref<2048xi32, #tpu.memory_space<hbm>> -> memref<16xi32, #tpu.memory_space<hbm>>
      tpu.wait_dma2 semaphore(%run_scoped3A_222 : memref<!tpu.dma_semaphore, #tpu.memory_space<semaphore_mem>>) src(%dma_wait3A_238 : memref<16xi32, #tpu.memory_space<hbm>>) dst(%dma_wait3A_237 : memref<16xi32, #tpu.memory_space<vmem>>)
      tpu.yield
    }) : () -> ()
    %add3A_11 = arith.constant 16 : i32
    %add3A_12 = arith.addi %mul3A_2, %add3A_11 : i32
    %run_scoped3A_13 = arith.constant 1 : i32
    "tpu.region"() ({
      %run_scoped3A_222 = tpu.sem_alloc : memref<!tpu.dma_semaphore, #tpu.memory_space<semaphore_mem>>
      %dma_start3A_223 = arith.constant 0 : i32
      %dma_start3A_224 = tpu.memref_slice %arg9[%run_scoped3A_13, %dma_start3A_223] : memref<4x16xi32, #tpu.memory_space<vmem>> -> memref<1x16xi32, #tpu.memory_space<vmem>>
      %dma_start3A_225 = tpu.memref_squeeze %dma_start3A_224 : memref<1x16xi32, #tpu.memory_space<vmem>> -> memref<16xi32, #tpu.memory_space<vmem>>
      %dma_start3A_226 = tpu.memref_slice %arg4[%add3A_12] : memref<2048xi32, #tpu.memory_space<hbm>> -> memref<16xi32, #tpu.memory_space<hbm>>
      %dma_start3A_227 = arith.constant 0 : i32
      %dma_start3A_228 = tpu.memref_slice %arg9[%run_scoped3A_13, %dma_start3A_227] : memref<4x16xi32, #tpu.memory_space<vmem>> -> memref<1x16xi32, #tpu.memory_space<vmem>>
      %dma_start3A_229 = tpu.memref_squeeze %dma_start3A_228 : memref<1x16xi32, #tpu.memory_space<vmem>> -> memref<16xi32, #tpu.memory_space<vmem>>
      %dma_start3A_230 = tpu.memref_slice %arg4[%add3A_12] : memref<2048xi32, #tpu.memory_space<hbm>> -> memref<16xi32, #tpu.memory_space<hbm>>
      tpu.enqueue_dma source(%dma_start3A_230 : memref<16xi32, #tpu.memory_space<hbm>>) target(%dma_start3A_229 : memref<16xi32, #tpu.memory_space<vmem>>) target_semaphore(%run_scoped3A_222 : memref<!tpu.dma_semaphore, #tpu.memory_space<semaphore_mem>>)
      %dma_wait3A_231 = arith.constant 0 : i32
      %dma_wait3A_232 = tpu.memref_slice %arg9[%run_scoped3A_13, %dma_wait3A_231] : memref<4x16xi32, #tpu.memory_space<vmem>> -> memref<1x16xi32, #tpu.memory_space<vmem>>
      %dma_wait3A_233 = tpu.memref_squeeze %dma_wait3A_232 : memref<1x16xi32, #tpu.memory_space<vmem>> -> memref<16xi32, #tpu.memory_space<vmem>>
      %dma_wait3A_234 = tpu.memref_slice %arg4[%add3A_12] : memref<2048xi32, #tpu.memory_space<hbm>> -> memref<16xi32, #tpu.memory_space<hbm>>
      %dma_wait3A_235 = arith.constant 0 : i32
      %dma_wait3A_236 = tpu.memref_slice %arg9[%run_scoped3A_13, %dma_wait3A_235] : memref<4x16xi32, #tpu.memory_space<vmem>> -> memref<1x16xi32, #tpu.memory_space<vmem>>
      %dma_wait3A_237 = tpu.memref_squeeze %dma_wait3A_236 : memref<1x16xi32, #tpu.memory_space<vmem>> -> memref<16xi32, #tpu.memory_space<vmem>>
      %dma_wait3A_238 = tpu.memref_slice %arg4[%add3A_12] : memref<2048xi32, #tpu.memory_space<hbm>> -> memref<16xi32, #tpu.memory_space<hbm>>
      tpu.wait_dma2 semaphore(%run_scoped3A_222 : memref<!tpu.dma_semaphore, #tpu.memory_space<semaphore_mem>>) src(%dma_wait3A_238 : memref<16xi32, #tpu.memory_space<hbm>>) dst(%dma_wait3A_237 : memref<16xi32, #tpu.memory_space<vmem>>)
      tpu.yield
    }) : () -> ()
    %add3A_14 = arith.constant 32 : i32
    %add3A_15 = arith.addi %mul3A_2, %add3A_14 : i32
    %run_scoped3A_16 = arith.constant 2 : i32
    "tpu.region"() ({
      %run_scoped3A_222 = tpu.sem_alloc : memref<!tpu.dma_semaphore, #tpu.memory_space<semaphore_mem>>
      %dma_start3A_223 = arith.constant 0 : i32
      %dma_start3A_224 = tpu.memref_slice %arg8[%run_scoped3A_16, %dma_start3A_223] : memref<4x16xi32, #tpu.memory_space<vmem>> -> memref<1x16xi32, #tpu.memory_space<vmem>>
      %dma_start3A_225 = tpu.memref_squeeze %dma_start3A_224 : memref<1x16xi32, #tpu.memory_space<vmem>> -> memref<16xi32, #tpu.memory_space<vmem>>
      %dma_start3A_226 = tpu.memref_slice %arg3[%add3A_15] : memref<2048xi32, #tpu.memory_space<hbm>> -> memref<16xi32, #tpu.memory_space<hbm>>
      %dma_start3A_227 = arith.constant 0 : i32
      %dma_start3A_228 = tpu.memref_slice %arg8[%run_scoped3A_16, %dma_start3A_227] : memref<4x16xi32, #tpu.memory_space<vmem>> -> memref<1x16xi32, #tpu.memory_space<vmem>>
      %dma_start3A_229 = tpu.memref_squeeze %dma_start3A_228 : memref<1x16xi32, #tpu.memory_space<vmem>> -> memref<16xi32, #tpu.memory_space<vmem>>
      %dma_start3A_230 = tpu.memref_slice %arg3[%add3A_15] : memref<2048xi32, #tpu.memory_space<hbm>> -> memref<16xi32, #tpu.memory_space<hbm>>
      tpu.enqueue_dma source(%dma_start3A_230 : memref<16xi32, #tpu.memory_space<hbm>>) target(%dma_start3A_229 : memref<16xi32, #tpu.memory_space<vmem>>) target_semaphore(%run_scoped3A_222 : memref<!tpu.dma_semaphore, #tpu.memory_space<semaphore_mem>>)
      %dma_wait3A_231 = arith.constant 0 : i32
      %dma_wait3A_232 = tpu.memref_slice %arg8[%run_scoped3A_16, %dma_wait3A_231] : memref<4x16xi32, #tpu.memory_space<vmem>> -> memref<1x16xi32, #tpu.memory_space<vmem>>
      %dma_wait3A_233 = tpu.memref_squeeze %dma_wait3A_232 : memref<1x16xi32, #tpu.memory_space<vmem>> -> memref<16xi32, #tpu.memory_space<vmem>>
      %dma_wait3A_234 = tpu.memref_slice %arg3[%add3A_15] : memref<2048xi32, #tpu.memory_space<hbm>> -> memref<16xi32, #tpu.memory_space<hbm>>
      %dma_wait3A_235 = arith.constant 0 : i32
      %dma_wait3A_236 = tpu.memref_slice %arg8[%run_scoped3A_16, %dma_wait3A_235] : memref<4x16xi32, #tpu.memory_space<vmem>> -> memref<1x16xi32, #tpu.memory_space<vmem>>
      %dma_wait3A_237 = tpu.memref_squeeze %dma_wait3A_236 : memref<1x16xi32, #tpu.memory_space<vmem>> -> memref<16xi32, #tpu.memory_space<vmem>>
      %dma_wait3A_238 = tpu.memref_slice %arg3[%add3A_15] : memref<2048xi32, #tpu.memory_space<hbm>> -> memref<16xi32, #tpu.memory_space<hbm>>
      tpu.wait_dma2 semaphore(%run_scoped3A_222 : memref<!tpu.dma_semaphore, #tpu.memory_space<semaphore_mem>>) src(%dma_wait3A_238 : memref<16xi32, #tpu.memory_space<hbm>>) dst(%dma_wait3A_237 : memref<16xi32, #tpu.memory_space<vmem>>)
      tpu.yield
    }) : () -> ()
    %add3A_17 = arith.constant 32 : i32
    %add3A_18 = arith.addi %mul3A_2, %add3A_17 : i32
    %run_scoped3A_19 = arith.constant 2 : i32
    "tpu.region"() ({
      %run_scoped3A_222 = tpu.sem_alloc : memref<!tpu.dma_semaphore, #tpu.memory_space<semaphore_mem>>
      %dma_start3A_223 = arith.constant 0 : i32
      %dma_start3A_224 = tpu.memref_slice %arg9[%run_scoped3A_19, %dma_start3A_223] : memref<4x16xi32, #tpu.memory_space<vmem>> -> memref<1x16xi32, #tpu.memory_space<vmem>>
      %dma_start3A_225 = tpu.memref_squeeze %dma_start3A_224 : memref<1x16xi32, #tpu.memory_space<vmem>> -> memref<16xi32, #tpu.memory_space<vmem>>
      %dma_start3A_226 = tpu.memref_slice %arg4[%add3A_18] : memref<2048xi32, #tpu.memory_space<hbm>> -> memref<16xi32, #tpu.memory_space<hbm>>
      %dma_start3A_227 = arith.constant 0 : i32
      %dma_start3A_228 = tpu.memref_slice %arg9[%run_scoped3A_19, %dma_start3A_227] : memref<4x16xi32, #tpu.memory_space<vmem>> -> memref<1x16xi32, #tpu.memory_space<vmem>>
      %dma_start3A_229 = tpu.memref_squeeze %dma_start3A_228 : memref<1x16xi32, #tpu.memory_space<vmem>> -> memref<16xi32, #tpu.memory_space<vmem>>
      %dma_start3A_230 = tpu.memref_slice %arg4[%add3A_18] : memref<2048xi32, #tpu.memory_space<hbm>> -> memref<16xi32, #tpu.memory_space<hbm>>
      tpu.enqueue_dma source(%dma_start3A_230 : memref<16xi32, #tpu.memory_space<hbm>>) target(%dma_start3A_229 : memref<16xi32, #tpu.memory_space<vmem>>) target_semaphore(%run_scoped3A_222 : memref<!tpu.dma_semaphore, #tpu.memory_space<semaphore_mem>>)
      %dma_wait3A_231 = arith.constant 0 : i32
      %dma_wait3A_232 = tpu.memref_slice %arg9[%run_scoped3A_19, %dma_wait3A_231] : memref<4x16xi32, #tpu.memory_space<vmem>> -> memref<1x16xi32, #tpu.memory_space<vmem>>
      %dma_wait3A_233 = tpu.memref_squeeze %dma_wait3A_232 : memref<1x16xi32, #tpu.memory_space<vmem>> -> memref<16xi32, #tpu.memory_space<vmem>>
      %dma_wait3A_234 = tpu.memref_slice %arg4[%add3A_18] : memref<2048xi32, #tpu.memory_space<hbm>> -> memref<16xi32, #tpu.memory_space<hbm>>
      %dma_wait3A_235 = arith.constant 0 : i32
      %dma_wait3A_236 = tpu.memref_slice %arg9[%run_scoped3A_19, %dma_wait3A_235] : memref<4x16xi32, #tpu.memory_space<vmem>> -> memref<1x16xi32, #tpu.memory_space<vmem>>
      %dma_wait3A_237 = tpu.memref_squeeze %dma_wait3A_236 : memref<1x16xi32, #tpu.memory_space<vmem>> -> memref<16xi32, #tpu.memory_space<vmem>>
      %dma_wait3A_238 = tpu.memref_slice %arg4[%add3A_18] : memref<2048xi32, #tpu.memory_space<hbm>> -> memref<16xi32, #tpu.memory_space<hbm>>
      tpu.wait_dma2 semaphore(%run_scoped3A_222 : memref<!tpu.dma_semaphore, #tpu.memory_space<semaphore_mem>>) src(%dma_wait3A_238 : memref<16xi32, #tpu.memory_space<hbm>>) dst(%dma_wait3A_237 : memref<16xi32, #tpu.memory_space<vmem>>)
      tpu.yield
    }) : () -> ()
    %add3A_20 = arith.constant 48 : i32
    %add3A_21 = arith.addi %mul3A_2, %add3A_20 : i32
    %run_scoped3A_22 = arith.constant 3 : i32
    "tpu.region"() ({
      %run_scoped3A_222 = tpu.sem_alloc : memref<!tpu.dma_semaphore, #tpu.memory_space<semaphore_mem>>
      %dma_start3A_223 = arith.constant 0 : i32
      %dma_start3A_224 = tpu.memref_slice %arg8[%run_scoped3A_22, %dma_start3A_223] : memref<4x16xi32, #tpu.memory_space<vmem>> -> memref<1x16xi32, #tpu.memory_space<vmem>>
      %dma_start3A_225 = tpu.memref_squeeze %dma_start3A_224 : memref<1x16xi32, #tpu.memory_space<vmem>> -> memref<16xi32, #tpu.memory_space<vmem>>
      %dma_start3A_226 = tpu.memref_slice %arg3[%add3A_21] : memref<2048xi32, #tpu.memory_space<hbm>> -> memref<16xi32, #tpu.memory_space<hbm>>
      %dma_start3A_227 = arith.constant 0 : i32
      %dma_start3A_228 = tpu.memref_slice %arg8[%run_scoped3A_22, %dma_start3A_227] : memref<4x16xi32, #tpu.memory_space<vmem>> -> memref<1x16xi32, #tpu.memory_space<vmem>>
      %dma_start3A_229 = tpu.memref_squeeze %dma_start3A_228 : memref<1x16xi32, #tpu.memory_space<vmem>> -> memref<16xi32, #tpu.memory_space<vmem>>
      %dma_start3A_230 = tpu.memref_slice %arg3[%add3A_21] : memref<2048xi32, #tpu.memory_space<hbm>> -> memref<16xi32, #tpu.memory_space<hbm>>
      tpu.enqueue_dma source(%dma_start3A_230 : memref<16xi32, #tpu.memory_space<hbm>>) target(%dma_start3A_229 : memref<16xi32, #tpu.memory_space<vmem>>) target_semaphore(%run_scoped3A_222 : memref<!tpu.dma_semaphore, #tpu.memory_space<semaphore_mem>>)
      %dma_wait3A_231 = arith.constant 0 : i32
      %dma_wait3A_232 = tpu.memref_slice %arg8[%run_scoped3A_22, %dma_wait3A_231] : memref<4x16xi32, #tpu.memory_space<vmem>> -> memref<1x16xi32, #tpu.memory_space<vmem>>
      %dma_wait3A_233 = tpu.memref_squeeze %dma_wait3A_232 : memref<1x16xi32, #tpu.memory_space<vmem>> -> memref<16xi32, #tpu.memory_space<vmem>>
      %dma_wait3A_234 = tpu.memref_slice %arg3[%add3A_21] : memref<2048xi32, #tpu.memory_space<hbm>> -> memref<16xi32, #tpu.memory_space<hbm>>
      %dma_wait3A_235 = arith.constant 0 : i32
      %dma_wait3A_236 = tpu.memref_slice %arg8[%run_scoped3A_22, %dma_wait3A_235] : memref<4x16xi32, #tpu.memory_space<vmem>> -> memref<1x16xi32, #tpu.memory_space<vmem>>
      %dma_wait3A_237 = tpu.memref_squeeze %dma_wait3A_236 : memref<1x16xi32, #tpu.memory_space<vmem>> -> memref<16xi32, #tpu.memory_space<vmem>>
      %dma_wait3A_238 = tpu.memref_slice %arg3[%add3A_21] : memref<2048xi32, #tpu.memory_space<hbm>> -> memref<16xi32, #tpu.memory_space<hbm>>
      tpu.wait_dma2 semaphore(%run_scoped3A_222 : memref<!tpu.dma_semaphore, #tpu.memory_space<semaphore_mem>>) src(%dma_wait3A_238 : memref<16xi32, #tpu.memory_space<hbm>>) dst(%dma_wait3A_237 : memref<16xi32, #tpu.memory_space<vmem>>)
      tpu.yield
    }) : () -> ()
    %add3A_23 = arith.constant 48 : i32
    %add3A_24 = arith.addi %mul3A_2, %add3A_23 : i32
    %run_scoped3A_25 = arith.constant 3 : i32
    "tpu.region"() ({
      %run_scoped3A_222 = tpu.sem_alloc : memref<!tpu.dma_semaphore, #tpu.memory_space<semaphore_mem>>
      %dma_start3A_223 = arith.constant 0 : i32
      %dma_start3A_224 = tpu.memref_slice %arg9[%run_scoped3A_25, %dma_start3A_223] : memref<4x16xi32, #tpu.memory_space<vmem>> -> memref<1x16xi32, #tpu.memory_space<vmem>>
      %dma_start3A_225 = tpu.memref_squeeze %dma_start3A_224 : memref<1x16xi32, #tpu.memory_space<vmem>> -> memref<16xi32, #tpu.memory_space<vmem>>
      %dma_start3A_226 = tpu.memref_slice %arg4[%add3A_24] : memref<2048xi32, #tpu.memory_space<hbm>> -> memref<16xi32, #tpu.memory_space<hbm>>
      %dma_start3A_227 = arith.constant 0 : i32
      %dma_start3A_228 = tpu.memref_slice %arg9[%run_scoped3A_25, %dma_start3A_227] : memref<4x16xi32, #tpu.memory_space<vmem>> -> memref<1x16xi32, #tpu.memory_space<vmem>>
      %dma_start3A_229 = tpu.memref_squeeze %dma_start3A_228 : memref<1x16xi32, #tpu.memory_space<vmem>> -> memref<16xi32, #tpu.memory_space<vmem>>
      %dma_start3A_230 = tpu.memref_slice %arg4[%add3A_24] : memref<2048xi32, #tpu.memory_space<hbm>> -> memref<16xi32, #tpu.memory_space<hbm>>
      tpu.enqueue_dma source(%dma_start3A_230 : memref<16xi32, #tpu.memory_space<hbm>>) target(%dma_start3A_229 : memref<16xi32, #tpu.memory_space<vmem>>) target_semaphore(%run_scoped3A_222 : memref<!tpu.dma_semaphore, #tpu.memory_space<semaphore_mem>>)
      %dma_wait3A_231 = arith.constant 0 : i32
      %dma_wait3A_232 = tpu.memref_slice %arg9[%run_scoped3A_25, %dma_wait3A_231] : memref<4x16xi32, #tpu.memory_space<vmem>> -> memref<1x16xi32, #tpu.memory_space<vmem>>
      %dma_wait3A_233 = tpu.memref_squeeze %dma_wait3A_232 : memref<1x16xi32, #tpu.memory_space<vmem>> -> memref<16xi32, #tpu.memory_space<vmem>>
      %dma_wait3A_234 = tpu.memref_slice %arg4[%add3A_24] : memref<2048xi32, #tpu.memory_space<hbm>> -> memref<16xi32, #tpu.memory_space<hbm>>
      %dma_wait3A_235 = arith.constant 0 : i32
      %dma_wait3A_236 = tpu.memref_slice %arg9[%run_scoped3A_25, %dma_wait3A_235] : memref<4x16xi32, #tpu.memory_space<vmem>> -> memref<1x16xi32, #tpu.memory_space<vmem>>
      %dma_wait3A_237 = tpu.memref_squeeze %dma_wait3A_236 : memref<1x16xi32, #tpu.memory_space<vmem>> -> memref<16xi32, #tpu.memory_space<vmem>>
      %dma_wait3A_238 = tpu.memref_slice %arg4[%add3A_24] : memref<2048xi32, #tpu.memory_space<hbm>> -> memref<16xi32, #tpu.memory_space<hbm>>
      tpu.wait_dma2 semaphore(%run_scoped3A_222 : memref<!tpu.dma_semaphore, #tpu.memory_space<semaphore_mem>>) src(%dma_wait3A_238 : memref<16xi32, #tpu.memory_space<hbm>>) dst(%dma_wait3A_237 : memref<16xi32, #tpu.memory_space<vmem>>)
      tpu.yield
    }) : () -> ()
    "tpu.region"() ({
      %run_scoped3A_222 = tpu.sem_alloc : memref<!tpu.dma_semaphore, #tpu.memory_space<semaphore_mem>>
      %dma_start3A_223 = tpu.memref_slice %arg5[%mul3A_2] : memref<2048xf32, #tpu.memory_space<hbm>> -> memref<64xf32, #tpu.memory_space<hbm>>
      %dma_start3A_224 = tpu.memref_slice %arg5[%mul3A_2] : memref<2048xf32, #tpu.memory_space<hbm>> -> memref<64xf32, #tpu.memory_space<hbm>>
      tpu.enqueue_dma source(%dma_start3A_224 : memref<64xf32, #tpu.memory_space<hbm>>) target(%arg10 : memref<64xf32, #tpu.memory_space<vmem>>) target_semaphore(%run_scoped3A_222 : memref<!tpu.dma_semaphore, #tpu.memory_space<semaphore_mem>>)
      %dma_wait3A_225 = tpu.memref_slice %arg5[%mul3A_2] : memref<2048xf32, #tpu.memory_space<hbm>> -> memref<64xf32, #tpu.memory_space<hbm>>
      %dma_wait3A_226 = tpu.memref_slice %arg5[%mul3A_2] : memref<2048xf32, #tpu.memory_space<hbm>> -> memref<64xf32, #tpu.memory_space<hbm>>
      tpu.wait_dma2 semaphore(%run_scoped3A_222 : memref<!tpu.dma_semaphore, #tpu.memory_space<semaphore_mem>>) src(%dma_wait3A_226 : memref<64xf32, #tpu.memory_space<hbm>>) dst(%arg10 : memref<64xf32, #tpu.memory_space<vmem>>)
      tpu.yield
    }) : () -> ()
    "tpu.region"() ({
      %run_scoped3A_222 = tpu.sem_alloc : memref<!tpu.dma_semaphore, #tpu.memory_space<semaphore_mem>>
      %dma_start3A_223 = tpu.memref_slice %arg6[%mul3A_2] : memref<2048xf32, #tpu.memory_space<hbm>> -> memref<64xf32, #tpu.memory_space<hbm>>
      %dma_start3A_224 = tpu.memref_slice %arg6[%mul3A_2] : memref<2048xf32, #tpu.memory_space<hbm>> -> memref<64xf32, #tpu.memory_space<hbm>>
      tpu.enqueue_dma source(%dma_start3A_224 : memref<64xf32, #tpu.memory_space<hbm>>) target(%arg11 : memref<64xf32, #tpu.memory_space<vmem>>) target_semaphore(%run_scoped3A_222 : memref<!tpu.dma_semaphore, #tpu.memory_space<semaphore_mem>>)
      %dma_wait3A_225 = tpu.memref_slice %arg6[%mul3A_2] : memref<2048xf32, #tpu.memory_space<hbm>> -> memref<64xf32, #tpu.memory_space<hbm>>
      %dma_wait3A_226 = tpu.memref_slice %arg6[%mul3A_2] : memref<2048xf32, #tpu.memory_space<hbm>> -> memref<64xf32, #tpu.memory_space<hbm>>
      tpu.wait_dma2 semaphore(%run_scoped3A_222 : memref<!tpu.dma_semaphore, #tpu.memory_space<semaphore_mem>>) src(%dma_wait3A_226 : memref<64xf32, #tpu.memory_space<hbm>>) dst(%arg11 : memref<64xf32, #tpu.memory_space<vmem>>)
      tpu.yield
    }) : () -> ()
    %dma_start3A = arith.constant 0 : i32
    %dma_start3A_26 = arith.constant 0 : i32
    %dma_start3A_27 = tpu.memref_slice %arg8[%dma_start3A, %dma_start3A_26] : memref<4x16xi32, #tpu.memory_space<vmem>> -> memref<1x16xi32, #tpu.memory_space<vmem>>
    %dma_start3A_28 = tpu.memref_squeeze %dma_start3A_27 : memref<1x16xi32, #tpu.memory_space<vmem>> -> memref<16xi32, #tpu.memory_space<vmem>>
    %dma_start3A_29 = arith.constant 0 : i32
    %dma_start3A_30 = arith.constant 0 : i32
    %dma_start3A_31 = tpu.memref_slice %arg2[%dma_start3A_29, %dma_start3A_30] : memref<6144x384xi32, #tpu.memory_space<hbm>> -> memref<6144x384xi32, #tpu.memory_space<hbm>>
    tpu.enqueue_indirect_dma source(%dma_start3A_31 : memref<6144x384xi32, #tpu.memory_space<hbm>>) target(%arg12 : memref<16x384xi32, #tpu.memory_space<vmem>>) offsets(%dma_start3A_28 : memref<16xi32, #tpu.memory_space<vmem>>) semaphore(%arg24 : memref<!tpu.dma_semaphore, #tpu.memory_space<semaphore_mem>>)
    %dma_start3A_32 = arith.constant 0 : i32
    %dma_start3A_33 = arith.constant 0 : i32
    %dma_start3A_34 = tpu.memref_slice %arg9[%dma_start3A_32, %dma_start3A_33] : memref<4x16xi32, #tpu.memory_space<vmem>> -> memref<1x16xi32, #tpu.memory_space<vmem>>
    %dma_start3A_35 = tpu.memref_squeeze %dma_start3A_34 : memref<1x16xi32, #tpu.memory_space<vmem>> -> memref<16xi32, #tpu.memory_space<vmem>>
    %dma_start3A_36 = arith.constant 0 : i32
    %dma_start3A_37 = arith.constant 0 : i32
    %dma_start3A_38 = tpu.memref_slice %arg2[%dma_start3A_36, %dma_start3A_37] : memref<6144x384xi32, #tpu.memory_space<hbm>> -> memref<6144x384xi32, #tpu.memory_space<hbm>>
    tpu.enqueue_indirect_dma source(%dma_start3A_38 : memref<6144x384xi32, #tpu.memory_space<hbm>>) target(%arg16 : memref<16x384xi32, #tpu.memory_space<vmem>>) offsets(%dma_start3A_35 : memref<16xi32, #tpu.memory_space<vmem>>) semaphore(%arg25 : memref<!tpu.dma_semaphore, #tpu.memory_space<semaphore_mem>>)
    %dma_start3A_39 = arith.constant 1 : i32
    %dma_start3A_40 = arith.constant 0 : i32
    %dma_start3A_41 = tpu.memref_slice %arg8[%dma_start3A_39, %dma_start3A_40] : memref<4x16xi32, #tpu.memory_space<vmem>> -> memref<1x16xi32, #tpu.memory_space<vmem>>
    %dma_start3A_42 = tpu.memref_squeeze %dma_start3A_41 : memref<1x16xi32, #tpu.memory_space<vmem>> -> memref<16xi32, #tpu.memory_space<vmem>>
    %dma_start3A_43 = arith.constant 0 : i32
    %dma_start3A_44 = arith.constant 0 : i32
    %dma_start3A_45 = tpu.memref_slice %arg2[%dma_start3A_43, %dma_start3A_44] : memref<6144x384xi32, #tpu.memory_space<hbm>> -> memref<6144x384xi32, #tpu.memory_space<hbm>>
    tpu.enqueue_indirect_dma source(%dma_start3A_45 : memref<6144x384xi32, #tpu.memory_space<hbm>>) target(%arg13 : memref<16x384xi32, #tpu.memory_space<vmem>>) offsets(%dma_start3A_42 : memref<16xi32, #tpu.memory_space<vmem>>) semaphore(%arg26 : memref<!tpu.dma_semaphore, #tpu.memory_space<semaphore_mem>>)
    %dma_start3A_46 = arith.constant 1 : i32
    %dma_start3A_47 = arith.constant 0 : i32
    %dma_start3A_48 = tpu.memref_slice %arg9[%dma_start3A_46, %dma_start3A_47] : memref<4x16xi32, #tpu.memory_space<vmem>> -> memref<1x16xi32, #tpu.memory_space<vmem>>
    %dma_start3A_49 = tpu.memref_squeeze %dma_start3A_48 : memref<1x16xi32, #tpu.memory_space<vmem>> -> memref<16xi32, #tpu.memory_space<vmem>>
    %dma_start3A_50 = arith.constant 0 : i32
    %dma_start3A_51 = arith.constant 0 : i32
    %dma_start3A_52 = tpu.memref_slice %arg2[%dma_start3A_50, %dma_start3A_51] : memref<6144x384xi32, #tpu.memory_space<hbm>> -> memref<6144x384xi32, #tpu.memory_space<hbm>>
    tpu.enqueue_indirect_dma source(%dma_start3A_52 : memref<6144x384xi32, #tpu.memory_space<hbm>>) target(%arg17 : memref<16x384xi32, #tpu.memory_space<vmem>>) offsets(%dma_start3A_49 : memref<16xi32, #tpu.memory_space<vmem>>) semaphore(%arg27 : memref<!tpu.dma_semaphore, #tpu.memory_space<semaphore_mem>>)
    %dma_start3A_53 = arith.constant 2 : i32
    %dma_start3A_54 = arith.constant 0 : i32
    %dma_start3A_55 = tpu.memref_slice %arg8[%dma_start3A_53, %dma_start3A_54] : memref<4x16xi32, #tpu.memory_space<vmem>> -> memref<1x16xi32, #tpu.memory_space<vmem>>
    %dma_start3A_56 = tpu.memref_squeeze %dma_start3A_55 : memref<1x16xi32, #tpu.memory_space<vmem>> -> memref<16xi32, #tpu.memory_space<vmem>>
    %dma_start3A_57 = arith.constant 0 : i32
    %dma_start3A_58 = arith.constant 0 : i32
    %dma_start3A_59 = tpu.memref_slice %arg2[%dma_start3A_57, %dma_start3A_58] : memref<6144x384xi32, #tpu.memory_space<hbm>> -> memref<6144x384xi32, #tpu.memory_space<hbm>>
    tpu.enqueue_indirect_dma source(%dma_start3A_59 : memref<6144x384xi32, #tpu.memory_space<hbm>>) target(%arg14 : memref<16x384xi32, #tpu.memory_space<vmem>>) offsets(%dma_start3A_56 : memref<16xi32, #tpu.memory_space<vmem>>) semaphore(%arg28 : memref<!tpu.dma_semaphore, #tpu.memory_space<semaphore_mem>>)
    %dma_start3A_60 = arith.constant 2 : i32
    %dma_start3A_61 = arith.constant 0 : i32
    %dma_start3A_62 = tpu.memref_slice %arg9[%dma_start3A_60, %dma_start3A_61] : memref<4x16xi32, #tpu.memory_space<vmem>> -> memref<1x16xi32, #tpu.memory_space<vmem>>
    %dma_start3A_63 = tpu.memref_squeeze %dma_start3A_62 : memref<1x16xi32, #tpu.memory_space<vmem>> -> memref<16xi32, #tpu.memory_space<vmem>>
    %dma_start3A_64 = arith.constant 0 : i32
    %dma_start3A_65 = arith.constant 0 : i32
    %dma_start3A_66 = tpu.memref_slice %arg2[%dma_start3A_64, %dma_start3A_65] : memref<6144x384xi32, #tpu.memory_space<hbm>> -> memref<6144x384xi32, #tpu.memory_space<hbm>>
    tpu.enqueue_indirect_dma source(%dma_start3A_66 : memref<6144x384xi32, #tpu.memory_space<hbm>>) target(%arg18 : memref<16x384xi32, #tpu.memory_space<vmem>>) offsets(%dma_start3A_63 : memref<16xi32, #tpu.memory_space<vmem>>) semaphore(%arg29 : memref<!tpu.dma_semaphore, #tpu.memory_space<semaphore_mem>>)
    %dma_start3A_67 = arith.constant 3 : i32
    %dma_start3A_68 = arith.constant 0 : i32
    %dma_start3A_69 = tpu.memref_slice %arg8[%dma_start3A_67, %dma_start3A_68] : memref<4x16xi32, #tpu.memory_space<vmem>> -> memref<1x16xi32, #tpu.memory_space<vmem>>
    %dma_start3A_70 = tpu.memref_squeeze %dma_start3A_69 : memref<1x16xi32, #tpu.memory_space<vmem>> -> memref<16xi32, #tpu.memory_space<vmem>>
    %dma_start3A_71 = arith.constant 0 : i32
    %dma_start3A_72 = arith.constant 0 : i32
    %dma_start3A_73 = tpu.memref_slice %arg2[%dma_start3A_71, %dma_start3A_72] : memref<6144x384xi32, #tpu.memory_space<hbm>> -> memref<6144x384xi32, #tpu.memory_space<hbm>>
    tpu.enqueue_indirect_dma source(%dma_start3A_73 : memref<6144x384xi32, #tpu.memory_space<hbm>>) target(%arg15 : memref<16x384xi32, #tpu.memory_space<vmem>>) offsets(%dma_start3A_70 : memref<16xi32, #tpu.memory_space<vmem>>) semaphore(%arg30 : memref<!tpu.dma_semaphore, #tpu.memory_space<semaphore_mem>>)
    %dma_start3A_74 = arith.constant 3 : i32
    %dma_start3A_75 = arith.constant 0 : i32
    %dma_start3A_76 = tpu.memref_slice %arg9[%dma_start3A_74, %dma_start3A_75] : memref<4x16xi32, #tpu.memory_space<vmem>> -> memref<1x16xi32, #tpu.memory_space<vmem>>
    %dma_start3A_77 = tpu.memref_squeeze %dma_start3A_76 : memref<1x16xi32, #tpu.memory_space<vmem>> -> memref<16xi32, #tpu.memory_space<vmem>>
    %dma_start3A_78 = arith.constant 0 : i32
    %dma_start3A_79 = arith.constant 0 : i32
    %dma_start3A_80 = tpu.memref_slice %arg2[%dma_start3A_78, %dma_start3A_79] : memref<6144x384xi32, #tpu.memory_space<hbm>> -> memref<6144x384xi32, #tpu.memory_space<hbm>>
    tpu.enqueue_indirect_dma source(%dma_start3A_80 : memref<6144x384xi32, #tpu.memory_space<hbm>>) target(%arg19 : memref<16x384xi32, #tpu.memory_space<vmem>>) offsets(%dma_start3A_77 : memref<16xi32, #tpu.memory_space<vmem>>) semaphore(%arg31 : memref<!tpu.dma_semaphore, #tpu.memory_space<semaphore_mem>>)
    %dma_wait3A = arith.constant 0 : i32
    %dma_wait3A_81 = arith.constant 0 : i32
    %dma_wait3A_82 = tpu.memref_slice %arg8[%dma_wait3A, %dma_wait3A_81] : memref<4x16xi32, #tpu.memory_space<vmem>> -> memref<1x16xi32, #tpu.memory_space<vmem>>
    %dma_wait3A_83 = tpu.memref_squeeze %dma_wait3A_82 : memref<1x16xi32, #tpu.memory_space<vmem>> -> memref<16xi32, #tpu.memory_space<vmem>>
    %dma_wait3A_84 = arith.constant 0 : i32
    %dma_wait3A_85 = arith.constant 0 : i32
    %dma_wait3A_86 = tpu.memref_slice %arg2[%dma_wait3A_84, %dma_wait3A_85] : memref<6144x384xi32, #tpu.memory_space<hbm>> -> memref<6144x384xi32, #tpu.memory_space<hbm>>
    tpu.wait_indirect_dma semaphore(%arg24 : memref<!tpu.dma_semaphore, #tpu.memory_space<semaphore_mem>>) src(%dma_wait3A_86 : memref<6144x384xi32, #tpu.memory_space<hbm>>) dst(%arg12 : memref<16x384xi32, #tpu.memory_space<vmem>>)
    %dma_wait3A_87 = arith.constant 0 : i32
    %dma_wait3A_88 = arith.constant 0 : i32
    %dma_wait3A_89 = tpu.memref_slice %arg9[%dma_wait3A_87, %dma_wait3A_88] : memref<4x16xi32, #tpu.memory_space<vmem>> -> memref<1x16xi32, #tpu.memory_space<vmem>>
    %dma_wait3A_90 = tpu.memref_squeeze %dma_wait3A_89 : memref<1x16xi32, #tpu.memory_space<vmem>> -> memref<16xi32, #tpu.memory_space<vmem>>
    %dma_wait3A_91 = arith.constant 0 : i32
    %dma_wait3A_92 = arith.constant 0 : i32
    %dma_wait3A_93 = tpu.memref_slice %arg2[%dma_wait3A_91, %dma_wait3A_92] : memref<6144x384xi32, #tpu.memory_space<hbm>> -> memref<6144x384xi32, #tpu.memory_space<hbm>>
    tpu.wait_indirect_dma semaphore(%arg25 : memref<!tpu.dma_semaphore, #tpu.memory_space<semaphore_mem>>) src(%dma_wait3A_93 : memref<6144x384xi32, #tpu.memory_space<hbm>>) dst(%arg16 : memref<16x384xi32, #tpu.memory_space<vmem>>)
    %get3A = arith.constant 0 : index
    %get3A_94 = tpu.vector_load %arg10[%get3A] {strides = array<i32>} : memref<64xf32, #tpu.memory_space<vmem>>, vector<16xf32>,
    %get3A_95 = vector.shape_cast %get3A_94 : vector<16xf32> to vector<16xf32>
    %get3A_96 = arith.constant 0 : index
    %get3A_97 = tpu.vector_load %arg11[%get3A_96] {strides = array<i32>} : memref<64xf32, #tpu.memory_space<vmem>>, vector<16xf32>,
    %get3A_98 = vector.shape_cast %get3A_97 : vector<16xf32> to vector<16xf32>
    %scan3A = arith.constant 0 : i32
    %scan3A_99 = arith.constant 0 : i32
    %scan3A_100 = arith.constant 16 : i32
    %scan3A_101 = arith.addi %scan3A_99, %scan3A_100 : i32
    %scan3A_102 = arith.constant 1 : i32
    scf.for %scan3A_222 = %scan3A_99 to %scan3A_101 step %scan3A_102  : i32 {
      %broadcast_in_dim3A = vector.broadcast %scan3A_222 : i32 to vector<16x1xi32>
      %gather3A = vector.shape_cast %broadcast_in_dim3A : vector<16x1xi32> to vector<16xi32>
      %gather3A_223 = tpu.dynamic_gather %get3A_95[%gather3A] in [0] : vector<16xf32>, vector<16xi32> -> vector<16xf32>
      %gather3A_224 = vector.shape_cast %broadcast_in_dim3A : vector<16x1xi32> to vector<16xi32>
      %gather3A_225 = tpu.dynamic_gather %get3A_98[%gather3A_224] in [0] : vector<16xf32>, vector<16xi32> -> vector<16xf32>
      %broadcast_in_dim3A_226 = arith.constant -65536 : i32
      %broadcast_in_dim3A_227 = vector.broadcast %broadcast_in_dim3A_226 : i32 to vector<16xi32>
      %scan3A_228 = arith.constant 0 : i32
      %scan3A_229 = arith.constant 0 : i32
      %scan3A_230 = arith.constant 24 : i32
      %scan3A_231 = arith.addi %scan3A_229, %scan3A_230 : i32
      %scan3A_232 = arith.constant 1 : i32
      scf.for %scan3A_234 = %scan3A_229 to %scan3A_231 step %scan3A_232  : i32 {
        %mul3A_235 = arith.constant 16 : i32
        %mul3A_236 = arith.muli %scan3A_234, %mul3A_235 : i32
        %get3A_237 = arith.index_cast %scan3A_222 : i32 to index
        %get3A_238 = arith.index_cast %mul3A_236 : i32 to index
        %get3A_239 = tpu.vector_load %arg12[%get3A_237, %get3A_238] {strides = array<i32>} : memref<16x384xi32, #tpu.memory_space<vmem>>, vector<1x16xi32>,
        %get3A_240 = vector.shape_cast %get3A_239 : vector<1x16xi32> to vector<16xi32>
        %bitcast_convert_type3A = tpu.bitcast %get3A_240 : vector<16xi32> -> vector<16xi32>
        %get3A_241 = arith.index_cast %scan3A_222 : i32 to index
        %get3A_242 = arith.index_cast %mul3A_236 : i32 to index
        %get3A_243 = tpu.vector_load %arg16[%get3A_241, %get3A_242] {strides = array<i32>} : memref<16x384xi32, #tpu.memory_space<vmem>>, vector<1x16xi32>,
        %get3A_244 = vector.shape_cast %get3A_243 : vector<1x16xi32> to vector<16xi32>
        %bitcast_convert_type3A_245 = tpu.bitcast %get3A_244 : vector<16xi32> -> vector<16xi32>
        %shift_left3A = arith.constant 16 : i32
        %shift_left3A_246 = vector.broadcast %shift_left3A : i32 to vector<16xi32>
        %shift_left3A_247 = arith.shli %bitcast_convert_type3A, %shift_left3A_246 : vector<16xi32>
        %bitcast_convert_type3A_248 = tpu.bitcast %shift_left3A_247 : vector<16xi32> -> vector<16xf32>
        %and3A = arith.andi %bitcast_convert_type3A, %broadcast_in_dim3A_227 : vector<16xi32>
        %bitcast_convert_type3A_249 = tpu.bitcast %and3A : vector<16xi32> -> vector<16xf32>
        %shift_left3A_250 = arith.constant 16 : i32
        %shift_left3A_251 = vector.broadcast %shift_left3A_250 : i32 to vector<16xi32>
        %shift_left3A_252 = arith.shli %bitcast_convert_type3A_245, %shift_left3A_251 : vector<16xi32>
        %bitcast_convert_type3A_253 = tpu.bitcast %shift_left3A_252 : vector<16xi32> -> vector<16xf32>
        %and3A_254 = arith.andi %bitcast_convert_type3A_245, %broadcast_in_dim3A_227 : vector<16xi32>
        %bitcast_convert_type3A_255 = tpu.bitcast %and3A_254 : vector<16xi32> -> vector<16xf32>
        %mul3A_256 = arith.mulf %gather3A_223, %bitcast_convert_type3A_248 : vector<16xf32>
        %mul3A_257 = arith.mulf %gather3A_225, %bitcast_convert_type3A_253 : vector<16xf32>
        %add3A_258 = arith.addf %mul3A_256, %mul3A_257 : vector<16xf32>
        %swap3A = arith.index_cast %scan3A_222 : i32 to index
        %swap3A_259 = arith.index_cast %mul3A_236 : i32 to index
        %swap3A_260 = tpu.vector_load %arg20[%swap3A, %swap3A_259] {strides = array<i32>} : memref<16x768xf32, #tpu.memory_space<vmem>>, vector<1x16xf32>,
        %swap3A_261 = vector.shape_cast %swap3A_260 : vector<1x16xf32> to vector<16xf32>
        %swap3A_262 = vector.shape_cast %add3A_258 : vector<16xf32> to vector<1x16xf32>
        tpu.vector_store %arg20[%swap3A, %swap3A_259], %swap3A_262 {strides = array<i32>} : memref<16x768xf32, #tpu.memory_space<vmem>>, vector<1x16xf32>,
        %mul3A_263 = arith.mulf %gather3A_223, %bitcast_convert_type3A_249 : vector<16xf32>
        %mul3A_264 = arith.mulf %gather3A_225, %bitcast_convert_type3A_255 : vector<16xf32>
        %add3A_265 = arith.addf %mul3A_263, %mul3A_264 : vector<16xf32>
        %add3A_266 = arith.constant 384 : i32
        %add3A_267 = arith.addi %add3A_266, %mul3A_236 : i32
        %swap3A_268 = arith.index_cast %scan3A_222 : i32 to index
        %swap3A_269 = arith.index_cast %add3A_267 : i32 to index
        %swap3A_270 = tpu.vector_load %arg20[%swap3A_268, %swap3A_269] {strides = array<i32>} : memref<16x768xf32, #tpu.memory_space<vmem>>, vector<1x16xf32>,
        %swap3A_271 = vector.shape_cast %swap3A_270 : vector<1x16xf32> to vector<16xf32>
        %swap3A_272 = vector.shape_cast %add3A_265 : vector<16xf32> to vector<1x16xf32>
        tpu.vector_store %arg20[%swap3A_268, %swap3A_269], %swap3A_272 {strides = array<i32>} : memref<16x768xf32, #tpu.memory_space<vmem>>, vector<1x16xf32>,
      }
      %scan3A_233 = arith.constant 24 : i32
    }
    %scan3A_103 = arith.constant 16 : i32
    %add3A_104 = arith.constant 0 : i32
    %add3A_105 = arith.addi %mul3A_2, %add3A_104 : i32
    %dma_start3A_106 = arith.constant 0 : i32
    %dma_start3A_107 = tpu.memref_slice %arg7[%add3A_105, %dma_start3A_106] : memref<2048x768xf32, #tpu.memory_space<hbm>> -> memref<16x768xf32, #tpu.memory_space<hbm>>
    %dma_start3A_108 = arith.constant 0 : i32
    %dma_start3A_109 = tpu.memref_slice %arg7[%add3A_105, %dma_start3A_108] : memref<2048x768xf32, #tpu.memory_space<hbm>> -> memref<16x768xf32, #tpu.memory_space<hbm>>
    tpu.enqueue_dma source(%arg20 : memref<16x768xf32, #tpu.memory_space<vmem>>) target(%dma_start3A_109 : memref<16x768xf32, #tpu.memory_space<hbm>>) target_semaphore(%arg32 : memref<!tpu.dma_semaphore, #tpu.memory_space<semaphore_mem>>)
    %dma_wait3A_110 = arith.constant 1 : i32
    %dma_wait3A_111 = arith.constant 0 : i32
    %dma_wait3A_112 = tpu.memref_slice %arg8[%dma_wait3A_110, %dma_wait3A_111] : memref<4x16xi32, #tpu.memory_space<vmem>> -> memref<1x16xi32, #tpu.memory_space<vmem>>
    %dma_wait3A_113 = tpu.memref_squeeze %dma_wait3A_112 : memref<1x16xi32, #tpu.memory_space<vmem>> -> memref<16xi32, #tpu.memory_space<vmem>>
    %dma_wait3A_114 = arith.constant 0 : i32
    %dma_wait3A_115 = arith.constant 0 : i32
    %dma_wait3A_116 = tpu.memref_slice %arg2[%dma_wait3A_114, %dma_wait3A_115] : memref<6144x384xi32, #tpu.memory_space<hbm>> -> memref<6144x384xi32, #tpu.memory_space<hbm>>
    tpu.wait_indirect_dma semaphore(%arg26 : memref<!tpu.dma_semaphore, #tpu.memory_space<semaphore_mem>>) src(%dma_wait3A_116 : memref<6144x384xi32, #tpu.memory_space<hbm>>) dst(%arg13 : memref<16x384xi32, #tpu.memory_space<vmem>>)
    %dma_wait3A_117 = arith.constant 1 : i32
    %dma_wait3A_118 = arith.constant 0 : i32
    %dma_wait3A_119 = tpu.memref_slice %arg9[%dma_wait3A_117, %dma_wait3A_118] : memref<4x16xi32, #tpu.memory_space<vmem>> -> memref<1x16xi32, #tpu.memory_space<vmem>>
    %dma_wait3A_120 = tpu.memref_squeeze %dma_wait3A_119 : memref<1x16xi32, #tpu.memory_space<vmem>> -> memref<16xi32, #tpu.memory_space<vmem>>
    %dma_wait3A_121 = arith.constant 0 : i32
    %dma_wait3A_122 = arith.constant 0 : i32
    %dma_wait3A_123 = tpu.memref_slice %arg2[%dma_wait3A_121, %dma_wait3A_122] : memref<6144x384xi32, #tpu.memory_space<hbm>> -> memref<6144x384xi32, #tpu.memory_space<hbm>>
    tpu.wait_indirect_dma semaphore(%arg27 : memref<!tpu.dma_semaphore, #tpu.memory_space<semaphore_mem>>) src(%dma_wait3A_123 : memref<6144x384xi32, #tpu.memory_space<hbm>>) dst(%arg17 : memref<16x384xi32, #tpu.memory_space<vmem>>)
    %get3A_124 = arith.constant 16 : index
    %get3A_125 = tpu.vector_load %arg10[%get3A_124] {strides = array<i32>} : memref<64xf32, #tpu.memory_space<vmem>>, vector<16xf32>,
    %get3A_126 = vector.shape_cast %get3A_125 : vector<16xf32> to vector<16xf32>
    %get3A_127 = arith.constant 16 : index
    %get3A_128 = tpu.vector_load %arg11[%get3A_127] {strides = array<i32>} : memref<64xf32, #tpu.memory_space<vmem>>, vector<16xf32>,
    %get3A_129 = vector.shape_cast %get3A_128 : vector<16xf32> to vector<16xf32>
    %scan3A_130 = arith.constant 0 : i32
    %scan3A_131 = arith.constant 0 : i32
    %scan3A_132 = arith.constant 16 : i32
    %scan3A_133 = arith.addi %scan3A_131, %scan3A_132 : i32
    %scan3A_134 = arith.constant 1 : i32
    scf.for %scan3A_222 = %scan3A_131 to %scan3A_133 step %scan3A_134  : i32 {
      %broadcast_in_dim3A = vector.broadcast %scan3A_222 : i32 to vector<16x1xi32>
      %gather3A = vector.shape_cast %broadcast_in_dim3A : vector<16x1xi32> to vector<16xi32>
      %gather3A_223 = tpu.dynamic_gather %get3A_126[%gather3A] in [0] : vector<16xf32>, vector<16xi32> -> vector<16xf32>
      %gather3A_224 = vector.shape_cast %broadcast_in_dim3A : vector<16x1xi32> to vector<16xi32>
      %gather3A_225 = tpu.dynamic_gather %get3A_129[%gather3A_224] in [0] : vector<16xf32>, vector<16xi32> -> vector<16xf32>
      %broadcast_in_dim3A_226 = arith.constant -65536 : i32
      %broadcast_in_dim3A_227 = vector.broadcast %broadcast_in_dim3A_226 : i32 to vector<16xi32>
      %scan3A_228 = arith.constant 0 : i32
      %scan3A_229 = arith.constant 0 : i32
      %scan3A_230 = arith.constant 24 : i32
      %scan3A_231 = arith.addi %scan3A_229, %scan3A_230 : i32
      %scan3A_232 = arith.constant 1 : i32
      scf.for %scan3A_234 = %scan3A_229 to %scan3A_231 step %scan3A_232  : i32 {
        %mul3A_235 = arith.constant 16 : i32
        %mul3A_236 = arith.muli %scan3A_234, %mul3A_235 : i32
        %get3A_237 = arith.index_cast %scan3A_222 : i32 to index
        %get3A_238 = arith.index_cast %mul3A_236 : i32 to index
        %get3A_239 = tpu.vector_load %arg13[%get3A_237, %get3A_238] {strides = array<i32>} : memref<16x384xi32, #tpu.memory_space<vmem>>, vector<1x16xi32>,
        %get3A_240 = vector.shape_cast %get3A_239 : vector<1x16xi32> to vector<16xi32>
        %bitcast_convert_type3A = tpu.bitcast %get3A_240 : vector<16xi32> -> vector<16xi32>
        %get3A_241 = arith.index_cast %scan3A_222 : i32 to index
        %get3A_242 = arith.index_cast %mul3A_236 : i32 to index
        %get3A_243 = tpu.vector_load %arg17[%get3A_241, %get3A_242] {strides = array<i32>} : memref<16x384xi32, #tpu.memory_space<vmem>>, vector<1x16xi32>,
        %get3A_244 = vector.shape_cast %get3A_243 : vector<1x16xi32> to vector<16xi32>
        %bitcast_convert_type3A_245 = tpu.bitcast %get3A_244 : vector<16xi32> -> vector<16xi32>
        %shift_left3A = arith.constant 16 : i32
        %shift_left3A_246 = vector.broadcast %shift_left3A : i32 to vector<16xi32>
        %shift_left3A_247 = arith.shli %bitcast_convert_type3A, %shift_left3A_246 : vector<16xi32>
        %bitcast_convert_type3A_248 = tpu.bitcast %shift_left3A_247 : vector<16xi32> -> vector<16xf32>
        %and3A = arith.andi %bitcast_convert_type3A, %broadcast_in_dim3A_227 : vector<16xi32>
        %bitcast_convert_type3A_249 = tpu.bitcast %and3A : vector<16xi32> -> vector<16xf32>
        %shift_left3A_250 = arith.constant 16 : i32
        %shift_left3A_251 = vector.broadcast %shift_left3A_250 : i32 to vector<16xi32>
        %shift_left3A_252 = arith.shli %bitcast_convert_type3A_245, %shift_left3A_251 : vector<16xi32>
        %bitcast_convert_type3A_253 = tpu.bitcast %shift_left3A_252 : vector<16xi32> -> vector<16xf32>
        %and3A_254 = arith.andi %bitcast_convert_type3A_245, %broadcast_in_dim3A_227 : vector<16xi32>
        %bitcast_convert_type3A_255 = tpu.bitcast %and3A_254 : vector<16xi32> -> vector<16xf32>
        %mul3A_256 = arith.mulf %gather3A_223, %bitcast_convert_type3A_248 : vector<16xf32>
        %mul3A_257 = arith.mulf %gather3A_225, %bitcast_convert_type3A_253 : vector<16xf32>
        %add3A_258 = arith.addf %mul3A_256, %mul3A_257 : vector<16xf32>
        %swap3A = arith.index_cast %scan3A_222 : i32 to index
        %swap3A_259 = arith.index_cast %mul3A_236 : i32 to index
        %swap3A_260 = tpu.vector_load %arg21[%swap3A, %swap3A_259] {strides = array<i32>} : memref<16x768xf32, #tpu.memory_space<vmem>>, vector<1x16xf32>,
        %swap3A_261 = vector.shape_cast %swap3A_260 : vector<1x16xf32> to vector<16xf32>
        %swap3A_262 = vector.shape_cast %add3A_258 : vector<16xf32> to vector<1x16xf32>
        tpu.vector_store %arg21[%swap3A, %swap3A_259], %swap3A_262 {strides = array<i32>} : memref<16x768xf32, #tpu.memory_space<vmem>>, vector<1x16xf32>,
        %mul3A_263 = arith.mulf %gather3A_223, %bitcast_convert_type3A_249 : vector<16xf32>
        %mul3A_264 = arith.mulf %gather3A_225, %bitcast_convert_type3A_255 : vector<16xf32>
        %add3A_265 = arith.addf %mul3A_263, %mul3A_264 : vector<16xf32>
        %add3A_266 = arith.constant 384 : i32
        %add3A_267 = arith.addi %add3A_266, %mul3A_236 : i32
        %swap3A_268 = arith.index_cast %scan3A_222 : i32 to index
        %swap3A_269 = arith.index_cast %add3A_267 : i32 to index
        %swap3A_270 = tpu.vector_load %arg21[%swap3A_268, %swap3A_269] {strides = array<i32>} : memref<16x768xf32, #tpu.memory_space<vmem>>, vector<1x16xf32>,
        %swap3A_271 = vector.shape_cast %swap3A_270 : vector<1x16xf32> to vector<16xf32>
        %swap3A_272 = vector.shape_cast %add3A_265 : vector<16xf32> to vector<1x16xf32>
        tpu.vector_store %arg21[%swap3A_268, %swap3A_269], %swap3A_272 {strides = array<i32>} : memref<16x768xf32, #tpu.memory_space<vmem>>, vector<1x16xf32>,
      }
      %scan3A_233 = arith.constant 24 : i32
    }
    %scan3A_135 = arith.constant 16 : i32
    %add3A_136 = arith.constant 16 : i32
    %add3A_137 = arith.addi %mul3A_2, %add3A_136 : i32
    %dma_start3A_138 = arith.constant 0 : i32
    %dma_start3A_139 = tpu.memref_slice %arg7[%add3A_137, %dma_start3A_138] : memref<2048x768xf32, #tpu.memory_space<hbm>> -> memref<16x768xf32, #tpu.memory_space<hbm>>
    %dma_start3A_140 = arith.constant 0 : i32
    %dma_start3A_141 = tpu.memref_slice %arg7[%add3A_137, %dma_start3A_140] : memref<2048x768xf32, #tpu.memory_space<hbm>> -> memref<16x768xf32, #tpu.memory_space<hbm>>
    tpu.enqueue_dma source(%arg21 : memref<16x768xf32, #tpu.memory_space<vmem>>) target(%dma_start3A_141 : memref<16x768xf32, #tpu.memory_space<hbm>>) target_semaphore(%arg33 : memref<!tpu.dma_semaphore, #tpu.memory_space<semaphore_mem>>)
    %dma_wait3A_142 = arith.constant 2 : i32
    %dma_wait3A_143 = arith.constant 0 : i32
    %dma_wait3A_144 = tpu.memref_slice %arg8[%dma_wait3A_142, %dma_wait3A_143] : memref<4x16xi32, #tpu.memory_space<vmem>> -> memref<1x16xi32, #tpu.memory_space<vmem>>
    %dma_wait3A_145 = tpu.memref_squeeze %dma_wait3A_144 : memref<1x16xi32, #tpu.memory_space<vmem>> -> memref<16xi32, #tpu.memory_space<vmem>>
    %dma_wait3A_146 = arith.constant 0 : i32
    %dma_wait3A_147 = arith.constant 0 : i32
    %dma_wait3A_148 = tpu.memref_slice %arg2[%dma_wait3A_146, %dma_wait3A_147] : memref<6144x384xi32, #tpu.memory_space<hbm>> -> memref<6144x384xi32, #tpu.memory_space<hbm>>
    tpu.wait_indirect_dma semaphore(%arg28 : memref<!tpu.dma_semaphore, #tpu.memory_space<semaphore_mem>>) src(%dma_wait3A_148 : memref<6144x384xi32, #tpu.memory_space<hbm>>) dst(%arg14 : memref<16x384xi32, #tpu.memory_space<vmem>>)
    %dma_wait3A_149 = arith.constant 2 : i32
    %dma_wait3A_150 = arith.constant 0 : i32
    %dma_wait3A_151 = tpu.memref_slice %arg9[%dma_wait3A_149, %dma_wait3A_150] : memref<4x16xi32, #tpu.memory_space<vmem>> -> memref<1x16xi32, #tpu.memory_space<vmem>>
    %dma_wait3A_152 = tpu.memref_squeeze %dma_wait3A_151 : memref<1x16xi32, #tpu.memory_space<vmem>> -> memref<16xi32, #tpu.memory_space<vmem>>
    %dma_wait3A_153 = arith.constant 0 : i32
    %dma_wait3A_154 = arith.constant 0 : i32
    %dma_wait3A_155 = tpu.memref_slice %arg2[%dma_wait3A_153, %dma_wait3A_154] : memref<6144x384xi32, #tpu.memory_space<hbm>> -> memref<6144x384xi32, #tpu.memory_space<hbm>>
    tpu.wait_indirect_dma semaphore(%arg29 : memref<!tpu.dma_semaphore, #tpu.memory_space<semaphore_mem>>) src(%dma_wait3A_155 : memref<6144x384xi32, #tpu.memory_space<hbm>>) dst(%arg18 : memref<16x384xi32, #tpu.memory_space<vmem>>)
    %get3A_156 = arith.constant 32 : index
    %get3A_157 = tpu.vector_load %arg10[%get3A_156] {strides = array<i32>} : memref<64xf32, #tpu.memory_space<vmem>>, vector<16xf32>,
    %get3A_158 = vector.shape_cast %get3A_157 : vector<16xf32> to vector<16xf32>
    %get3A_159 = arith.constant 32 : index
    %get3A_160 = tpu.vector_load %arg11[%get3A_159] {strides = array<i32>} : memref<64xf32, #tpu.memory_space<vmem>>, vector<16xf32>,
    %get3A_161 = vector.shape_cast %get3A_160 : vector<16xf32> to vector<16xf32>
    %scan3A_162 = arith.constant 0 : i32
    %scan3A_163 = arith.constant 0 : i32
    %scan3A_164 = arith.constant 16 : i32
    %scan3A_165 = arith.addi %scan3A_163, %scan3A_164 : i32
    %scan3A_166 = arith.constant 1 : i32
    scf.for %scan3A_222 = %scan3A_163 to %scan3A_165 step %scan3A_166  : i32 {
      %broadcast_in_dim3A = vector.broadcast %scan3A_222 : i32 to vector<16x1xi32>
      %gather3A = vector.shape_cast %broadcast_in_dim3A : vector<16x1xi32> to vector<16xi32>
      %gather3A_223 = tpu.dynamic_gather %get3A_158[%gather3A] in [0] : vector<16xf32>, vector<16xi32> -> vector<16xf32>
      %gather3A_224 = vector.shape_cast %broadcast_in_dim3A : vector<16x1xi32> to vector<16xi32>
      %gather3A_225 = tpu.dynamic_gather %get3A_161[%gather3A_224] in [0] : vector<16xf32>, vector<16xi32> -> vector<16xf32>
      %broadcast_in_dim3A_226 = arith.constant -65536 : i32
      %broadcast_in_dim3A_227 = vector.broadcast %broadcast_in_dim3A_226 : i32 to vector<16xi32>
      %scan3A_228 = arith.constant 0 : i32
      %scan3A_229 = arith.constant 0 : i32
      %scan3A_230 = arith.constant 24 : i32
      %scan3A_231 = arith.addi %scan3A_229, %scan3A_230 : i32
      %scan3A_232 = arith.constant 1 : i32
      scf.for %scan3A_234 = %scan3A_229 to %scan3A_231 step %scan3A_232  : i32 {
        %mul3A_235 = arith.constant 16 : i32
        %mul3A_236 = arith.muli %scan3A_234, %mul3A_235 : i32
        %get3A_237 = arith.index_cast %scan3A_222 : i32 to index
        %get3A_238 = arith.index_cast %mul3A_236 : i32 to index
        %get3A_239 = tpu.vector_load %arg14[%get3A_237, %get3A_238] {strides = array<i32>} : memref<16x384xi32, #tpu.memory_space<vmem>>, vector<1x16xi32>,
        %get3A_240 = vector.shape_cast %get3A_239 : vector<1x16xi32> to vector<16xi32>
        %bitcast_convert_type3A = tpu.bitcast %get3A_240 : vector<16xi32> -> vector<16xi32>
        %get3A_241 = arith.index_cast %scan3A_222 : i32 to index
        %get3A_242 = arith.index_cast %mul3A_236 : i32 to index
        %get3A_243 = tpu.vector_load %arg18[%get3A_241, %get3A_242] {strides = array<i32>} : memref<16x384xi32, #tpu.memory_space<vmem>>, vector<1x16xi32>,
        %get3A_244 = vector.shape_cast %get3A_243 : vector<1x16xi32> to vector<16xi32>
        %bitcast_convert_type3A_245 = tpu.bitcast %get3A_244 : vector<16xi32> -> vector<16xi32>
        %shift_left3A = arith.constant 16 : i32
        %shift_left3A_246 = vector.broadcast %shift_left3A : i32 to vector<16xi32>
        %shift_left3A_247 = arith.shli %bitcast_convert_type3A, %shift_left3A_246 : vector<16xi32>
        %bitcast_convert_type3A_248 = tpu.bitcast %shift_left3A_247 : vector<16xi32> -> vector<16xf32>
        %and3A = arith.andi %bitcast_convert_type3A, %broadcast_in_dim3A_227 : vector<16xi32>
        %bitcast_convert_type3A_249 = tpu.bitcast %and3A : vector<16xi32> -> vector<16xf32>
        %shift_left3A_250 = arith.constant 16 : i32
        %shift_left3A_251 = vector.broadcast %shift_left3A_250 : i32 to vector<16xi32>
        %shift_left3A_252 = arith.shli %bitcast_convert_type3A_245, %shift_left3A_251 : vector<16xi32>
        %bitcast_convert_type3A_253 = tpu.bitcast %shift_left3A_252 : vector<16xi32> -> vector<16xf32>
        %and3A_254 = arith.andi %bitcast_convert_type3A_245, %broadcast_in_dim3A_227 : vector<16xi32>
        %bitcast_convert_type3A_255 = tpu.bitcast %and3A_254 : vector<16xi32> -> vector<16xf32>
        %mul3A_256 = arith.mulf %gather3A_223, %bitcast_convert_type3A_248 : vector<16xf32>
        %mul3A_257 = arith.mulf %gather3A_225, %bitcast_convert_type3A_253 : vector<16xf32>
        %add3A_258 = arith.addf %mul3A_256, %mul3A_257 : vector<16xf32>
        %swap3A = arith.index_cast %scan3A_222 : i32 to index
        %swap3A_259 = arith.index_cast %mul3A_236 : i32 to index
        %swap3A_260 = tpu.vector_load %arg22[%swap3A, %swap3A_259] {strides = array<i32>} : memref<16x768xf32, #tpu.memory_space<vmem>>, vector<1x16xf32>,
        %swap3A_261 = vector.shape_cast %swap3A_260 : vector<1x16xf32> to vector<16xf32>
        %swap3A_262 = vector.shape_cast %add3A_258 : vector<16xf32> to vector<1x16xf32>
        tpu.vector_store %arg22[%swap3A, %swap3A_259], %swap3A_262 {strides = array<i32>} : memref<16x768xf32, #tpu.memory_space<vmem>>, vector<1x16xf32>,
        %mul3A_263 = arith.mulf %gather3A_223, %bitcast_convert_type3A_249 : vector<16xf32>
        %mul3A_264 = arith.mulf %gather3A_225, %bitcast_convert_type3A_255 : vector<16xf32>
        %add3A_265 = arith.addf %mul3A_263, %mul3A_264 : vector<16xf32>
        %add3A_266 = arith.constant 384 : i32
        %add3A_267 = arith.addi %add3A_266, %mul3A_236 : i32
        %swap3A_268 = arith.index_cast %scan3A_222 : i32 to index
        %swap3A_269 = arith.index_cast %add3A_267 : i32 to index
        %swap3A_270 = tpu.vector_load %arg22[%swap3A_268, %swap3A_269] {strides = array<i32>} : memref<16x768xf32, #tpu.memory_space<vmem>>, vector<1x16xf32>,
        %swap3A_271 = vector.shape_cast %swap3A_270 : vector<1x16xf32> to vector<16xf32>
        %swap3A_272 = vector.shape_cast %add3A_265 : vector<16xf32> to vector<1x16xf32>
        tpu.vector_store %arg22[%swap3A_268, %swap3A_269], %swap3A_272 {strides = array<i32>} : memref<16x768xf32, #tpu.memory_space<vmem>>, vector<1x16xf32>,
      }
      %scan3A_233 = arith.constant 24 : i32
    }
    %scan3A_167 = arith.constant 16 : i32
    %add3A_168 = arith.constant 32 : i32
    %add3A_169 = arith.addi %mul3A_2, %add3A_168 : i32
    %dma_start3A_170 = arith.constant 0 : i32
    %dma_start3A_171 = tpu.memref_slice %arg7[%add3A_169, %dma_start3A_170] : memref<2048x768xf32, #tpu.memory_space<hbm>> -> memref<16x768xf32, #tpu.memory_space<hbm>>
    %dma_start3A_172 = arith.constant 0 : i32
    %dma_start3A_173 = tpu.memref_slice %arg7[%add3A_169, %dma_start3A_172] : memref<2048x768xf32, #tpu.memory_space<hbm>> -> memref<16x768xf32, #tpu.memory_space<hbm>>
    tpu.enqueue_dma source(%arg22 : memref<16x768xf32, #tpu.memory_space<vmem>>) target(%dma_start3A_173 : memref<16x768xf32, #tpu.memory_space<hbm>>) target_semaphore(%arg34 : memref<!tpu.dma_semaphore, #tpu.memory_space<semaphore_mem>>)
    %dma_wait3A_174 = arith.constant 3 : i32
    %dma_wait3A_175 = arith.constant 0 : i32
    %dma_wait3A_176 = tpu.memref_slice %arg8[%dma_wait3A_174, %dma_wait3A_175] : memref<4x16xi32, #tpu.memory_space<vmem>> -> memref<1x16xi32, #tpu.memory_space<vmem>>
    %dma_wait3A_177 = tpu.memref_squeeze %dma_wait3A_176 : memref<1x16xi32, #tpu.memory_space<vmem>> -> memref<16xi32, #tpu.memory_space<vmem>>
    %dma_wait3A_178 = arith.constant 0 : i32
    %dma_wait3A_179 = arith.constant 0 : i32
    %dma_wait3A_180 = tpu.memref_slice %arg2[%dma_wait3A_178, %dma_wait3A_179] : memref<6144x384xi32, #tpu.memory_space<hbm>> -> memref<6144x384xi32, #tpu.memory_space<hbm>>
    tpu.wait_indirect_dma semaphore(%arg30 : memref<!tpu.dma_semaphore, #tpu.memory_space<semaphore_mem>>) src(%dma_wait3A_180 : memref<6144x384xi32, #tpu.memory_space<hbm>>) dst(%arg15 : memref<16x384xi32, #tpu.memory_space<vmem>>)
    %dma_wait3A_181 = arith.constant 3 : i32
    %dma_wait3A_182 = arith.constant 0 : i32
    %dma_wait3A_183 = tpu.memref_slice %arg9[%dma_wait3A_181, %dma_wait3A_182] : memref<4x16xi32, #tpu.memory_space<vmem>> -> memref<1x16xi32, #tpu.memory_space<vmem>>
    %dma_wait3A_184 = tpu.memref_squeeze %dma_wait3A_183 : memref<1x16xi32, #tpu.memory_space<vmem>> -> memref<16xi32, #tpu.memory_space<vmem>>
    %dma_wait3A_185 = arith.constant 0 : i32
    %dma_wait3A_186 = arith.constant 0 : i32
    %dma_wait3A_187 = tpu.memref_slice %arg2[%dma_wait3A_185, %dma_wait3A_186] : memref<6144x384xi32, #tpu.memory_space<hbm>> -> memref<6144x384xi32, #tpu.memory_space<hbm>>
    tpu.wait_indirect_dma semaphore(%arg31 : memref<!tpu.dma_semaphore, #tpu.memory_space<semaphore_mem>>) src(%dma_wait3A_187 : memref<6144x384xi32, #tpu.memory_space<hbm>>) dst(%arg19 : memref<16x384xi32, #tpu.memory_space<vmem>>)
    %get3A_188 = arith.constant 48 : index
    %get3A_189 = tpu.vector_load %arg10[%get3A_188] {strides = array<i32>} : memref<64xf32, #tpu.memory_space<vmem>>, vector<16xf32>,
    %get3A_190 = vector.shape_cast %get3A_189 : vector<16xf32> to vector<16xf32>
    %get3A_191 = arith.constant 48 : index
    %get3A_192 = tpu.vector_load %arg11[%get3A_191] {strides = array<i32>} : memref<64xf32, #tpu.memory_space<vmem>>, vector<16xf32>,
    %get3A_193 = vector.shape_cast %get3A_192 : vector<16xf32> to vector<16xf32>
    %scan3A_194 = arith.constant 0 : i32
    %scan3A_195 = arith.constant 0 : i32
    %scan3A_196 = arith.constant 16 : i32
    %scan3A_197 = arith.addi %scan3A_195, %scan3A_196 : i32
    %scan3A_198 = arith.constant 1 : i32
    scf.for %scan3A_222 = %scan3A_195 to %scan3A_197 step %scan3A_198  : i32 {
      %broadcast_in_dim3A = vector.broadcast %scan3A_222 : i32 to vector<16x1xi32>
      %gather3A = vector.shape_cast %broadcast_in_dim3A : vector<16x1xi32> to vector<16xi32>
      %gather3A_223 = tpu.dynamic_gather %get3A_190[%gather3A] in [0] : vector<16xf32>, vector<16xi32> -> vector<16xf32>
      %gather3A_224 = vector.shape_cast %broadcast_in_dim3A : vector<16x1xi32> to vector<16xi32>
      %gather3A_225 = tpu.dynamic_gather %get3A_193[%gather3A_224] in [0] : vector<16xf32>, vector<16xi32> -> vector<16xf32>
      %broadcast_in_dim3A_226 = arith.constant -65536 : i32
      %broadcast_in_dim3A_227 = vector.broadcast %broadcast_in_dim3A_226 : i32 to vector<16xi32>
      %scan3A_228 = arith.constant 0 : i32
      %scan3A_229 = arith.constant 0 : i32
      %scan3A_230 = arith.constant 24 : i32
      %scan3A_231 = arith.addi %scan3A_229, %scan3A_230 : i32
      %scan3A_232 = arith.constant 1 : i32
      scf.for %scan3A_234 = %scan3A_229 to %scan3A_231 step %scan3A_232  : i32 {
        %mul3A_235 = arith.constant 16 : i32
        %mul3A_236 = arith.muli %scan3A_234, %mul3A_235 : i32
        %get3A_237 = arith.index_cast %scan3A_222 : i32 to index
        %get3A_238 = arith.index_cast %mul3A_236 : i32 to index
        %get3A_239 = tpu.vector_load %arg15[%get3A_237, %get3A_238] {strides = array<i32>} : memref<16x384xi32, #tpu.memory_space<vmem>>, vector<1x16xi32>,
        %get3A_240 = vector.shape_cast %get3A_239 : vector<1x16xi32> to vector<16xi32>
        %bitcast_convert_type3A = tpu.bitcast %get3A_240 : vector<16xi32> -> vector<16xi32>
        %get3A_241 = arith.index_cast %scan3A_222 : i32 to index
        %get3A_242 = arith.index_cast %mul3A_236 : i32 to index
        %get3A_243 = tpu.vector_load %arg19[%get3A_241, %get3A_242] {strides = array<i32>} : memref<16x384xi32, #tpu.memory_space<vmem>>, vector<1x16xi32>,
        %get3A_244 = vector.shape_cast %get3A_243 : vector<1x16xi32> to vector<16xi32>
        %bitcast_convert_type3A_245 = tpu.bitcast %get3A_244 : vector<16xi32> -> vector<16xi32>
        %shift_left3A = arith.constant 16 : i32
        %shift_left3A_246 = vector.broadcast %shift_left3A : i32 to vector<16xi32>
        %shift_left3A_247 = arith.shli %bitcast_convert_type3A, %shift_left3A_246 : vector<16xi32>
        %bitcast_convert_type3A_248 = tpu.bitcast %shift_left3A_247 : vector<16xi32> -> vector<16xf32>
        %and3A = arith.andi %bitcast_convert_type3A, %broadcast_in_dim3A_227 : vector<16xi32>
        %bitcast_convert_type3A_249 = tpu.bitcast %and3A : vector<16xi32> -> vector<16xf32>
        %shift_left3A_250 = arith.constant 16 : i32
        %shift_left3A_251 = vector.broadcast %shift_left3A_250 : i32 to vector<16xi32>
        %shift_left3A_252 = arith.shli %bitcast_convert_type3A_245, %shift_left3A_251 : vector<16xi32>
        %bitcast_convert_type3A_253 = tpu.bitcast %shift_left3A_252 : vector<16xi32> -> vector<16xf32>
        %and3A_254 = arith.andi %bitcast_convert_type3A_245, %broadcast_in_dim3A_227 : vector<16xi32>
        %bitcast_convert_type3A_255 = tpu.bitcast %and3A_254 : vector<16xi32> -> vector<16xf32>
        %mul3A_256 = arith.mulf %gather3A_223, %bitcast_convert_type3A_248 : vector<16xf32>
        %mul3A_257 = arith.mulf %gather3A_225, %bitcast_convert_type3A_253 : vector<16xf32>
        %add3A_258 = arith.addf %mul3A_256, %mul3A_257 : vector<16xf32>
        %swap3A = arith.index_cast %scan3A_222 : i32 to index
        %swap3A_259 = arith.index_cast %mul3A_236 : i32 to index
        %swap3A_260 = tpu.vector_load %arg23[%swap3A, %swap3A_259] {strides = array<i32>} : memref<16x768xf32, #tpu.memory_space<vmem>>, vector<1x16xf32>,
        %swap3A_261 = vector.shape_cast %swap3A_260 : vector<1x16xf32> to vector<16xf32>
        %swap3A_262 = vector.shape_cast %add3A_258 : vector<16xf32> to vector<1x16xf32>
        tpu.vector_store %arg23[%swap3A, %swap3A_259], %swap3A_262 {strides = array<i32>} : memref<16x768xf32, #tpu.memory_space<vmem>>, vector<1x16xf32>,
        %mul3A_263 = arith.mulf %gather3A_223, %bitcast_convert_type3A_249 : vector<16xf32>
        %mul3A_264 = arith.mulf %gather3A_225, %bitcast_convert_type3A_255 : vector<16xf32>
        %add3A_265 = arith.addf %mul3A_263, %mul3A_264 : vector<16xf32>
        %add3A_266 = arith.constant 384 : i32
        %add3A_267 = arith.addi %add3A_266, %mul3A_236 : i32
        %swap3A_268 = arith.index_cast %scan3A_222 : i32 to index
        %swap3A_269 = arith.index_cast %add3A_267 : i32 to index
        %swap3A_270 = tpu.vector_load %arg23[%swap3A_268, %swap3A_269] {strides = array<i32>} : memref<16x768xf32, #tpu.memory_space<vmem>>, vector<1x16xf32>,
        %swap3A_271 = vector.shape_cast %swap3A_270 : vector<1x16xf32> to vector<16xf32>
        %swap3A_272 = vector.shape_cast %add3A_265 : vector<16xf32> to vector<1x16xf32>
        tpu.vector_store %arg23[%swap3A_268, %swap3A_269], %swap3A_272 {strides = array<i32>} : memref<16x768xf32, #tpu.memory_space<vmem>>, vector<1x16xf32>,
      }
      %scan3A_233 = arith.constant 24 : i32
    }
    %scan3A_199 = arith.constant 16 : i32
    %add3A_200 = arith.constant 48 : i32
    %add3A_201 = arith.addi %mul3A_2, %add3A_200 : i32
    %dma_start3A_202 = arith.constant 0 : i32
    %dma_start3A_203 = tpu.memref_slice %arg7[%add3A_201, %dma_start3A_202] : memref<2048x768xf32, #tpu.memory_space<hbm>> -> memref<16x768xf32, #tpu.memory_space<hbm>>
    %dma_start3A_204 = arith.constant 0 : i32
    %dma_start3A_205 = tpu.memref_slice %arg7[%add3A_201, %dma_start3A_204] : memref<2048x768xf32, #tpu.memory_space<hbm>> -> memref<16x768xf32, #tpu.memory_space<hbm>>
    tpu.enqueue_dma source(%arg23 : memref<16x768xf32, #tpu.memory_space<vmem>>) target(%dma_start3A_205 : memref<16x768xf32, #tpu.memory_space<hbm>>) target_semaphore(%arg35 : memref<!tpu.dma_semaphore, #tpu.memory_space<semaphore_mem>>)
    %dma_wait3A_206 = arith.constant 0 : i32
    %dma_wait3A_207 = tpu.memref_slice %arg7[%add3A_105, %dma_wait3A_206] : memref<2048x768xf32, #tpu.memory_space<hbm>> -> memref<16x768xf32, #tpu.memory_space<hbm>>
    %dma_wait3A_208 = arith.constant 0 : i32
    %dma_wait3A_209 = tpu.memref_slice %arg7[%add3A_105, %dma_wait3A_208] : memref<2048x768xf32, #tpu.memory_space<hbm>> -> memref<16x768xf32, #tpu.memory_space<hbm>>
    tpu.wait_dma2 semaphore(%arg32 : memref<!tpu.dma_semaphore, #tpu.memory_space<semaphore_mem>>) src(%arg20 : memref<16x768xf32, #tpu.memory_space<vmem>>) dst(%dma_wait3A_209 : memref<16x768xf32, #tpu.memory_space<hbm>>)
    %dma_wait3A_210 = arith.constant 0 : i32
    %dma_wait3A_211 = tpu.memref_slice %arg7[%add3A_137, %dma_wait3A_210] : memref<2048x768xf32, #tpu.memory_space<hbm>> -> memref<16x768xf32, #tpu.memory_space<hbm>>
    %dma_wait3A_212 = arith.constant 0 : i32
    %dma_wait3A_213 = tpu.memref_slice %arg7[%add3A_137, %dma_wait3A_212] : memref<2048x768xf32, #tpu.memory_space<hbm>> -> memref<16x768xf32, #tpu.memory_space<hbm>>
    tpu.wait_dma2 semaphore(%arg33 : memref<!tpu.dma_semaphore, #tpu.memory_space<semaphore_mem>>) src(%arg21 : memref<16x768xf32, #tpu.memory_space<vmem>>) dst(%dma_wait3A_213 : memref<16x768xf32, #tpu.memory_space<hbm>>)
    %dma_wait3A_214 = arith.constant 0 : i32
    %dma_wait3A_215 = tpu.memref_slice %arg7[%add3A_169, %dma_wait3A_214] : memref<2048x768xf32, #tpu.memory_space<hbm>> -> memref<16x768xf32, #tpu.memory_space<hbm>>
    %dma_wait3A_216 = arith.constant 0 : i32
    %dma_wait3A_217 = tpu.memref_slice %arg7[%add3A_169, %dma_wait3A_216] : memref<2048x768xf32, #tpu.memory_space<hbm>> -> memref<16x768xf32, #tpu.memory_space<hbm>>
    tpu.wait_dma2 semaphore(%arg34 : memref<!tpu.dma_semaphore, #tpu.memory_space<semaphore_mem>>) src(%arg22 : memref<16x768xf32, #tpu.memory_space<vmem>>) dst(%dma_wait3A_217 : memref<16x768xf32, #tpu.memory_space<hbm>>)
    %dma_wait3A_218 = arith.constant 0 : i32
    %dma_wait3A_219 = tpu.memref_slice %arg7[%add3A_201, %dma_wait3A_218] : memref<2048x768xf32, #tpu.memory_space<hbm>> -> memref<16x768xf32, #tpu.memory_space<hbm>>
    %dma_wait3A_220 = arith.constant 0 : i32
    %dma_wait3A_221 = tpu.memref_slice %arg7[%add3A_201, %dma_wait3A_220] : memref<2048x768xf32, #tpu.memory_space<hbm>> -> memref<16x768xf32, #tpu.memory_space<hbm>>
    tpu.wait_dma2 semaphore(%arg35 : memref<!tpu.dma_semaphore, #tpu.memory_space<semaphore_mem>>) src(%arg23 : memref<16x768xf32, #tpu.memory_space<vmem>>) dst(%dma_wait3A_221 : memref<16x768xf32, #tpu.memory_space<hbm>>)
    return
  }
}

module attributes {stable_mosaic.version = 14 : i64} {
  func.func @_gate_body(%arg0: memref<2048x768xf32, #tpu.memory_space<vmem>>, %arg1: memref<768x16xf32, #tpu.memory_space<vmem>>, %arg2: memref<1x16xf32, #tpu.memory_space<vmem>>, %arg3: memref<16x128xi32, #tpu.memory_space<vmem>>, %arg4: memref<16x128xi32, #tpu.memory_space<vmem>>, %arg5: memref<16x128xf32, #tpu.memory_space<vmem>>, %arg6: memref<16x128xf32, #tpu.memory_space<vmem>>, %arg7: memref<48x1xi32, #tpu.memory_space<vmem>>, %arg8: memref<1x1xi32, #tpu.memory_space<vmem>>, %arg9: memref<1x1xf32, #tpu.memory_space<vmem>>, %arg10: memref<2048x384xi32, #tpu.memory_space<vmem>>) attributes {dimension_semantics = [], scalar_prefetch = 0 : i64, scratch_operands = 0 : i64, tpu.core_type = #tpu.core_type<tc>} {
    %get3A = arith.constant 0 : index
    %get3A_0 = arith.constant 0 : index
    %get3A_1 = vector.load %arg0[%get3A, %get3A_0] : memref<2048x768xf32, #tpu.memory_space<vmem>>, vector<2048x768xf32>
    %convert_element_type3A = arith.truncf %get3A_1 : vector<2048x768xf32> to vector<2048x768xbf16>
    %slice3A = vector.extract_strided_slice %convert_element_type3A {offsets = [0, 0], sizes = [2048, 384], strides = [1, 1]} : vector<2048x768xbf16> to vector<2048x384xbf16>
    %bitcast_convert_type3A = tpu.bitcast %slice3A : vector<2048x384xbf16> -> vector<2048x384xi16>
    %convert_element_type3A_2 = arith.extui %bitcast_convert_type3A : vector<2048x384xi16> to vector<2048x384xi32>
    %slice3A_3 = vector.extract_strided_slice %convert_element_type3A {offsets = [0, 384], sizes = [2048, 384], strides = [1, 1]} : vector<2048x768xbf16> to vector<2048x384xbf16>
    %bitcast_convert_type3A_4 = tpu.bitcast %slice3A_3 : vector<2048x384xbf16> -> vector<2048x384xi16>
    %convert_element_type3A_5 = arith.extui %bitcast_convert_type3A_4 : vector<2048x384xi16> to vector<2048x384xi32>
    %shift_left3A = arith.constant 16 : i32
    %shift_left3A_6 = vector.broadcast %shift_left3A : i32 to vector<2048x384xi32>
    %shift_left3A_7 = arith.shli %convert_element_type3A_5, %shift_left3A_6 : vector<2048x384xi32>
    %or3A = arith.ori %convert_element_type3A_2, %shift_left3A_7 : vector<2048x384xi32>
    %bitcast_convert_type3A_8 = tpu.bitcast %or3A : vector<2048x384xi32> -> vector<2048x384xi32>
    %swap3A = arith.constant 0 : index
    %swap3A_9 = arith.constant 0 : index
    %swap3A_10 = vector.load %arg10[%swap3A, %swap3A_9] : memref<2048x384xi32, #tpu.memory_space<vmem>>, vector<2048x384xi32>
    tpu.vector_store %arg10[%swap3A, %swap3A_9], %bitcast_convert_type3A_8 {strides = array<i32>} : memref<2048x384xi32, #tpu.memory_space<vmem>>, vector<2048x384xi32>,
    %get3A_11 = arith.constant 0 : index
    %get3A_12 = arith.constant 0 : index
    %get3A_13 = vector.load %arg1[%get3A_11, %get3A_12] : memref<768x16xf32, #tpu.memory_space<vmem>>, vector<768x16xf32>
    %dot_general3A = arith.constant dense<0.000000e+00> : vector<2048x16xf32>
    %dot_general3A_14 = tpu.matmul %get3A_1, %get3A_13, %dot_general3A {dimension_numbers = #tpu.dot_dimension_numbers<[1], [0], [0], [1], [0, 0, 1, 1], [], []>, transpose_lhs_hint = false} : vector<2048x768xf32>, vector<768x16xf32>, vector<2048x16xf32> -> vector<2048x16xf32>
    %get3A_15 = arith.constant 0 : index
    %get3A_16 = arith.constant 0 : index
    %get3A_17 = vector.load %arg2[%get3A_15, %get3A_16] : memref<1x16xf32, #tpu.memory_space<vmem>>, vector<1x16xf32>
    %add3A = vector.broadcast %get3A_17 : vector<1x16xf32> to vector<2048x16xf32>
    %add3A_18 = arith.addf %dot_general3A_14, %add3A : vector<2048x16xf32>
    %iota3A = tpu.iota {dimensions = array<i32: 1>} : vector<2048x16xi32>
    %reduce_max3A = arith.constant dense<0xFF800000> : vector<2048xf32>
    %reduce_max3A_19 = vector.multi_reduction <maximumf>, %add3A_18, %reduce_max3A [1] : vector<2048x16xf32> to vector<2048xf32>
    %broadcast_in_dim3A = vector.shape_cast %reduce_max3A_19 : vector<2048xf32> to vector<2048x1xf32>
    %eq3A = vector.broadcast %broadcast_in_dim3A : vector<2048x1xf32> to vector<2048x16xf32>
    %eq3A_20 = arith.cmpf oeq, %add3A_18, %eq3A : vector<2048x16xf32>
    %jit3A = arith.constant 16 : i32
    %broadcast_in_dim3A_21 = vector.broadcast %jit3A : i32 to vector<2048x16xi32>
    %select_n3A = arith.select %eq3A_20, %iota3A, %broadcast_in_dim3A_21 : vector<2048x16xi1>, vector<2048x16xi32>
    %reduce_min3A = arith.constant dense<2147483647> : vector<2048xi32>
    %reduce_min3A_22 = vector.multi_reduction <minsi>, %select_n3A, %reduce_min3A [1] : vector<2048x16xi32> to vector<2048xi32>
    %broadcast_in_dim3A_23 = vector.shape_cast %reduce_min3A_22 : vector<2048xi32> to vector<2048x1xi32>
    %eq3A_24 = vector.broadcast %broadcast_in_dim3A_23 : vector<2048x1xi32> to vector<2048x16xi32>
    %eq3A_25 = arith.cmpi eq, %iota3A, %eq3A_24 : vector<2048x16xi32>
    %jit3A_26 = arith.constant -1.000000e+30 : f32
    %broadcast_in_dim3A_27 = vector.broadcast %jit3A_26 : f32 to vector<2048x16xf32>
    %select_n3A_28 = arith.select %eq3A_25, %broadcast_in_dim3A_27, %add3A_18 : vector<2048x16xi1>, vector<2048x16xf32>
    %reduce_max3A_29 = arith.constant dense<0xFF800000> : vector<2048xf32>
    %reduce_max3A_30 = vector.multi_reduction <maximumf>, %select_n3A_28, %reduce_max3A_29 [1] : vector<2048x16xf32> to vector<2048xf32>
    %broadcast_in_dim3A_31 = vector.shape_cast %reduce_max3A_30 : vector<2048xf32> to vector<2048x1xf32>
    %eq3A_32 = vector.broadcast %broadcast_in_dim3A_31 : vector<2048x1xf32> to vector<2048x16xf32>
    %eq3A_33 = arith.cmpf oeq, %select_n3A_28, %eq3A_32 : vector<2048x16xf32>
    %jit3A_34 = arith.constant 16 : i32
    %broadcast_in_dim3A_35 = vector.broadcast %jit3A_34 : i32 to vector<2048x16xi32>
    %select_n3A_36 = arith.select %eq3A_33, %iota3A, %broadcast_in_dim3A_35 : vector<2048x16xi1>, vector<2048x16xi32>
    %reduce_min3A_37 = arith.constant dense<2147483647> : vector<2048xi32>
    %reduce_min3A_38 = vector.multi_reduction <minsi>, %select_n3A_36, %reduce_min3A_37 [1] : vector<2048x16xi32> to vector<2048xi32>
    %broadcast_in_dim3A_39 = vector.shape_cast %reduce_min3A_38 : vector<2048xi32> to vector<2048x1xi32>
    %sub3A = arith.subf %broadcast_in_dim3A_31, %broadcast_in_dim3A : vector<2048x1xf32>
    %exp3A = math.exp %sub3A : vector<2048x1xf32>
    %add3A_40 = arith.constant 1.000000e+00 : f32
    %add3A_41 = vector.broadcast %add3A_40 : f32 to vector<2048x1xf32>
    %add3A_42 = arith.addf %add3A_41, %exp3A : vector<2048x1xf32>
    %div3A = arith.constant 1.000000e+00 : f32
    %div3A_43 = vector.broadcast %div3A : f32 to vector<2048x1xf32>
    %div3A_44 = arith.divf %div3A_43, %add3A_42 : vector<2048x1xf32>
    %reshape3A = vector.shape_cast %div3A_44 : vector<2048x1xf32> to vector<16x128xf32>
    %swap3A_45 = arith.constant 0 : index
    %swap3A_46 = arith.constant 0 : index
    %swap3A_47 = vector.load %arg5[%swap3A_45, %swap3A_46] : memref<16x128xf32, #tpu.memory_space<vmem>>, vector<16x128xf32>
    tpu.vector_store %arg5[%swap3A_45, %swap3A_46], %reshape3A {strides = array<i32>} : memref<16x128xf32, #tpu.memory_space<vmem>>, vector<16x128xf32>,
    %add3A_48 = arith.constant 1.000000e+00 : f32
    %add3A_49 = vector.broadcast %add3A_48 : f32 to vector<2048x1xf32>
    %add3A_50 = arith.addf %add3A_49, %exp3A : vector<2048x1xf32>
    %div3A_51 = arith.divf %exp3A, %add3A_50 : vector<2048x1xf32>
    %reshape3A_52 = vector.shape_cast %div3A_51 : vector<2048x1xf32> to vector<16x128xf32>
    %swap3A_53 = arith.constant 0 : index
    %swap3A_54 = arith.constant 0 : index
    %swap3A_55 = vector.load %arg6[%swap3A_53, %swap3A_54] : memref<16x128xf32, #tpu.memory_space<vmem>>, vector<16x128xf32>
    tpu.vector_store %arg6[%swap3A_53, %swap3A_54], %reshape3A_52 {strides = array<i32>} : memref<16x128xf32, #tpu.memory_space<vmem>>, vector<16x128xf32>,
    %sub3A_56 = vector.broadcast %broadcast_in_dim3A : vector<2048x1xf32> to vector<2048x16xf32>
    %sub3A_57 = arith.subf %add3A_18, %sub3A_56 : vector<2048x16xf32>
    %exp3A_58 = math.exp %sub3A_57 : vector<2048x16xf32>
    %reduce_sum3A = arith.constant dense<0.000000e+00> : vector<2048xf32>
    %reduce_sum3A_59 = vector.multi_reduction <add>, %exp3A_58, %reduce_sum3A [1] : vector<2048x16xf32> to vector<2048xf32>
    %broadcast_in_dim3A_60 = vector.shape_cast %reduce_sum3A_59 : vector<2048xf32> to vector<2048x1xf32>
    %div3A_61 = vector.broadcast %broadcast_in_dim3A_60 : vector<2048x1xf32> to vector<2048x16xf32>
    %div3A_62 = arith.divf %exp3A_58, %div3A_61 : vector<2048x16xf32>
    %reduce_sum3A_63 = arith.constant dense<0.000000e+00> : vector<16xf32>
    %reduce_sum3A_64 = vector.multi_reduction <add>, %div3A_62, %reduce_sum3A_63 [0] : vector<2048x16xf32> to vector<16xf32>
    %broadcast_in_dim3A_65 = vector.shape_cast %reduce_sum3A_64 : vector<16xf32> to vector<1x16xf32>
    %div3A_66 = arith.constant 2.048000e+03 : f32
    %div3A_67 = vector.broadcast %div3A_66 : f32 to vector<1x16xf32>
    %div3A_68 = arith.divf %broadcast_in_dim3A_65, %div3A_67 : vector<1x16xf32>
    %eq3A_69 = vector.broadcast %broadcast_in_dim3A_23 : vector<2048x1xi32> to vector<2048x16xi32>
    %eq3A_70 = arith.cmpi eq, %iota3A, %eq3A_69 : vector<2048x16xi32>
    %convert_element_type3A_71 = arith.extui %eq3A_70 : vector<2048x16xi1> to vector<2048x16xi32>
    %eq3A_72 = vector.broadcast %broadcast_in_dim3A_39 : vector<2048x1xi32> to vector<2048x16xi32>
    %eq3A_73 = arith.cmpi eq, %iota3A, %eq3A_72 : vector<2048x16xi32>
    %convert_element_type3A_74 = arith.extui %eq3A_73 : vector<2048x16xi1> to vector<2048x16xi32>
    %add3A_75 = arith.addi %convert_element_type3A_71, %convert_element_type3A_74 : vector<2048x16xi32>
    %convert_element_type3A_76 = arith.sitofp %add3A_75 : vector<2048x16xi32> to vector<2048x16xf32>
    %reduce_sum3A_77 = arith.constant dense<0.000000e+00> : vector<16xf32>
    %reduce_sum3A_78 = vector.multi_reduction <add>, %convert_element_type3A_76, %reduce_sum3A_77 [0] : vector<2048x16xf32> to vector<16xf32>
    %broadcast_in_dim3A_79 = vector.shape_cast %reduce_sum3A_78 : vector<16xf32> to vector<1x16xf32>
    %div3A_80 = arith.constant 2.048000e+03 : f32
    %div3A_81 = vector.broadcast %div3A_80 : f32 to vector<1x16xf32>
    %div3A_82 = arith.divf %broadcast_in_dim3A_79, %div3A_81 : vector<1x16xf32>
    %mul3A = arith.mulf %div3A_82, %div3A_68 : vector<1x16xf32>
    %reduce_sum3A_83 = vector.shape_cast %mul3A : vector<1x16xf32> to vector<1x1x16xf32>
    %reduce_sum3A_84 = arith.constant dense<0.000000e+00> : vector<1xf32>
    %reduce_sum3A_85 = vector.multi_reduction <add>, %reduce_sum3A_83, %reduce_sum3A_84 [1, 2] : vector<1x1x16xf32> to vector<1xf32>
    %reduce_sum3A_86 = vector.shape_cast %reduce_sum3A_85 : vector<1xf32> to vector<1x1x1xf32>
    %reduce_sum3A_87 = vector.extract %reduce_sum3A_86[0, 0, 0] : f32 from vector<1x1x1xf32>
    %broadcast_in_dim3A_88 = vector.broadcast %reduce_sum3A_87 : f32 to vector<1x1xf32>
    %mul3A_89 = arith.constant 1.600000e-01 : f32
    %mul3A_90 = vector.broadcast %mul3A_89 : f32 to vector<1x1xf32>
    %mul3A_91 = arith.mulf %mul3A_90, %broadcast_in_dim3A_88 : vector<1x1xf32>
    %swap3A_92 = arith.constant 0 : index
    %swap3A_93 = arith.constant 0 : index
    %swap3A_94 = vector.load %arg9[%swap3A_92, %swap3A_93] : memref<1x1xf32, #tpu.memory_space<vmem>>, vector<1x1xf32>
    tpu.vector_store %arg9[%swap3A_92, %swap3A_93], %mul3A_91 {strides = array<i32>} : memref<1x1xf32, #tpu.memory_space<vmem>>, vector<1x1xf32>,
    %add3A_95 = arith.addi %convert_element_type3A_71, %convert_element_type3A_74 : vector<2048x16xi32>
    %broadcast_in_dim3A_96 = arith.constant 0 : i32
    %broadcast_in_dim3A_97 = vector.broadcast %broadcast_in_dim3A_96 : i32 to vector<1x16xi32>
    %slice3A_98 = vector.extract_strided_slice %add3A_95 {offsets = [0, 0], sizes = [2047, 16], strides = [1, 1]} : vector<2048x16xi32> to vector<2047x16xi32>
    %concatenate3A = tpu.concatenate %broadcast_in_dim3A_97, %slice3A_98 in 0 : vector<1x16xi32>, vector<2047x16xi32> -> vector<2048x16xi32>
    %add3A_99 = arith.addi %add3A_95, %concatenate3A : vector<2048x16xi32>
    %broadcast_in_dim3A_100 = arith.constant 0 : i32
    %broadcast_in_dim3A_101 = vector.broadcast %broadcast_in_dim3A_100 : i32 to vector<2x16xi32>
    %slice3A_102 = vector.extract_strided_slice %add3A_99 {offsets = [0, 0], sizes = [2046, 16], strides = [1, 1]} : vector<2048x16xi32> to vector<2046x16xi32>
    %concatenate3A_103 = tpu.concatenate %broadcast_in_dim3A_101, %slice3A_102 in 0 : vector<2x16xi32>, vector<2046x16xi32> -> vector<2048x16xi32>
    %add3A_104 = arith.addi %add3A_99, %concatenate3A_103 : vector<2048x16xi32>
    %broadcast_in_dim3A_105 = arith.constant 0 : i32
    %broadcast_in_dim3A_106 = vector.broadcast %broadcast_in_dim3A_105 : i32 to vector<4x16xi32>
    %slice3A_107 = vector.extract_strided_slice %add3A_104 {offsets = [0, 0], sizes = [2044, 16], strides = [1, 1]} : vector<2048x16xi32> to vector<2044x16xi32>
    %concatenate3A_108 = tpu.concatenate %broadcast_in_dim3A_106, %slice3A_107 in 0 : vector<4x16xi32>, vector<2044x16xi32> -> vector<2048x16xi32>
    %add3A_109 = arith.addi %add3A_104, %concatenate3A_108 : vector<2048x16xi32>
    %broadcast_in_dim3A_110 = arith.constant 0 : i32
    %broadcast_in_dim3A_111 = vector.broadcast %broadcast_in_dim3A_110 : i32 to vector<8x16xi32>
    %slice3A_112 = vector.extract_strided_slice %add3A_109 {offsets = [0, 0], sizes = [2040, 16], strides = [1, 1]} : vector<2048x16xi32> to vector<2040x16xi32>
    %concatenate3A_113 = tpu.concatenate %broadcast_in_dim3A_111, %slice3A_112 in 0 : vector<8x16xi32>, vector<2040x16xi32> -> vector<2048x16xi32>
    %add3A_114 = arith.addi %add3A_109, %concatenate3A_113 : vector<2048x16xi32>
    %broadcast_in_dim3A_115 = arith.constant 0 : i32
    %broadcast_in_dim3A_116 = vector.broadcast %broadcast_in_dim3A_115 : i32 to vector<16x16xi32>
    %slice3A_117 = vector.extract_strided_slice %add3A_114 {offsets = [0, 0], sizes = [2032, 16], strides = [1, 1]} : vector<2048x16xi32> to vector<2032x16xi32>
    %concatenate3A_118 = tpu.concatenate %broadcast_in_dim3A_116, %slice3A_117 in 0 : vector<16x16xi32>, vector<2032x16xi32> -> vector<2048x16xi32>
    %add3A_119 = arith.addi %add3A_114, %concatenate3A_118 : vector<2048x16xi32>
    %broadcast_in_dim3A_120 = arith.constant 0 : i32
    %broadcast_in_dim3A_121 = vector.broadcast %broadcast_in_dim3A_120 : i32 to vector<32x16xi32>
    %slice3A_122 = vector.extract_strided_slice %add3A_119 {offsets = [0, 0], sizes = [2016, 16], strides = [1, 1]} : vector<2048x16xi32> to vector<2016x16xi32>
    %concatenate3A_123 = tpu.concatenate %broadcast_in_dim3A_121, %slice3A_122 in 0 : vector<32x16xi32>, vector<2016x16xi32> -> vector<2048x16xi32>
    %add3A_124 = arith.addi %add3A_119, %concatenate3A_123 : vector<2048x16xi32>
    %broadcast_in_dim3A_125 = arith.constant 0 : i32
    %broadcast_in_dim3A_126 = vector.broadcast %broadcast_in_dim3A_125 : i32 to vector<64x16xi32>
    %slice3A_127 = vector.extract_strided_slice %add3A_124 {offsets = [0, 0], sizes = [1984, 16], strides = [1, 1]} : vector<2048x16xi32> to vector<1984x16xi32>
    %concatenate3A_128 = tpu.concatenate %broadcast_in_dim3A_126, %slice3A_127 in 0 : vector<64x16xi32>, vector<1984x16xi32> -> vector<2048x16xi32>
    %add3A_129 = arith.addi %add3A_124, %concatenate3A_128 : vector<2048x16xi32>
    %broadcast_in_dim3A_130 = arith.constant 0 : i32
    %broadcast_in_dim3A_131 = vector.broadcast %broadcast_in_dim3A_130 : i32 to vector<128x16xi32>
    %slice3A_132 = vector.extract_strided_slice %add3A_129 {offsets = [0, 0], sizes = [1920, 16], strides = [1, 1]} : vector<2048x16xi32> to vector<1920x16xi32>
    %concatenate3A_133 = tpu.concatenate %broadcast_in_dim3A_131, %slice3A_132 in 0 : vector<128x16xi32>, vector<1920x16xi32> -> vector<2048x16xi32>
    %add3A_134 = arith.addi %add3A_129, %concatenate3A_133 : vector<2048x16xi32>
    %broadcast_in_dim3A_135 = arith.constant 0 : i32
    %broadcast_in_dim3A_136 = vector.broadcast %broadcast_in_dim3A_135 : i32 to vector<256x16xi32>
    %slice3A_137 = vector.extract_strided_slice %add3A_134 {offsets = [0, 0], sizes = [1792, 16], strides = [1, 1]} : vector<2048x16xi32> to vector<1792x16xi32>
    %concatenate3A_138 = tpu.concatenate %broadcast_in_dim3A_136, %slice3A_137 in 0 : vector<256x16xi32>, vector<1792x16xi32> -> vector<2048x16xi32>
    %add3A_139 = arith.addi %add3A_134, %concatenate3A_138 : vector<2048x16xi32>
    %broadcast_in_dim3A_140 = arith.constant 0 : i32
    %broadcast_in_dim3A_141 = vector.broadcast %broadcast_in_dim3A_140 : i32 to vector<512x16xi32>
    %slice3A_142 = vector.extract_strided_slice %add3A_139 {offsets = [0, 0], sizes = [1536, 16], strides = [1, 1]} : vector<2048x16xi32> to vector<1536x16xi32>
    %concatenate3A_143 = tpu.concatenate %broadcast_in_dim3A_141, %slice3A_142 in 0 : vector<512x16xi32>, vector<1536x16xi32> -> vector<2048x16xi32>
    %add3A_144 = arith.addi %add3A_139, %concatenate3A_143 : vector<2048x16xi32>
    %broadcast_in_dim3A_145 = arith.constant 0 : i32
    %broadcast_in_dim3A_146 = vector.broadcast %broadcast_in_dim3A_145 : i32 to vector<1024x16xi32>
    %slice3A_147 = vector.extract_strided_slice %add3A_144 {offsets = [0, 0], sizes = [1024, 16], strides = [1, 1]} : vector<2048x16xi32> to vector<1024x16xi32>
    %concatenate3A_148 = tpu.concatenate %broadcast_in_dim3A_146, %slice3A_147 in 0 : vector<1024x16xi32>, vector<1024x16xi32> -> vector<2048x16xi32>
    %add3A_149 = arith.addi %add3A_144, %concatenate3A_148 : vector<2048x16xi32>
    %sub3A_150 = arith.subi %add3A_149, %add3A_95 : vector<2048x16xi32>
    %slice3A_151 = vector.extract_strided_slice %add3A_149 {offsets = [2047, 0], sizes = [1, 16], strides = [1, 1]} : vector<2048x16xi32> to vector<1x16xi32>
    %add3A_152 = arith.constant 127 : i32
    %add3A_153 = vector.broadcast %add3A_152 : i32 to vector<1x16xi32>
    %add3A_154 = arith.addi %slice3A_151, %add3A_153 : vector<1x16xi32>
    %shift_right_arithmetic3A = arith.constant 7 : i32
    %shift_right_arithmetic3A_155 = vector.broadcast %shift_right_arithmetic3A : i32 to vector<1x16xi32>
    %shift_right_arithmetic3A_156 = arith.shrsi %add3A_154, %shift_right_arithmetic3A_155 : vector<1x16xi32>
    %broadcast_in_dim3A_157 = arith.constant 0 : i32
    %broadcast_in_dim3A_158 = vector.broadcast %broadcast_in_dim3A_157 : i32 to vector<1x1xi32>
    %slice3A_159 = vector.extract_strided_slice %shift_right_arithmetic3A_156 {offsets = [0, 0], sizes = [1, 15], strides = [1, 1]} : vector<1x16xi32> to vector<1x15xi32>
    %concatenate3A_160 = tpu.concatenate %broadcast_in_dim3A_158, %slice3A_159 in 1 : vector<1x1xi32>, vector<1x15xi32> -> vector<1x16xi32>
    %add3A_161 = arith.addi %shift_right_arithmetic3A_156, %concatenate3A_160 : vector<1x16xi32>
    %broadcast_in_dim3A_162 = arith.constant 0 : i32
    %broadcast_in_dim3A_163 = vector.broadcast %broadcast_in_dim3A_162 : i32 to vector<1x2xi32>
    %slice3A_164 = vector.extract_strided_slice %add3A_161 {offsets = [0, 0], sizes = [1, 14], strides = [1, 1]} : vector<1x16xi32> to vector<1x14xi32>
    %concatenate3A_165 = tpu.concatenate %broadcast_in_dim3A_163, %slice3A_164 in 1 : vector<1x2xi32>, vector<1x14xi32> -> vector<1x16xi32>
    %add3A_166 = arith.addi %add3A_161, %concatenate3A_165 : vector<1x16xi32>
    %broadcast_in_dim3A_167 = arith.constant 0 : i32
    %broadcast_in_dim3A_168 = vector.broadcast %broadcast_in_dim3A_167 : i32 to vector<1x4xi32>
    %slice3A_169 = vector.extract_strided_slice %add3A_166 {offsets = [0, 0], sizes = [1, 12], strides = [1, 1]} : vector<1x16xi32> to vector<1x12xi32>
    %concatenate3A_170 = tpu.concatenate %broadcast_in_dim3A_168, %slice3A_169 in 1 : vector<1x4xi32>, vector<1x12xi32> -> vector<1x16xi32>
    %add3A_171 = arith.addi %add3A_166, %concatenate3A_170 : vector<1x16xi32>
    %broadcast_in_dim3A_172 = arith.constant 0 : i32
    %broadcast_in_dim3A_173 = vector.broadcast %broadcast_in_dim3A_172 : i32 to vector<1x8xi32>
    %slice3A_174 = vector.extract_strided_slice %add3A_171 {offsets = [0, 0], sizes = [1, 8], strides = [1, 1]} : vector<1x16xi32> to vector<1x8xi32>
    %concatenate3A_175 = tpu.concatenate %broadcast_in_dim3A_173, %slice3A_174 in 1 : vector<1x8xi32>, vector<1x8xi32> -> vector<1x16xi32>
    %add3A_176 = arith.addi %add3A_171, %concatenate3A_175 : vector<1x16xi32>
    %sub3A_177 = arith.subi %add3A_176, %shift_right_arithmetic3A_156 : vector<1x16xi32>
    %mul3A_178 = arith.constant 128 : i32
    %mul3A_179 = vector.broadcast %mul3A_178 : i32 to vector<1x16xi32>
    %mul3A_180 = arith.muli %sub3A_177, %mul3A_179 : vector<1x16xi32>
    %mul3A_181 = arith.muli %convert_element_type3A_71, %sub3A_150 : vector<2048x16xi32>
    %reduce_sum3A_182 = arith.constant dense<0> : vector<2048xi32>
    %reduce_sum3A_183 = vector.multi_reduction <add>, %mul3A_181, %reduce_sum3A_182 [1] : vector<2048x16xi32> to vector<2048xi32>
    %broadcast_in_dim3A_184 = vector.shape_cast %reduce_sum3A_183 : vector<2048xi32> to vector<2048x1xi32>
    %mul3A_185 = arith.muli %convert_element_type3A_74, %sub3A_150 : vector<2048x16xi32>
    %reduce_sum3A_186 = arith.constant dense<0> : vector<2048xi32>
    %reduce_sum3A_187 = vector.multi_reduction <add>, %mul3A_185, %reduce_sum3A_186 [1] : vector<2048x16xi32> to vector<2048xi32>
    %broadcast_in_dim3A_188 = vector.shape_cast %reduce_sum3A_187 : vector<2048xi32> to vector<2048x1xi32>
    %mul3A_189 = vector.broadcast %mul3A_180 : vector<1x16xi32> to vector<2048x16xi32>
    %mul3A_190 = arith.muli %convert_element_type3A_71, %mul3A_189 : vector<2048x16xi32>
    %reduce_sum3A_191 = arith.constant dense<0> : vector<2048xi32>
    %reduce_sum3A_192 = vector.multi_reduction <add>, %mul3A_190, %reduce_sum3A_191 [1] : vector<2048x16xi32> to vector<2048xi32>
    %broadcast_in_dim3A_193 = vector.shape_cast %reduce_sum3A_192 : vector<2048xi32> to vector<2048x1xi32>
    %mul3A_194 = vector.broadcast %mul3A_180 : vector<1x16xi32> to vector<2048x16xi32>
    %mul3A_195 = arith.muli %convert_element_type3A_74, %mul3A_194 : vector<2048x16xi32>
    %reduce_sum3A_196 = arith.constant dense<0> : vector<2048xi32>
    %reduce_sum3A_197 = vector.multi_reduction <add>, %mul3A_195, %reduce_sum3A_196 [1] : vector<2048x16xi32> to vector<2048xi32>
    %broadcast_in_dim3A_198 = vector.shape_cast %reduce_sum3A_197 : vector<2048xi32> to vector<2048x1xi32>
    %add3A_199 = arith.addi %broadcast_in_dim3A_193, %broadcast_in_dim3A_184 : vector<2048x1xi32>
    %reshape3A_200 = vector.shape_cast %add3A_199 : vector<2048x1xi32> to vector<16x128xi32>
    %swap3A_201 = arith.constant 0 : index
    %swap3A_202 = arith.constant 0 : index
    %swap3A_203 = vector.load %arg3[%swap3A_201, %swap3A_202] : memref<16x128xi32, #tpu.memory_space<vmem>>, vector<16x128xi32>
    tpu.vector_store %arg3[%swap3A_201, %swap3A_202], %reshape3A_200 {strides = array<i32>} : memref<16x128xi32, #tpu.memory_space<vmem>>, vector<16x128xi32>,
    %add3A_204 = arith.addi %broadcast_in_dim3A_198, %broadcast_in_dim3A_188 : vector<2048x1xi32>
    %reshape3A_205 = vector.shape_cast %add3A_204 : vector<2048x1xi32> to vector<16x128xi32>
    %swap3A_206 = arith.constant 0 : index
    %swap3A_207 = arith.constant 0 : index
    %swap3A_208 = vector.load %arg4[%swap3A_206, %swap3A_207] : memref<16x128xi32, #tpu.memory_space<vmem>>, vector<16x128xi32>
    tpu.vector_store %arg4[%swap3A_206, %swap3A_207], %reshape3A_205 {strides = array<i32>} : memref<16x128xi32, #tpu.memory_space<vmem>>, vector<16x128xi32>,
    %iota3A_209 = tpu.iota {dimensions = array<i32: 0>} : vector<48x16xi32>
    %broadcast_in_dim3A_210 = vector.shape_cast %add3A_176 : vector<1x16xi32> to vector<1x16xi32>
    %broadcast_in_dim3A_211 = vector.broadcast %broadcast_in_dim3A_210 : vector<1x16xi32> to vector<48x16xi32>
    %le3A = arith.cmpi sle, %broadcast_in_dim3A_211, %iota3A_209 : vector<48x16xi32>
    %convert_element_type3A_212 = arith.extui %le3A : vector<48x16xi1> to vector<48x16xi32>
    %reduce_sum3A_213 = arith.constant dense<0> : vector<48xi32>
    %reduce_sum3A_214 = vector.multi_reduction <add>, %convert_element_type3A_212, %reduce_sum3A_213 [1] : vector<48x16xi32> to vector<48xi32>
    %broadcast_in_dim3A_215 = vector.shape_cast %reduce_sum3A_214 : vector<48xi32> to vector<48x1xi32>
    %min3A = arith.constant 15 : i32
    %min3A_216 = vector.broadcast %min3A : i32 to vector<48x1xi32>
    %min3A_217 = arith.minsi %broadcast_in_dim3A_215, %min3A_216 : vector<48x1xi32>
    %swap3A_218 = arith.constant 0 : index
    %swap3A_219 = arith.constant 0 : index
    %swap3A_220 = vector.load %arg7[%swap3A_218, %swap3A_219] : memref<48x1xi32, #tpu.memory_space<vmem>>, vector<48x1xi32>
    tpu.vector_store %arg7[%swap3A_218, %swap3A_219], %min3A_217 {strides = array<i32>} : memref<48x1xi32, #tpu.memory_space<vmem>>, vector<48x1xi32>,
    %slice3A_221 = vector.extract_strided_slice %add3A_176 {offsets = [0, 15], sizes = [1, 1], strides = [1, 1]} : vector<1x16xi32> to vector<1x1xi32>
    %swap3A_222 = arith.constant 0 : index
    %swap3A_223 = arith.constant 0 : index
    %swap3A_224 = vector.load %arg8[%swap3A_222, %swap3A_223] : memref<1x1xi32, #tpu.memory_space<vmem>>, vector<1x1xi32>
    tpu.vector_store %arg8[%swap3A_222, %swap3A_223], %slice3A_221 {strides = array<i32>} : memref<1x1xi32, #tpu.memory_space<vmem>>, vector<1x1xi32>,
    return
  }
}

module attributes {stable_mosaic.version = 14 : i64} {
  func.func @_expert_body(%arg0: i32, %arg1: memref<48xi32, #tpu.memory_space<smem>>, %arg2: memref<1xi32, #tpu.memory_space<smem>>, %arg3: memref<128x384xi32, #tpu.memory_space<vmem>>, %arg4: memref<1x768x1024xf32, #tpu.memory_space<vmem>>, %arg5: memref<1x1x1024xf32, #tpu.memory_space<vmem>>, %arg6: memref<1x512x768xf32, #tpu.memory_space<vmem>>, %arg7: memref<1x1x768xf32, #tpu.memory_space<vmem>>, %arg8: memref<128x384xi32, #tpu.memory_space<vmem>>) attributes {dimension_semantics = [#tpu.dimension_semantics<arbitrary>], iteration_bounds = array<i64: 48>, scalar_prefetch = 2 : i64, scratch_operands = 0 : i64, tpu.core_type = #tpu.core_type<tc>, window_params = [{transform_indices = @transform_0, window_bounds = array<i64: 128, 384>}, {transform_indices = @transform_1, window_bounds = array<i64: 1, 768, 1024>}, {transform_indices = @transform_2, window_bounds = array<i64: 1, 1, 1024>}, {transform_indices = @transform_3, window_bounds = array<i64: 1, 512, 768>}, {transform_indices = @transform_4, window_bounds = array<i64: 1, 1, 768>}, {transform_indices = @transform_5, window_bounds = array<i64: 128, 384>}]} {
    %get3A = arith.constant 0 : index
    %get3A_0 = memref.load %arg2[%get3A] : memref<1xi32, #tpu.memory_space<smem>>
    %lt3A = arith.cmpi slt, %arg0, %get3A_0 : i32
    %convert_element_type3A = arith.extui %lt3A : i1 to i32
    %cond3A = arith.constant 0 : i32
    %cond3A_1 = arith.cmpi ne, %convert_element_type3A, %cond3A : i32
    scf.if %cond3A_1 {
      %get3A_2 = arith.constant 0 : index
      %get3A_3 = arith.constant 0 : index
      %get3A_4 = vector.load %arg3[%get3A_2, %get3A_3] : memref<128x384xi32, #tpu.memory_space<vmem>>, vector<128x384xi32>
      %bitcast_convert_type3A = tpu.bitcast %get3A_4 : vector<128x384xi32> -> vector<128x384xi32>
      %shift_left3A = arith.constant 16 : i32
      %shift_left3A_5 = vector.broadcast %shift_left3A : i32 to vector<128x384xi32>
      %shift_left3A_6 = arith.shli %bitcast_convert_type3A, %shift_left3A_5 : vector<128x384xi32>
      %bitcast_convert_type3A_7 = tpu.bitcast %shift_left3A_6 : vector<128x384xi32> -> vector<128x384xf32>
      %and3A = arith.constant -65536 : i32
      %and3A_8 = vector.broadcast %and3A : i32 to vector<128x384xi32>
      %and3A_9 = arith.andi %bitcast_convert_type3A, %and3A_8 : vector<128x384xi32>
      %bitcast_convert_type3A_10 = tpu.bitcast %and3A_9 : vector<128x384xi32> -> vector<128x384xf32>
      %concatenate3A = tpu.concatenate %bitcast_convert_type3A_7, %bitcast_convert_type3A_10 in 1 : vector<128x384xf32>, vector<128x384xf32> -> vector<128x768xf32>
      %get3A_11 = arith.constant 0 : index
      %get3A_12 = arith.constant 0 : index
      %get3A_13 = arith.constant 0 : index
      %get3A_14 = vector.load %arg4[%get3A_11, %get3A_12, %get3A_13] : memref<1x768x1024xf32, #tpu.memory_space<vmem>>, vector<1x768x1024xf32>
      %get3A_15 = vector.shape_cast %get3A_14 : vector<1x768x1024xf32> to vector<768x1024xf32>
      %dot_general3A = arith.constant dense<0.000000e+00> : vector<128x1024xf32>
      %dot_general3A_16 = tpu.matmul %concatenate3A, %get3A_15, %dot_general3A {dimension_numbers = #tpu.dot_dimension_numbers<[1], [0], [0], [1], [0, 0, 1, 1], [], []>, transpose_lhs_hint = false} : vector<128x768xf32>, vector<768x1024xf32>, vector<128x1024xf32> -> vector<128x1024xf32>
      %get3A_17 = arith.constant 0 : index
      %get3A_18 = arith.constant 0 : index
      %get3A_19 = arith.constant 0 : index
      %get3A_20 = vector.load %arg5[%get3A_17, %get3A_18, %get3A_19] : memref<1x1x1024xf32, #tpu.memory_space<vmem>>, vector<1x1x1024xf32>
      %get3A_21 = vector.shape_cast %get3A_20 : vector<1x1x1024xf32> to vector<1x1024xf32>
      %add3A = vector.broadcast %get3A_21 : vector<1x1024xf32> to vector<128x1024xf32>
      %add3A_22 = arith.addf %dot_general3A_16, %add3A : vector<128x1024xf32>
      %slice3A = vector.extract_strided_slice %add3A_22 {offsets = [0, 0], sizes = [128, 512], strides = [1, 1]} : vector<128x1024xf32> to vector<128x512xf32>
      %slice3A_23 = vector.extract_strided_slice %add3A_22 {offsets = [0, 512], sizes = [128, 512], strides = [1, 1]} : vector<128x1024xf32> to vector<128x512xf32>
      %mul3A = arith.constant 5.000000e-01 : f32
      %mul3A_24 = vector.broadcast %mul3A : f32 to vector<128x512xf32>
      %mul3A_25 = arith.mulf %mul3A_24, %slice3A_23 : vector<128x512xf32>
      %div3A = arith.constant 1.41421354 : f32
      %div3A_26 = vector.broadcast %div3A : f32 to vector<128x512xf32>
      %div3A_27 = arith.divf %slice3A_23, %div3A_26 : vector<128x512xf32>
      %erf3A = math.erf %div3A_27 : vector<128x512xf32>
      %add3A_28 = arith.constant 1.000000e+00 : f32
      %add3A_29 = vector.broadcast %add3A_28 : f32 to vector<128x512xf32>
      %add3A_30 = arith.addf %add3A_29, %erf3A : vector<128x512xf32>
      %mul3A_31 = arith.mulf %mul3A_25, %add3A_30 : vector<128x512xf32>
      %mul3A_32 = arith.mulf %slice3A, %mul3A_31 : vector<128x512xf32>
      %get3A_33 = arith.constant 0 : index
      %get3A_34 = arith.constant 0 : index
      %get3A_35 = arith.constant 0 : index
      %get3A_36 = vector.load %arg6[%get3A_33, %get3A_34, %get3A_35] : memref<1x512x768xf32, #tpu.memory_space<vmem>>, vector<1x512x768xf32>
      %get3A_37 = vector.shape_cast %get3A_36 : vector<1x512x768xf32> to vector<512x768xf32>
      %dot_general3A_38 = arith.constant dense<0.000000e+00> : vector<128x768xf32>
      %dot_general3A_39 = tpu.matmul %mul3A_32, %get3A_37, %dot_general3A_38 {dimension_numbers = #tpu.dot_dimension_numbers<[1], [0], [0], [1], [0, 0, 1, 1], [], []>, transpose_lhs_hint = false} : vector<128x512xf32>, vector<512x768xf32>, vector<128x768xf32> -> vector<128x768xf32>
      %get3A_40 = arith.constant 0 : index
      %get3A_41 = arith.constant 0 : index
      %get3A_42 = arith.constant 0 : index
      %get3A_43 = vector.load %arg7[%get3A_40, %get3A_41, %get3A_42] : memref<1x1x768xf32, #tpu.memory_space<vmem>>, vector<1x1x768xf32>
      %get3A_44 = vector.shape_cast %get3A_43 : vector<1x1x768xf32> to vector<1x768xf32>
      %add3A_45 = vector.broadcast %get3A_44 : vector<1x768xf32> to vector<128x768xf32>
      %add3A_46 = arith.addf %dot_general3A_39, %add3A_45 : vector<128x768xf32>
      %convert_element_type3A_47 = arith.truncf %add3A_46 : vector<128x768xf32> to vector<128x768xbf16>
      %slice3A_48 = vector.extract_strided_slice %convert_element_type3A_47 {offsets = [0, 0], sizes = [128, 384], strides = [1, 1]} : vector<128x768xbf16> to vector<128x384xbf16>
      %bitcast_convert_type3A_49 = tpu.bitcast %slice3A_48 : vector<128x384xbf16> -> vector<128x384xi16>
      %convert_element_type3A_50 = arith.extui %bitcast_convert_type3A_49 : vector<128x384xi16> to vector<128x384xi32>
      %slice3A_51 = vector.extract_strided_slice %convert_element_type3A_47 {offsets = [0, 384], sizes = [128, 384], strides = [1, 1]} : vector<128x768xbf16> to vector<128x384xbf16>
      %bitcast_convert_type3A_52 = tpu.bitcast %slice3A_51 : vector<128x384xbf16> -> vector<128x384xi16>
      %convert_element_type3A_53 = arith.extui %bitcast_convert_type3A_52 : vector<128x384xi16> to vector<128x384xi32>
      %shift_left3A_54 = arith.constant 16 : i32
      %shift_left3A_55 = vector.broadcast %shift_left3A_54 : i32 to vector<128x384xi32>
      %shift_left3A_56 = arith.shli %convert_element_type3A_53, %shift_left3A_55 : vector<128x384xi32>
      %or3A = arith.ori %convert_element_type3A_50, %shift_left3A_56 : vector<128x384xi32>
      %bitcast_convert_type3A_57 = tpu.bitcast %or3A : vector<128x384xi32> -> vector<128x384xi32>
      %swap3A = arith.constant 0 : index
      %swap3A_58 = arith.constant 0 : index
      %swap3A_59 = vector.load %arg8[%swap3A, %swap3A_58] : memref<128x384xi32, #tpu.memory_space<vmem>>, vector<128x384xi32>
      tpu.vector_store %arg8[%swap3A, %swap3A_58], %bitcast_convert_type3A_57 {strides = array<i32>} : memref<128x384xi32, #tpu.memory_space<vmem>>, vector<128x384xi32>,
    } else {
    }
    return
  }
  func.func @transform_0(%arg0: i32, %arg1: memref<48xi32, #tpu.memory_space<smem>>, %arg2: memref<1xi32, #tpu.memory_space<smem>>) -> (i32, i32) {
    %c0_i32 = arith.constant 0 : i32
    %c0_i32_0 = arith.constant 0 : i32
    return %arg0, %c0_i32 : i32, i32
  }
  func.func @transform_1(%arg0: i32, %arg1: memref<48xi32, #tpu.memory_space<smem>>, %arg2: memref<1xi32, #tpu.memory_space<smem>>) -> (i32, i32, i32) {
    %get3A = arith.index_cast %arg0 : i32 to index
    %get3A_0 = memref.load %arg1[%get3A] : memref<48xi32, #tpu.memory_space<smem>>
    %c0_i32 = arith.constant 0 : i32
    %c0_i32_1 = arith.constant 0 : i32
    %c0_i32_2 = arith.constant 0 : i32
    return %get3A_0, %c0_i32, %c0_i32_1 : i32, i32, i32
  }
  func.func @transform_2(%arg0: i32, %arg1: memref<48xi32, #tpu.memory_space<smem>>, %arg2: memref<1xi32, #tpu.memory_space<smem>>) -> (i32, i32, i32) {
    %get3A = arith.index_cast %arg0 : i32 to index
    %get3A_0 = memref.load %arg1[%get3A] : memref<48xi32, #tpu.memory_space<smem>>
    %c0_i32 = arith.constant 0 : i32
    %c0_i32_1 = arith.constant 0 : i32
    %c0_i32_2 = arith.constant 0 : i32
    return %get3A_0, %c0_i32, %c0_i32_1 : i32, i32, i32
  }
  func.func @transform_3(%arg0: i32, %arg1: memref<48xi32, #tpu.memory_space<smem>>, %arg2: memref<1xi32, #tpu.memory_space<smem>>) -> (i32, i32, i32) {
    %get3A = arith.index_cast %arg0 : i32 to index
    %get3A_0 = memref.load %arg1[%get3A] : memref<48xi32, #tpu.memory_space<smem>>
    %c0_i32 = arith.constant 0 : i32
    %c0_i32_1 = arith.constant 0 : i32
    %c0_i32_2 = arith.constant 0 : i32
    return %get3A_0, %c0_i32, %c0_i32_1 : i32, i32, i32
  }
  func.func @transform_4(%arg0: i32, %arg1: memref<48xi32, #tpu.memory_space<smem>>, %arg2: memref<1xi32, #tpu.memory_space<smem>>) -> (i32, i32, i32) {
    %get3A = arith.index_cast %arg0 : i32 to index
    %get3A_0 = memref.load %arg1[%get3A] : memref<48xi32, #tpu.memory_space<smem>>
    %c0_i32 = arith.constant 0 : i32
    %c0_i32_1 = arith.constant 0 : i32
    %c0_i32_2 = arith.constant 0 : i32
    return %get3A_0, %c0_i32, %c0_i32_1 : i32, i32, i32
  }
  func.func @transform_5(%arg0: i32, %arg1: memref<48xi32, #tpu.memory_space<smem>>, %arg2: memref<1xi32, #tpu.memory_space<smem>>) -> (i32, i32) {
    %c0_i32 = arith.constant 0 : i32
    %c0_i32_0 = arith.constant 0 : i32
    return %arg0, %c0_i32 : i32, i32
  }
}

</mosaic_0001>

<sc_bundles>
// kernel: kernel.6.cloned.1.call-start
scs
__scs_entry_jumppad:
0x0: {  	(pc) =	sbr.rel $0x88, $3  }
0x1: {  	(tag) =	ssettag $0x0;
	lr =	simm.s32 $0x1  }
0x2: {  	[smem:$0x3F9A] =	sst lr;
	_ =	strace $0xD0000000  }
0x3: {  	_ = 	snop  }
0x4: {  	_ = 	snop  }
0x5: {  	_ = 	snop  }
0x6: {  	_ = 	snop  }
0x7: {  	_ = 	snop  }
__scs_overlays_trampoline_lowered:
0x8: {  	[smem:$0x3FA9] =	sst s0  }
0x9: {  	[smem:$0x3FAA] =	sst s1  }
0xa: {  	[smem:$0x3FAB] =	sst s2  }
0xb: {  	[smem:$0x3FAC] =	sst s3  }
0xc: {  	[smem:$0x3FAD] =	sst s4  }
0xd: {  	[smem:$0x3FAE] =	sst s5  }
0xe: {  	[smem:$0x3FAF] =	sst s6  }
0xf: {  	[smem:$0x3FB0] =	sst s7  }
0x10: {  	[smem:$0x3FB1] =	sst s8  }
0x11: {  	[smem:$0x3FB2] =	sst s9;
	s0 =	simm.s32 @!p0 $0x0  }
0x12: {  	s1 =	sld [smem:$0x3F98];
	s0 =	simm.s32 @p0 $0x1  }
0x13: {  	[smem:$0x3FB3] =	sst s0;
	s0 =	simm.s32 @!p1 $0x0  }
0x14: {  	s2 =	sld [smem:$0x3F97];
	s0 =	simm.s32 @p1 $0x1  }
0x15: {  	[smem:$0x3FB4] =	sst s0;
	s0 =	simm.s32 @!p2 $0x0  }
0x16: {  	s3 =	sld [smem:$0x3FDB];
	s0 =	simm.s32 @p2 $0x1  }
0x17: {  	s4 =	simm.s32 $0x1BF5;
	[smem:$0x3FB6] =	sst s0  }
0x18: {  	s0 =	sld [smem:$0x3F99];
	_ =	swait.ge [sflag:s4], $0x0  }
0x19: {  	s7 =	sld [smem:$0x3F9A]  }
0x1a: {  	s8 =	sadd.s32 $0xFFFFE003, lr  }
0x1b: {  	s9 =	sadd.s32 $0xFFFFFEF7, lr;
	s5 =	simm.s32 $0xFFFFFFFF;
	p2 =	slt.u32 s8, $0xFFFFF086  }
0x1c: {  	p1 =	slt.u32 s9, $0xF7A;
	s5 =	simm.s32 @!p2 $0x0  }
0x1d: {  	s5 =	simm.s32 @p1 $0x1;
	p0 =	seq.s32 s7, s2  }
0x1e: {  	s7 =	smul.u32 @!p0 $0xF7A, s2;
	p2 =	seq.s32 @!p0 s5, $0x0  }
0x1f: {  	s9 =	smul.u32 $0xF7A, s1;
	s8 =	simm.s32 @!p0 $0x1BF5;
	p2 =	por !p2, p0  }
0x20: {  	[sflag:s8] =	ssyncset.s32 @!p0 $0xFFFFF086;
	s6 =	sadd.s32 @!p0 s3, s7;
	s7 =	simm.s32 @!p0 $0x108  }
0x21: {  	s3 =	sadd.s32 s3, s9;
	s6 =	sadd.s32 @!p0 $0x88, s6;
	s7 =	simm.s32 @p2 $0x1082  }
0x22: {  	[simem:s7], [sflag:s8] =	dma.local @!p0 [hbm:s6], $0xF7A  }
0x23: {  	s9 =	sor.u32 $0xD0000000, s2;
	s6 =	simm.s32 $0x108;
	_ =	swait.ge @!p0 [sflag:s8], $0x0  }
0x24: {  	s3 =	sadd.s32 $0x88, s3;
	s6 =	simm.s32 @!p1 $0x1082;
	[sflag:s4] =	ssyncset.s32 $0xFFFFF086  }
0x25: {  	[simem:s6], [sflag:s4] =	dma.local [hbm:s3], $0xF7A  }
0x26: {  	[smem:$0x3F9A] =	sst s1;
	(tag) =	ssettag s2;
	_ =	strace s9  }
0x27: {  	s1 =	sld [smem:$0x3FAA]  }
0x28: {  	s2 =	sld [smem:$0x3FAB]  }
0x29: {  	s4 =	sld [smem:$0x3FAD]  }
0x2a: {  	p0 =	seq.s32 s5, $0x0;
	s5 =	sld [smem:$0x3FAE]  }
0x2b: {  	s6 =	sld [smem:$0x3FAF]  }
0x2c: {  	s7 =	sld [smem:$0x3FB0]  }
0x2d: {  	s3 =	simm.s32 $0x108;
	s8 =	sld [smem:$0x3FB1]  }
0x2e: {  	s3 =	simm.s32 @!p0 $0x1082;
	s9 =	sld [smem:$0x3FB2]  }
0x2f: {  	lr =	sadd.s32 s0, s3;
	s0 =	sld [smem:$0x3FA9]  }
0x30: {  	s3 =	sld [smem:$0x3FAC]  }
0x31: {  	[smem:$0x3FB5] =	sst s10  }
0x32: {  	s10 =	sld [smem:$0x3FB3];
	_ =	sdelay $0x3  }
0x33: {  	p0 =	seq.s32 s10, $0x1;
	s10 =	sld [smem:$0x3FB5];
	_ =	sdelay $0x3  }
0x34: {  	[smem:$0x3FB5] =	sst s10  }
0x35: {  	s10 =	sld [smem:$0x3FB4];
	_ =	sdelay $0x3  }
0x36: {  	p1 =	seq.s32 s10, $0x1;
	s10 =	sld [smem:$0x3FB5];
	_ =	sdelay $0x3  }
0x37: {  	[smem:$0x3FB5] =	sst s10  }
0x38: {  	s10 =	sld [smem:$0x3FB6]  }
0x39: {  	_ = 	snop;
	(pc) =	sbr.ind lr, $3  }
0x3a: {  	_ = 	snop  }
0x3b: {  	_ = 	snop  }
0x3c: {  	p2 =	seq.s32 s10, $0x1;
	s10 =	sld [smem:$0x3FB5]  }
0x3d: {  	_ =	shalt  }
0x3e: {  	_ =	shalt  }
0x3f: {  	_ =	shalt  }
0x40: {  	_ =	shalt  }
0x41: {  	_ =	shalt  }
0x42: {  	_ =	shalt  }
0x43: {  	_ =	shalt  }
0x44: {  	_ =	shalt  }
0x45: {  	_ =	shalt  }
0x46: {  	_ =	shalt  }
0x47: {  	_ =	shalt  }
0x48: {  	_ =	shalt  }
0x49: {  	_ =	shalt  }
0x4a: {  	_ =	shalt  }
0x4b: {  	_ =	shalt  }
0x4c: {  	_ =	shalt  }
0x4d: {  	_ =	shalt  }
0x4e: {  	_ =	shalt  }
0x4f: {  	_ =	shalt  }
0x50: {  	_ =	shalt  }
0x51: {  	_ =	shalt  }
0x52: {  	_ =	shalt  }
0x53: {  	_ =	shalt  }
0x54: {  	_ =	shalt  }
0x55: {  	_ =	shalt  }
0x56: {  	_ =	shalt  }
0x57: {  	_ =	shalt  }
0x58: {  	_ =	shalt  }
0x59: {  	_ =	shalt  }
0x5a: {  	_ =	shalt  }
0x5b: {  	_ =	shalt  }
0x5c: {  	_ =	shalt  }
0x5d: {  	_ =	shalt  }
0x5e: {  	_ =	shalt  }
0x5f: {  	_ =	shalt  }
0x60: {  	_ =	shalt  }
0x61: {  	_ =	shalt  }
0x62: {  	_ =	shalt  }
0x63: {  	_ =	shalt  }
0x64: {  	_ =	shalt  }
0x65: {  	_ =	shalt  }
0x66: {  	_ =	shalt  }
0x67: {  	_ =	shalt  }
0x68: {  	_ =	shalt  }
0x69: {  	_ =	shalt  }
0x6a: {  	_ =	shalt  }
0x6b: {  	_ =	shalt  }
0x6c: {  	_ =	shalt  }
0x6d: {  	_ =	shalt  }
0x6e: {  	_ =	shalt  }
0x6f: {  	_ =	shalt  }
0x70: {  	_ =	shalt  }
0x71: {  	_ =	shalt  }
0x72: {  	_ =	shalt  }
0x73: {  	_ =	shalt  }
0x74: {  	_ =	shalt  }
0x75: {  	_ =	shalt  }
0x76: {  	_ =	shalt  }
0x77: {  	_ =	shalt  }
0x78: {  	_ =	shalt  }
0x79: {  	_ =	shalt  }
0x7a: {  	_ =	shalt  }
0x7b: {  	_ =	shalt  }
0x7c: {  	_ =	shalt  }
0x7d: {  	_ =	shalt  }
0x7e: {  	_ =	shalt  }
0x7f: {  	_ =	shalt  }
0x80: {  	_ =	shalt  }
0x81: {  	_ =	shalt  }
0x82: {  	_ =	shalt  }
0x83: {  	_ =	shalt  }
0x84: {  	_ =	shalt  }
0x85: {  	_ =	shalt  }
0x86: {  	_ =	shalt  }
0x87: {  	_ =	shalt  }
.Lfunc_end0:
.L_simem_size_0:
called_computation_lowered:
.L_overlay_start_0:
0x88: {  	s2 =	sld [smem:$0x3FD9]  }
0x89: {  	s3 =	sld [smem:$0x3FFE];
	_ =	sdelay $0x1  }
0x8a: {  	s1 =	srdreg.scid  }
0x8b: {  	s0 =	sand.u32 $0x1, s1  }
0x8c: {  	s14 =	sshll.u32 s0, $0xA;
	s2 =	sadd.s32 s3, s2  }
0x8d: {  	s2 =	sadd.s32 s2, s14  }
0x8e: {  	[smem:$0x3FC1] =	sst s2  }
0x8f: {  	_ = 	snop  }
0x90: {  	s2 =	sld [smem:$0x3FD0];
	_ =	sdelay $0x2  }
0x91: {  	s15 =	simm.s32 $0xA;
	s4 =	simm.s32 $0x10  }
0x92: {  	[smem:s4], [sflag:s15] =	dma.local [hbm:s2], $0x1  }
0x93: {  	_ =	swait.eq [sflag:s15], $0x1  }
0x94: {  	[sflag:s15] =	ssyncset.done $0x0  }
0x95: {  	[sflag:s15] =	ssyncadd.s32 $0xFFFFFFFF  }
0x96: {  	s16 =	sld [smem:$0x10];
	(tm) =	ssettm $0x1  }
0x97: {  	s17 =	sld [smem:$0x3FFB];
	_ =	sdelay $0x3  }
0x98: {  	_ =	strace s17  }
0x99: {  	s3 =	sld [smem:$0x3FFC];
	_ =	sdelay $0x3  }
0x9a: {  	_ =	strace s3  }
0x9b: {  	s3 =	sld [smem:$0x3FFD];
	_ =	sdelay $0x3  }
0x9c: {  	_ =	strace s3  }
0x9d: {  	_ =	strace $0x8FFFFFFF  }
0x9e: {  	s18 =	sld [smem:$0x3FDB];
	_ =	sdelay $0x1  }
0x9f: {  	s19 =	simm.s32 $_scs_section_size  }
0xa0: {  	s5 =	simm.s32 $_size__tile_overlayer_lowered;
	s6 =	simm.s32 $_tile_overlayer_lowered  }
0xa1: {  	s22 =	simm.s32 $0x1BFF;
	s21 =	sshll.u32 s6, $0x1;
	s3 =	sadd.s32 s19, s18  }
0xa2: {  	s7 =	simm.s32 $0x0;
	s20 =	sshll.u32 s5, $0x1;
	s5 =	sadd.s32 s21, s3  }
0xa3: {  	[timem:s7], [sflag:s22] =	dma.local [hbm:s5], s20  }
0xa4: {  	_ =	swait.ge [sflag:s22], s20  }
0xa5: {  	s4 =	ssub.s32 $0x0, s20;
	[sflag:s22] =	ssyncset.done $0x0  }
0xa6: {  	[sflag:s22] =	ssyncadd.s32 s4;
	_ =	sdelay $0x1  }
0xa7: {  	s23 =	simm.s32 $0x1B8B  }
0xa8: {  	_ =	swait.ge [sflag:s23], $0x1  }
0xa9: {  	[sflag:s23] =	ssyncset.done $0x0  }
0xaa: {  	s25 =	simm.s32 $0x1B8E;
	s24 =	sld [smem:$0x3FFE];
	[sflag:s23] =	ssyncadd.s32 $0xFFFFFFFF  }
0xab: {  	s26 =	simm.s32 $execute0_lowered;
	[smem:$0x3FD2] =	sst s25  }
0xac: {  	s5 =	sshll.u32 s26, $0x1;
	_ =	strace $0x80000046;
	[dreg:$0x1] =	wrdreg $0xFFFFFFFF  }
0xad: {  	s28 =	simm.s32 $_size_execute0_lowered;
	s3 =	sadd.s32 s3, s5;
	[dreg:$0x0] =	wrdreg $0x0  }
0xae: {  	s5 =	sshll.u32 s28, $0x1;
	[dreg:$0x2] =	wrdreg s3  }
0xaf: {  	[dreg:$0x3] =	wrdreg s5  }
0xb0: {  	[dreg:$0x4] =	wrdreg $0xC0  }
0xb1: {  	_ =	task [dreg:s7], $0x5FFFF  }
0xb2: {  	[dreg:$0x1] =	wrdreg $0xFFFFFFFF  }
0xb3: {  	[dreg:$0x0] =	wrdreg $0x60  }
0xb4: {  	[dreg:$0x2] =	wrdreg s16  }
0xb5: {  	[dreg:$0x3] =	wrdreg s24  }
0xb6: {  	[dreg:$0x4] =	wrdreg $0x9  }
0xb7: {  	_ =	task.clear_ibuf [dreg:s7], $0x5FFFF;
	_ =	strace $0x90000046  }
0xb8: {  	s29 =	simm.s32 $0x9;
	_ =	strace $0x80000048  }
0xb9: {  	_ =	swait.ge [sflag:s29], $0x1  }
0xba: {  	[sflag:s29] =	ssyncadd.s32 $0xFFFFFFFF  }
0xbb: {  	_ =	strace $0x90000048  }
0xbc: {  	_ =	sfence  }
0xbd: {  	s30 =	sld [smem:$0x0];
	_ =	sdelay $0x2  }
0xbe: {  	s31 =	sshll.u32 s1, $0xD;
	s1 =	sshrl.u32 s1, $0x2  }
0xbf: {  	s3 =	sand.u32 $0x4000, s31;
	s1 =	sadd.s32 s1, s30  }
0xc0: {  	s0 =	sor.u32 s3, s0;
	s1 =	sshll.u32 s1, $0x11  }
0xc1: {  	s0 =	sor.u32 s1, s0  }
0xc2: {  	s0 =	sadd.s32 $0x8F2B, s0  }
0xc3: {  	[sflag:s0] =	ssyncadd.remote.s32 $0x1  }
0xc4: {  	_ =	sfence.sel $0xFFFF  }
0xc5: {  	[dreg:$0x0] =	wrdreg $0xFFFFFFFF;
	(pc) =	sbr.abs _section_cstart, $3  }
0xc6: {  	[dreg:$0x1] =	wrdreg $0xFFFFFFFF  }
0xc7: {  	_ =	task.clear_ibuf [dreg:s7], $0x2FFFF;
	_ =	strace $0x9FFFFFFF  }
0xc8: {  	(tm) =	ssettm $0x7FFFFFFF  }
0xc9: {  	_ =	shalt  }
tec
execute0_lowered:
.L_overlay_start_1:
0x0: {  	(tag) =	ssettag $0x1  }
0x1: {  	s0 =	rddreg [dreg:$0x0]  }
0x2: {  	s4 =	rddreg [dreg:$0x1]  }
0x3: {  	s3 =	srdreg.scid;
	s2 =	simm.s32 $0x0;
	s1 =	stileid.u32  }
0x4: {  	s11 =	simm.s32 $0x3200;
	s12 =	simm.s32 $0x1;
	s13 =	simm.s32 $0xA00  }
0x5: {  	s14 =	simm.s32 $0xE00;
	s15 =	simm.s32 $0x1600;
	s16 =	simm.s32 $0x1A00  }
0x6: {  	s17 =	simm.s32 $0x2200;
	s18 =	simm.s32 $0x2600;
	s19 =	simm.s32 $0x2E00  }
0x7: {  	s20 =	simm.s32 $0x2;
	s21 =	simm.s32 $0x3A00;
	s28 =	simm.s32 $0x5E00  }
0x8: {  	s29 =	simm.s32 $0x3;
	s30 =	simm.s32 $0x4;
	s31 =	simm.s32 $0x5  }
0x9: {  	s5 =	sand.u32 $0x1, s3;
	[smem:$0x7FF] =	sst s2;
	s22 =	sshll.u32 s1, $0x4  }
0xa: {  	s7 =	sadd.s32 $0x2000, s4;
	s8 =	sadd.s32 $0x1E00, s4;
	s3 =	sadd.s32 $0x2600, s4  }
0xb: {  	s4 =	sadd.s32 $0x2700, s4;
	s6 =	sshll.u32 s5, $0x3;
	s5 =	ssub.s32 $0x2, s5  }
0xc: {  	_ =	strace $0x80000047;
	s6 =	sor.u32 s6, s22;
	s26 =	sshrl.u32 s5, $0x1  }
0xd: {  	s22 =	simm.s32 $0x3E00;
	s9 =	sadd.s32 s7, s6;
	s23 =	sadd.s32 s8, s6  }
0xe: {  	s10 =	sor.u32 $0x4, s6;
	s6 =	smul.u32 $0x180, s6;
	[dreg:$0x3] =	wrdreg s9  }
0xf: {  	s5 =	ssub.s32 s5, s26;
	s26 =	simm.s32 $0x5600;
	[dreg:$0x4] =	wrdreg s23  }
0x10: {  	s7 =	sadd.s32 s7, s10;
	s24 =	sadd.s32 s8, s10;
	s25 =	smul.u32 $0x180, s10  }
0x11: {  	s5 =	smax.u32 s5, $0x1;
	s8 =	simm.s32 $0x80;
	s9 =	simm.s32 $0x180  }
0x12: {  	s10 =	simm.s32 $0x200;
	s23 =	simm.s32 $0x4600;
	[dreg:$0x5] =	wrdreg s7  }
0x13: {  	v2 =	vlaneseq.u32;
	[dreg:$0x6] =	wrdreg s24;
	s6 =	sadd.s32 s0, s6;
	s24 =	simm.s32 $0x4A00  }
0x14: {  	vm0 =	vmmov $0xffff;
	vm1 =	vmmov $0xff;
	v1 =	vshrl.u32 v2, $0x3;
	[dreg:$0x7] =	wrdreg s6;
	s0 =	sadd.s32 s0, s25;
	s6 =	simm.s32 $0x7  }
0x15: {  	v0 =	vand.u32 $0x7, v2;
	v2 =	vor.u32 $0x8, v2;
	v1 =	vmul.u32 $0x8, v1;
	s25 =	simm.s32 $0x5200;
	[dreg:$0x8] =	wrdreg s0;
	s0 =	simm.s32 $0x6  }
.LBB2_1:
0x16: {  	s1 =	rddreg [dreg:$0x3]  }
0x17: {  	[tilespmem:s2], [sflag:$0x7] =	stream.linear.gather [hbm4b:s1+s2], $0x20, $0x38;
	[tilespmem:$0x6200] =	vst v63  }
0x18: {  	_ =	swait.ge [sflag:s6], $0x20  }
0x19: {  	[sflag:s6] =	ssyncset.done $0x0  }
0x1a: {  	s7 =	simm.s32 $0x100;
	s1 =	rddreg [dreg:$0x4];
	[sflag:s6] =	ssyncadd.s32 $0xFFFFFFE0  }
0x1b: {  	[tilespmem:s7], [sflag:$0x7] =	stream.linear.gather [hbm4b:s1+s2], $0x20, $0x38;
	[tilespmem:$0x6200] =	vst v63  }
0x1c: {  	_ =	swait.ge [sflag:s6], $0x20  }
0x1d: {  	[sflag:s6] =	ssyncset.done $0x0  }
0x1e: {  	s7 =	rddreg [dreg:$0x5];
	[sflag:s6] =	ssyncadd.s32 $0xFFFFFFE0  }
0x1f: {  	[tilespmem:s8], [sflag:$0x7] =	stream.linear.gather [hbm4b:s7+s2], $0x20, $0x38;
	[tilespmem:$0x6200] =	vst v63  }
0x20: {  	_ =	swait.ge [sflag:s6], $0x20  }
0x21: {  	[sflag:s6] =	ssyncset.done $0x0  }
0x22: {  	s7 =	rddreg [dreg:$0x6];
	[sflag:s6] =	ssyncadd.s32 $0xFFFFFFE0  }
0x23: {  	[tilespmem:s9], [sflag:$0x7] =	stream.linear.gather [hbm4b:s7+s2], $0x20, $0x38;
	[tilespmem:$0x6200] =	vst v63  }
0x24: {  	_ =	swait.ge [sflag:s6], $0x20  }
0x25: {  	[sflag:s6] =	ssyncset.done $0x0  }
0x26: {  	s1 =	rddreg [dreg:$0x7];
	[sflag:s6] =	ssyncadd.s32 $0xFFFFFFE0  }
0x27: {  	[tilespmem:s10], [sflag:$0x1] =	stream.linear.gather [hbm4b:s1+s2], $0x3000, $0x38;
	[tilespmem:$0x6200] =	vst v63  }
0x28: {  	s7 =	rddreg [dreg:$0x8]  }
0x29: {  	[tilespmem:s11], [sflag:$0x2] =	stream.linear.gather [hbm4b:s7+s2], $0x3000, $0x38;
	[tilespmem:$0x6200] =	vst v63  }
0x2a: {  	_ =	swait.ge [sflag:s12], $0x3000  }
0x2b: {  	[sflag:s12] =	ssyncset.done $0x0  }
0x2c: {  	[sflag:s12] =	ssyncadd.s32 $0xFFFFD000  }
0x2d: {  	v3 =	vld [tilespmem:$0x0];
	_ =	sdelay $0x4  }
0x2e: {  	v4 =	vshrl.u32 v3, $0x3  }
0x2f: {  	v4 =	vmul.u32 $0x18, v4  }
0x30: {  	v3 =	vand.u32 $0x7, v3  }
0x31: {  	v3 =	vor.u32 v3, v4  }
0x32: {  	v4 =	vperm.xlane v3, v0;
	_ =	sdelay $0x1  }
0x33: {  	v4 =	vadd.s32 v1, v4;
	_ =	sdelay $0x1  }
0x34: {  	v3 =	vperm.xlane v3, v2;
	_ =	sdelay $0x1  }
0x35: {  	v3 =	vadd.s32 v1, v3  }
0x36: {  	[hbm4b:s3+s2] =	stream.indirect_vreg.scatter [tilespmem:s10], [sflag:$0x3], $0x80, v4, vm0, $0xb8;
	[tilespmem:$0x6200] =	vst v63  }
0x37: {  	_ = 	snop  }
0x38: {  	[hbm4b:s4+s2] =	stream.indirect_vreg.scatter [tilespmem:s13], [sflag:$0x3], $0x80, v4, vm1, $0xb8;
	[tilespmem:$0x6200] =	vst v63  }
0x39: {  	_ = 	snop  }
0x3a: {  	[hbm4b:s3+s2] =	stream.indirect_vreg.scatter [tilespmem:s14], [sflag:$0x3], $0x80, v3, vm0, $0xb8;
	[tilespmem:$0x6200] =	vst v63  }
0x3b: {  	_ = 	snop  }
0x3c: {  	[hbm4b:s4+s2] =	stream.indirect_vreg.scatter [tilespmem:s15], [sflag:$0x3], $0x80, v3, vm1, $0xb8;
	[tilespmem:$0x6200] =	vst v63  }
0x3d: {  	v3 =	vld [tilespmem:$0x10];
	_ =	sdelay $0x4  }
0x3e: {  	v57 =	vshrl.u32 v3, $0x3  }
0x3f: {  	v4 =	vmul.u32 $0x18, v57  }
0x40: {  	v3 =	vand.u32 $0x7, v3  }
0x41: {  	v3 =	vor.u32 v3, v4  }
0x42: {  	v4 =	vperm.xlane v3, v0;
	_ =	sdelay $0x1  }
0x43: {  	v4 =	vadd.s32 v1, v4;
	_ =	sdelay $0x1  }
0x44: {  	v3 =	vperm.xlane v3, v2;
	_ =	sdelay $0x1  }
0x45: {  	v3 =	vadd.s32 v1, v3  }
0x46: {  	[hbm4b:s3+s2] =	stream.indirect_vreg.scatter [tilespmem:s16], [sflag:$0x3], $0x80, v4, vm0, $0xb8;
	[tilespmem:$0x6200] =	vst v63  }
0x47: {  	_ = 	snop  }
0x48: {  	[hbm4b:s4+s2] =	stream.indirect_vreg.scatter [tilespmem:s17], [sflag:$0x3], $0x80, v4, vm1, $0xb8;
	[tilespmem:$0x6200] =	vst v63  }
0x49: {  	_ = 	snop  }
0x4a: {  	[hbm4b:s3+s2] =	stream.indirect_vreg.scatter [tilespmem:s18], [sflag:$0x3], $0x80, v3, vm0, $0xb8;
	[tilespmem:$0x6200] =	vst v63  }
0x4b: {  	_ = 	snop  }
0x4c: {  	[hbm4b:s4+s2] =	stream.indirect_vreg.scatter [tilespmem:s19], [sflag:$0x3], $0x80, v3, vm1, $0xb8;
	[tilespmem:$0x6200] =	vst v63  }
0x4d: {  	v3 =	vld [tilespmem:$0x100];
	_ =	sdelay $0x4  }
0x4e: {  	v58 =	vshrl.u32 v3, $0x3  }
0x4f: {  	v4 =	vmul.u32 $0x18, v58  }
0x50: {  	v3 =	vand.u32 $0x7, v3  }
0x51: {  	v3 =	vor.u32 v3, v4  }
0x52: {  	v4 =	vperm.xlane v3, v0;
	_ =	sdelay $0x1  }
0x53: {  	v4 =	vadd.s32 v1, v4;
	_ =	sdelay $0x1  }
0x54: {  	v3 =	vperm.xlane v3, v2;
	_ =	sdelay $0x1  }
0x55: {  	v3 =	vadd.s32 v1, v3  }
0x56: {  	[hbm4b:s3+s2] =	stream.indirect_vreg.scatter [tilespmem:s10], [sflag:$0x4], $0x80, v4, vm0, $0xb8;
	[tilespmem:$0x6200] =	vst v63  }
0x57: {  	_ = 	snop  }
0x58: {  	[hbm4b:s4+s2] =	stream.indirect_vreg.scatter [tilespmem:s13], [sflag:$0x4], $0x80, v4, vm1, $0xb8;
	[tilespmem:$0x6200] =	vst v63  }
0x59: {  	_ = 	snop  }
0x5a: {  	[hbm4b:s3+s2] =	stream.indirect_vreg.scatter [tilespmem:s14], [sflag:$0x4], $0x80, v3, vm0, $0xb8;
	[tilespmem:$0x6200] =	vst v63  }
0x5b: {  	_ = 	snop  }
0x5c: {  	[hbm4b:s4+s2] =	stream.indirect_vreg.scatter [tilespmem:s15], [sflag:$0x4], $0x80, v3, vm1, $0xb8;
	[tilespmem:$0x6200] =	vst v63  }
0x5d: {  	v3 =	vld [tilespmem:$0x110];
	_ =	sdelay $0x4  }
0x5e: {  	v59 =	vshrl.u32 v3, $0x3  }
0x5f: {  	v4 =	vmul.u32 $0x18, v59  }
0x60: {  	v3 =	vand.u32 $0x7, v3  }
0x61: {  	v3 =	vor.u32 v3, v4  }
0x62: {  	v4 =	vperm.xlane v3, v0;
	_ =	sdelay $0x1  }
0x63: {  	v4 =	vadd.s32 v1, v4;
	_ =	sdelay $0x1  }
0x64: {  	v3 =	vperm.xlane v3, v2;
	_ =	sdelay $0x1  }
0x65: {  	v3 =	vadd.s32 v1, v3  }
0x66: {  	[hbm4b:s3+s2] =	stream.indirect_vreg.scatter [tilespmem:s16], [sflag:$0x4], $0x80, v4, vm0, $0xb8;
	[tilespmem:$0x6200] =	vst v63  }
0x67: {  	_ = 	snop  }
0x68: {  	[hbm4b:s4+s2] =	stream.indirect_vreg.scatter [tilespmem:s17], [sflag:$0x4], $0x80, v4, vm1, $0xb8;
	[tilespmem:$0x6200] =	vst v63  }
0x69: {  	_ = 	snop  }
0x6a: {  	[hbm4b:s3+s2] =	stream.indirect_vreg.scatter [tilespmem:s18], [sflag:$0x4], $0x80, v3, vm0, $0xb8;
	[tilespmem:$0x6200] =	vst v63  }
0x6b: {  	_ = 	snop  }
0x6c: {  	[hbm4b:s4+s2] =	stream.indirect_vreg.scatter [tilespmem:s19], [sflag:$0x4], $0x80, v3, vm1, $0xb8;
	[tilespmem:$0x6200] =	vst v63  }
0x6d: {  	_ =	swait.ge [sflag:s20], $0x3000  }
0x6e: {  	[sflag:s20] =	ssyncset.done $0x0  }
0x6f: {  	[sflag:s20] =	ssyncadd.s32 $0xFFFFD000  }
0x70: {  	v3 =	vld [tilespmem:$0x80];
	_ =	sdelay $0x4  }
0x71: {  	v60 =	vshrl.u32 v3, $0x3  }
0x72: {  	v4 =	vmul.u32 $0x18, v60  }
0x73: {  	v3 =	vand.u32 $0x7, v3  }
0x74: {  	v3 =	vor.u32 v3, v4  }
0x75: {  	v4 =	vperm.xlane v3, v0;
	_ =	sdelay $0x1  }
0x76: {  	v4 =	vadd.s32 v1, v4;
	_ =	sdelay $0x1  }
0x77: {  	v3 =	vperm.xlane v3, v2;
	_ =	sdelay $0x1  }
0x78: {  	v3 =	vadd.s32 v1, v3  }
0x79: {  	[hbm4b:s3+s2] =	stream.indirect_vreg.scatter [tilespmem:s11], [sflag:$0x5], $0x80, v4, vm0, $0xb8;
	[tilespmem:$0x6200] =	vst v63  }
0x7a: {  	_ = 	snop  }
0x7b: {  	[hbm4b:s4+s2] =	stream.indirect_vreg.scatter [tilespmem:s21], [sflag:$0x5], $0x80, v4, vm1, $0xb8;
	[tilespmem:$0x6200] =	vst v63  }
0x7c: {  	_ = 	snop  }
0x7d: {  	[hbm4b:s3+s2] =	stream.indirect_vreg.scatter [tilespmem:s22], [sflag:$0x5], $0x80, v3, vm0, $0xb8;
	[tilespmem:$0x6200] =	vst v63  }
0x7e: {  	_ = 	snop  }
0x7f: {  	[hbm4b:s4+s2] =	stream.indirect_vreg.scatter [tilespmem:s23], [sflag:$0x5], $0x80, v3, vm1, $0xb8;
	[tilespmem:$0x6200] =	vst v63  }
0x80: {  	v3 =	vld [tilespmem:$0x90];
	_ =	sdelay $0x4  }
0x81: {  	v61 =	vshrl.u32 v3, $0x3  }
0x82: {  	v4 =	vmul.u32 $0x18, v61  }
0x83: {  	v3 =	vand.u32 $0x7, v3  }
0x84: {  	v3 =	vor.u32 v3, v4  }
0x85: {  	v4 =	vperm.xlane v3, v0;
	_ =	sdelay $0x1  }
0x86: {  	v4 =	vadd.s32 v1, v4;
	_ =	sdelay $0x1  }
0x87: {  	v3 =	vperm.xlane v3, v2;
	_ =	sdelay $0x1  }
0x88: {  	v3 =	vadd.s32 v1, v3  }
0x89: {  	[hbm4b:s3+s2] =	stream.indirect_vreg.scatter [tilespmem:s24], [sflag:$0x5], $0x80, v4, vm0, $0xb8;
	[tilespmem:$0x6200] =	vst v63  }
0x8a: {  	_ = 	snop  }
0x8b: {  	[hbm4b:s4+s2] =	stream.indirect_vreg.scatter [tilespmem:s25], [sflag:$0x5], $0x80, v4, vm1, $0xb8;
	[tilespmem:$0x6200] =	vst v63  }
0x8c: {  	_ = 	snop  }
0x8d: {  	[hbm4b:s3+s2] =	stream.indirect_vreg.scatter [tilespmem:s26], [sflag:$0x5], $0x80, v3, vm0, $0xb8;
	[tilespmem:$0x6200] =	vst v63  }
0x8e: {  	_ = 	snop  }
0x8f: {  	[hbm4b:s4+s2] =	stream.indirect_vreg.scatter [tilespmem:s28], [sflag:$0x5], $0x80, v3, vm1, $0xb8;
	[tilespmem:$0x6200] =	vst v63  }
0x90: {  	v3 =	vld [tilespmem:$0x180];
	_ =	sdelay $0x4  }
0x91: {  	v62 =	vshrl.u32 v3, $0x3  }
0x92: {  	v4 =	vmul.u32 $0x18, v62  }
0x93: {  	v3 =	vand.u32 $0x7, v3  }
0x94: {  	v3 =	vor.u32 v3, v4  }
0x95: {  	v4 =	vperm.xlane v3, v0;
	_ =	sdelay $0x1  }
0x96: {  	v4 =	vadd.s32 v1, v4;
	_ =	sdelay $0x1  }
0x97: {  	v3 =	vperm.xlane v3, v2;
	_ =	sdelay $0x1  }
0x98: {  	v3 =	vadd.s32 v1, v3  }
0x99: {  	[hbm4b:s3+s2] =	stream.indirect_vreg.scatter [tilespmem:s11], [sflag:$0x6], $0x80, v4, vm0, $0xb8;
	[tilespmem:$0x6200] =	vst v63  }
0x9a: {  	_ = 	snop  }
0x9b: {  	[hbm4b:s4+s2] =	stream.indirect_vreg.scatter [tilespmem:s21], [sflag:$0x6], $0x80, v4, vm1, $0xb8;
	[tilespmem:$0x6200] =	vst v63  }
0x9c: {  	_ = 	snop  }
0x9d: {  	[hbm4b:s3+s2] =	stream.indirect_vreg.scatter [tilespmem:s22], [sflag:$0x6], $0x80, v3, vm0, $0xb8;
	[tilespmem:$0x6200] =	vst v63  }
0x9e: {  	_ = 	snop  }
0x9f: {  	[hbm4b:s4+s2] =	stream.indirect_vreg.scatter [tilespmem:s23], [sflag:$0x6], $0x80, v3, vm1, $0xb8;
	[tilespmem:$0x6200] =	vst v63  }
0xa0: {  	v3 =	vld [tilespmem:$0x190];
	_ =	sdelay $0x4  }
0xa1: {  	v63 =	vshrl.u32 v3, $0x3  }
0xa2: {  	v4 =	vmul.u32 $0x18, v63  }
0xa3: {  	v3 =	vand.u32 $0x7, v3  }
0xa4: {  	v3 =	vor.u32 v3, v4  }
0xa5: {  	v4 =	vperm.xlane v3, v0;
	_ =	sdelay $0x1  }
0xa6: {  	v4 =	vadd.s32 v1, v4;
	_ =	sdelay $0x1  }
0xa7: {  	v3 =	vperm.xlane v3, v2;
	_ =	sdelay $0x1  }
0xa8: {  	v3 =	vadd.s32 v1, v3  }
0xa9: {  	[hbm4b:s3+s2] =	stream.indirect_vreg.scatter [tilespmem:s24], [sflag:$0x6], $0x80, v4, vm0, $0xb8;
	[tilespmem:$0x6200] =	vst v63  }
0xaa: {  	_ = 	snop  }
0xab: {  	[hbm4b:s4+s2] =	stream.indirect_vreg.scatter [tilespmem:s25], [sflag:$0x6], $0x80, v4, vm1, $0xb8;
	[tilespmem:$0x6200] =	vst v63  }
0xac: {  	_ = 	snop  }
0xad: {  	[hbm4b:s3+s2] =	stream.indirect_vreg.scatter [tilespmem:s26], [sflag:$0x6], $0x80, v3, vm0, $0xb8;
	[tilespmem:$0x6200] =	vst v63  }
0xae: {  	_ = 	snop  }
0xaf: {  	[hbm4b:s4+s2] =	stream.indirect_vreg.scatter [tilespmem:s28], [sflag:$0x6], $0x80, v3, vm1, $0xb8;
	[tilespmem:$0x6200] =	vst v63  }
0xb0: {  	_ =	swait.ge [sflag:s29], $0x3000  }
0xb1: {  	[sflag:s29] =	ssyncset.done $0x0  }
0xb2: {  	[sflag:s29] =	ssyncadd.s32 $0xFFFFD000  }
0xb3: {  	_ =	swait.ge [sflag:s30], $0x3000  }
0xb4: {  	[sflag:s30] =	ssyncset.done $0x0  }
0xb5: {  	[sflag:s30] =	ssyncadd.s32 $0xFFFFD000  }
0xb6: {  	p0 =	sne.s32 s5, $0x1;
	_ =	swait.ge [sflag:s31], $0x3000  }
.Ltmp0:
0xb7: {  	[sflag:s31] =	ssyncset.done $0x0;
	(pc) =	sbr.rel @p0 .LBB2_1-.Ltmp0, $4  }
0xb8: {  	[sflag:s31] =	ssyncadd.s32 $0xFFFFD000  }
0xb9: {  	_ =	swait.ge [sflag:s0], $0x3000  }
0xba: {  	[sflag:s0] =	ssyncset.done $0x0  }
0xbb: {  	s5 =	sadd.s32 $0xFFFFFFFF, s5;
	[sflag:s0] =	ssyncadd.s32 $0xFFFFD000  }
0xbc: {  	_ =	sfence.sel $0x180000  }
0xbd: {  	[bflag:$0x0] =	sbarrier.arrive $0xFFFF  }
0xbe: {  	_ =	strace $0x90000047  }
0xbf: {  	s0 =	stileid.u32;
	[bflag:$0x2] =	sbarrier.arrive $0xFFFF  }
0xc0: {  	p0 =	sne.s32 s0, $0x0;
	s0 =	rddreg [dreg:$0x2]  }
0xc1: {  	s0 =	sadd.s32 @!p0 $0x100000, s0  }
0xc2: {  	[sflag:s0] =	ssyncadd.tile.s32 @!p0 $0x1;
	_ =	shalt  }
.Lfunc_end2:
_tile_overlayer_lowered:
.L_overlay_start_2:
0xc3: {  	(tag) =	ssettag $0x2  }
0xc4: {  	s0 =	rddreg [dreg:$0x0];
	s2 =	stileid.u32  }
0xc5: {  	s1 =	rddreg [dreg:$0x1];
	p0 =	sne.s32 s2, $0x0  }
0xc6: {  	s3 =	rddreg [dreg:$0x2];
	[bflag:$0x3] =	sbarrier.arrive $0xFFFF;
	s2 =	simm.s32 @!p0 $0x1C07  }
0xc7: {  	[timem:s3], [sflag:s2] =	dma.local @!p0 [hbm:s0], s1  }
0xc8: {  	s0 =	simm.s32 @!p0 $0x7  }
0xc9: {  	_ =	swait.ge @!p0 [sflag:s0], s1  }
0xca: {  	s1 =	ssub.s32 @!p0 $0x0, s1;
	[sflag:s0] =	ssyncset.done @!p0 $0x0  }
0xcb: {  	[sflag:s0] =	ssyncadd.s32 @!p0 s1  }
0xcc: {  	[bflag:$0x3] =	sbarrier.arrive $0xFFFF  }
0xcd: {  	_ =	shalt  }

// kernel: kernel.9.cloned.1.call-start
scs
__scs_entry_jumppad:
0x0: {  	(pc) =	sbr.rel $0x88, $3  }
0x1: {  	(tag) =	ssettag $0x0;
	lr =	simm.s32 $0x1  }
0x2: {  	[smem:$0x3F9A] =	sst lr;
	_ =	strace $0xD0000000  }
0x3: {  	_ = 	snop  }
0x4: {  	_ = 	snop  }
0x5: {  	_ = 	snop  }
0x6: {  	_ = 	snop  }
0x7: {  	_ = 	snop  }
__scs_overlays_trampoline_lowered:
0x8: {  	[smem:$0x3FA9] =	sst s0  }
0x9: {  	[smem:$0x3FAA] =	sst s1  }
0xa: {  	[smem:$0x3FAB] =	sst s2  }
0xb: {  	[smem:$0x3FAC] =	sst s3  }
0xc: {  	[smem:$0x3FAD] =	sst s4  }
0xd: {  	[smem:$0x3FAE] =	sst s5  }
0xe: {  	[smem:$0x3FAF] =	sst s6  }
0xf: {  	[smem:$0x3FB0] =	sst s7  }
0x10: {  	[smem:$0x3FB1] =	sst s8  }
0x11: {  	[smem:$0x3FB2] =	sst s9;
	s0 =	simm.s32 @!p0 $0x0  }
0x12: {  	s1 =	sld [smem:$0x3F98];
	s0 =	simm.s32 @p0 $0x1  }
0x13: {  	[smem:$0x3FB3] =	sst s0;
	s0 =	simm.s32 @!p1 $0x0  }
0x14: {  	s2 =	sld [smem:$0x3F97];
	s0 =	simm.s32 @p1 $0x1  }
0x15: {  	[smem:$0x3FB4] =	sst s0;
	s0 =	simm.s32 @!p2 $0x0  }
0x16: {  	s3 =	sld [smem:$0x3FDB];
	s0 =	simm.s32 @p2 $0x1  }
0x17: {  	s4 =	simm.s32 $0x1BF5;
	[smem:$0x3FB6] =	sst s0  }
0x18: {  	s0 =	sld [smem:$0x3F99];
	_ =	swait.ge [sflag:s4], $0x0  }
0x19: {  	s7 =	sld [smem:$0x3F9A]  }
0x1a: {  	s8 =	sadd.s32 $0xFFFFE003, lr  }
0x1b: {  	s9 =	sadd.s32 $0xFFFFFEF7, lr;
	s5 =	simm.s32 $0xFFFFFFFF;
	p2 =	slt.u32 s8, $0xFFFFF086  }
0x1c: {  	p1 =	slt.u32 s9, $0xF7A;
	s5 =	simm.s32 @!p2 $0x0  }
0x1d: {  	s5 =	simm.s32 @p1 $0x1;
	p0 =	seq.s32 s7, s2  }
0x1e: {  	s7 =	smul.u32 @!p0 $0xF7A, s2;
	p2 =	seq.s32 @!p0 s5, $0x0  }
0x1f: {  	s9 =	smul.u32 $0xF7A, s1;
	s8 =	simm.s32 @!p0 $0x1BF5;
	p2 =	por !p2, p0  }
0x20: {  	[sflag:s8] =	ssyncset.s32 @!p0 $0xFFFFF086;
	s6 =	sadd.s32 @!p0 s3, s7;
	s7 =	simm.s32 @!p0 $0x108  }
0x21: {  	s3 =	sadd.s32 s3, s9;
	s6 =	sadd.s32 @!p0 $0x88, s6;
	s7 =	simm.s32 @p2 $0x1082  }
0x22: {  	[simem:s7], [sflag:s8] =	dma.local @!p0 [hbm:s6], $0xF7A  }
0x23: {  	s9 =	sor.u32 $0xD0000000, s2;
	s6 =	simm.s32 $0x108;
	_ =	swait.ge @!p0 [sflag:s8], $0x0  }
0x24: {  	s3 =	sadd.s32 $0x88, s3;
	s6 =	simm.s32 @!p1 $0x1082;
	[sflag:s4] =	ssyncset.s32 $0xFFFFF086  }
0x25: {  	[simem:s6], [sflag:s4] =	dma.local [hbm:s3], $0xF7A  }
0x26: {  	[smem:$0x3F9A] =	sst s1;
	(tag) =	ssettag s2;
	_ =	strace s9  }
0x27: {  	s1 =	sld [smem:$0x3FAA]  }
0x28: {  	s2 =	sld [smem:$0x3FAB]  }
0x29: {  	s4 =	sld [smem:$0x3FAD]  }
0x2a: {  	p0 =	seq.s32 s5, $0x0;
	s5 =	sld [smem:$0x3FAE]  }
0x2b: {  	s6 =	sld [smem:$0x3FAF]  }
0x2c: {  	s7 =	sld [smem:$0x3FB0]  }
0x2d: {  	s3 =	simm.s32 $0x108;
	s8 =	sld [smem:$0x3FB1]  }
0x2e: {  	s3 =	simm.s32 @!p0 $0x1082;
	s9 =	sld [smem:$0x3FB2]  }
0x2f: {  	lr =	sadd.s32 s0, s3;
	s0 =	sld [smem:$0x3FA9]  }
0x30: {  	s3 =	sld [smem:$0x3FAC]  }
0x31: {  	[smem:$0x3FB5] =	sst s10  }
0x32: {  	s10 =	sld [smem:$0x3FB3];
	_ =	sdelay $0x3  }
0x33: {  	p0 =	seq.s32 s10, $0x1;
	s10 =	sld [smem:$0x3FB5];
	_ =	sdelay $0x3  }
0x34: {  	[smem:$0x3FB5] =	sst s10  }
0x35: {  	s10 =	sld [smem:$0x3FB4];
	_ =	sdelay $0x3  }
0x36: {  	p1 =	seq.s32 s10, $0x1;
	s10 =	sld [smem:$0x3FB5];
	_ =	sdelay $0x3  }
0x37: {  	[smem:$0x3FB5] =	sst s10  }
0x38: {  	s10 =	sld [smem:$0x3FB6]  }
0x39: {  	_ = 	snop;
	(pc) =	sbr.ind lr, $3  }
0x3a: {  	_ = 	snop  }
0x3b: {  	_ = 	snop  }
0x3c: {  	p2 =	seq.s32 s10, $0x1;
	s10 =	sld [smem:$0x3FB5]  }
0x3d: {  	_ =	shalt  }
0x3e: {  	_ =	shalt  }
0x3f: {  	_ =	shalt  }
0x40: {  	_ =	shalt  }
0x41: {  	_ =	shalt  }
0x42: {  	_ =	shalt  }
0x43: {  	_ =	shalt  }
0x44: {  	_ =	shalt  }
0x45: {  	_ =	shalt  }
0x46: {  	_ =	shalt  }
0x47: {  	_ =	shalt  }
0x48: {  	_ =	shalt  }
0x49: {  	_ =	shalt  }
0x4a: {  	_ =	shalt  }
0x4b: {  	_ =	shalt  }
0x4c: {  	_ =	shalt  }
0x4d: {  	_ =	shalt  }
0x4e: {  	_ =	shalt  }
0x4f: {  	_ =	shalt  }
0x50: {  	_ =	shalt  }
0x51: {  	_ =	shalt  }
0x52: {  	_ =	shalt  }
0x53: {  	_ =	shalt  }
0x54: {  	_ =	shalt  }
0x55: {  	_ =	shalt  }
0x56: {  	_ =	shalt  }
0x57: {  	_ =	shalt  }
0x58: {  	_ =	shalt  }
0x59: {  	_ =	shalt  }
0x5a: {  	_ =	shalt  }
0x5b: {  	_ =	shalt  }
0x5c: {  	_ =	shalt  }
0x5d: {  	_ =	shalt  }
0x5e: {  	_ =	shalt  }
0x5f: {  	_ =	shalt  }
0x60: {  	_ =	shalt  }
0x61: {  	_ =	shalt  }
0x62: {  	_ =	shalt  }
0x63: {  	_ =	shalt  }
0x64: {  	_ =	shalt  }
0x65: {  	_ =	shalt  }
0x66: {  	_ =	shalt  }
0x67: {  	_ =	shalt  }
0x68: {  	_ =	shalt  }
0x69: {  	_ =	shalt  }
0x6a: {  	_ =	shalt  }
0x6b: {  	_ =	shalt  }
0x6c: {  	_ =	shalt  }
0x6d: {  	_ =	shalt  }
0x6e: {  	_ =	shalt  }
0x6f: {  	_ =	shalt  }
0x70: {  	_ =	shalt  }
0x71: {  	_ =	shalt  }
0x72: {  	_ =	shalt  }
0x73: {  	_ =	shalt  }
0x74: {  	_ =	shalt  }
0x75: {  	_ =	shalt  }
0x76: {  	_ =	shalt  }
0x77: {  	_ =	shalt  }
0x78: {  	_ =	shalt  }
0x79: {  	_ =	shalt  }
0x7a: {  	_ =	shalt  }
0x7b: {  	_ =	shalt  }
0x7c: {  	_ =	shalt  }
0x7d: {  	_ =	shalt  }
0x7e: {  	_ =	shalt  }
0x7f: {  	_ =	shalt  }
0x80: {  	_ =	shalt  }
0x81: {  	_ =	shalt  }
0x82: {  	_ =	shalt  }
0x83: {  	_ =	shalt  }
0x84: {  	_ =	shalt  }
0x85: {  	_ =	shalt  }
0x86: {  	_ =	shalt  }
0x87: {  	_ =	shalt  }
.Lfunc_end0:
.L_simem_size_0:
called_computation.1_lowered:
.L_overlay_start_0:
0x88: {  	s2 =	sld [smem:$0x3FD9]  }
0x89: {  	s3 =	sld [smem:$0x3FFE];
	_ =	sdelay $0x1  }
0x8a: {  	s1 =	srdreg.scid  }
0x8b: {  	s0 =	sand.u32 $0x1, s1  }
0x8c: {  	s14 =	sshll.u32 s0, $0xA;
	s2 =	sadd.s32 s3, s2  }
0x8d: {  	s2 =	sadd.s32 s2, s14  }
0x8e: {  	[smem:$0x3FC1] =	sst s2  }
0x8f: {  	_ = 	snop  }
0x90: {  	s2 =	sld [smem:$0x3FD0];
	_ =	sdelay $0x2  }
0x91: {  	s15 =	simm.s32 $0xA;
	s4 =	simm.s32 $0x10  }
0x92: {  	[smem:s4], [sflag:s15] =	dma.local [hbm:s2], $0x1  }
0x93: {  	_ =	swait.eq [sflag:s15], $0x1  }
0x94: {  	[sflag:s15] =	ssyncset.done $0x0  }
0x95: {  	[sflag:s15] =	ssyncadd.s32 $0xFFFFFFFF  }
0x96: {  	s16 =	sld [smem:$0x10];
	(tm) =	ssettm $0x1  }
0x97: {  	s17 =	sld [smem:$0x3FFB];
	_ =	sdelay $0x3  }
0x98: {  	_ =	strace s17  }
0x99: {  	s3 =	sld [smem:$0x3FFC];
	_ =	sdelay $0x3  }
0x9a: {  	_ =	strace s3  }
0x9b: {  	s3 =	sld [smem:$0x3FFD];
	_ =	sdelay $0x3  }
0x9c: {  	_ =	strace s3  }
0x9d: {  	_ =	strace $0x8FFFFFFF  }
0x9e: {  	s18 =	sld [smem:$0x3FDB];
	_ =	sdelay $0x1  }
0x9f: {  	s19 =	simm.s32 $_scs_section_size  }
0xa0: {  	s5 =	simm.s32 $_size__tile_overlayer_lowered;
	s6 =	simm.s32 $_tile_overlayer_lowered  }
0xa1: {  	s22 =	simm.s32 $0x1BFF;
	s21 =	sshll.u32 s6, $0x1;
	s3 =	sadd.s32 s19, s18  }
0xa2: {  	s7 =	simm.s32 $0x0;
	s20 =	sshll.u32 s5, $0x1;
	s5 =	sadd.s32 s21, s3  }
0xa3: {  	[timem:s7], [sflag:s22] =	dma.local [hbm:s5], s20  }
0xa4: {  	_ =	swait.ge [sflag:s22], s20  }
0xa5: {  	s4 =	ssub.s32 $0x0, s20;
	[sflag:s22] =	ssyncset.done $0x0  }
0xa6: {  	[sflag:s22] =	ssyncadd.s32 s4;
	_ =	sdelay $0x1  }
0xa7: {  	s23 =	simm.s32 $0x1B8B  }
0xa8: {  	_ =	swait.ge [sflag:s23], $0x1  }
0xa9: {  	[sflag:s23] =	ssyncset.done $0x0  }
0xaa: {  	s25 =	simm.s32 $0x1B8E;
	s24 =	sld [smem:$0x3FFE];
	[sflag:s23] =	ssyncadd.s32 $0xFFFFFFFF  }
0xab: {  	s26 =	simm.s32 $execute0_lowered;
	[smem:$0x3FD2] =	sst s25  }
0xac: {  	s5 =	sshll.u32 s26, $0x1;
	_ =	strace $0x80000049;
	[dreg:$0x1] =	wrdreg $0xFFFFFFFF  }
0xad: {  	s28 =	simm.s32 $_size_execute0_lowered;
	s3 =	sadd.s32 s3, s5;
	[dreg:$0x0] =	wrdreg $0x0  }
0xae: {  	s5 =	sshll.u32 s28, $0x1;
	[dreg:$0x2] =	wrdreg s3  }
0xaf: {  	[dreg:$0x3] =	wrdreg s5  }
0xb0: {  	[dreg:$0x4] =	wrdreg $0xC0  }
0xb1: {  	_ =	task [dreg:s7], $0x5FFFF  }
0xb2: {  	[dreg:$0x1] =	wrdreg $0xFFFFFFFF  }
0xb3: {  	[dreg:$0x0] =	wrdreg $0x60  }
0xb4: {  	[dreg:$0x2] =	wrdreg s24  }
0xb5: {  	[dreg:$0x3] =	wrdreg s16  }
0xb6: {  	[dreg:$0x4] =	wrdreg $0x9  }
0xb7: {  	_ =	task.clear_ibuf [dreg:s7], $0x5FFFF;
	_ =	strace $0x90000049  }
0xb8: {  	s29 =	simm.s32 $0x9;
	_ =	strace $0x8000004B  }
0xb9: {  	_ =	swait.ge [sflag:s29], $0x1  }
0xba: {  	[sflag:s29] =	ssyncadd.s32 $0xFFFFFFFF  }
0xbb: {  	_ =	strace $0x9000004B  }
0xbc: {  	_ =	sfence  }
0xbd: {  	s30 =	sld [smem:$0x0];
	_ =	sdelay $0x2  }
0xbe: {  	s31 =	sshll.u32 s1, $0xD;
	s1 =	sshrl.u32 s1, $0x2  }
0xbf: {  	s3 =	sand.u32 $0x4000, s31;
	s1 =	sadd.s32 s1, s30  }
0xc0: {  	s0 =	sor.u32 s3, s0;
	s1 =	sshll.u32 s1, $0x11  }
0xc1: {  	s0 =	sor.u32 s1, s0  }
0xc2: {  	s0 =	sadd.s32 $0x8F2B, s0  }
0xc3: {  	[sflag:s0] =	ssyncadd.remote.s32 $0x1  }
0xc4: {  	_ =	sfence.sel $0xFFFF  }
0xc5: {  	[dreg:$0x0] =	wrdreg $0xFFFFFFFF;
	(pc) =	sbr.abs _section_cstart, $3  }
0xc6: {  	[dreg:$0x1] =	wrdreg $0xFFFFFFFF  }
0xc7: {  	_ =	task.clear_ibuf [dreg:s7], $0x2FFFF;
	_ =	strace $0x9FFFFFFF  }
0xc8: {  	(tm) =	ssettm $0x7FFFFFFF  }
0xc9: {  	_ =	shalt  }
tec
execute0_lowered:
.L_overlay_start_1:
0x0: {  	(tag) =	ssettag $0x1  }
0x1: {  	s0 =	rddreg [dreg:$0x0]  }
0x2: {  	s2 =	rddreg [dreg:$0x1];
	s1 =	simm.s32 $0x0  }
0x3: {  	s4 =	srdreg.scid;
	s6 =	stileid.u32;
	s28 =	simm.s32 $0x2  }
0x4: {  	s30 =	simm.s32 $0x3;
	s31 =	simm.s32 $0x4;
	s29 =	simm.s32 $0x9  }
0x5: {  	[smem:$0x7FF] =	sst s1;
	s3 =	sadd.s32 $0x2600, s0;
	s4 =	sand.u32 $0x1, s4  }
0x6: {  	s5 =	sadd.s32 $0x2000, s0;
	s6 =	sshll.u32 s6, $0x4;
	s7 =	sshll.u32 s4, $0x3  }
0x7: {  	s8 =	sadd.s32 $0x1E00, s0;
	s4 =	ssub.s32 $0x2, s4;
	s6 =	sor.u32 s7, s6  }
0x8: {  	_ =	strace $0x8000004A;
	s13 =	sshrl.u32 s4, $0x1;
	s10 =	sadd.s32 s5, s6  }
0x9: {  	s14 =	sor.u32 $0x2, s6;
	s15 =	sadd.s32 s8, s6;
	[dreg:$0x3] =	wrdreg s10  }
0xa: {  	s9 =	sadd.s32 s6, s0;
	[dreg:$0x4] =	wrdreg s15;
	s16 =	sadd.s32 s5, s14  }
0xb: {  	s18 =	sor.u32 $0x4, s6;
	s17 =	sadd.s32 s8, s14;
	[dreg:$0x5] =	wrdreg s16  }
0xc: {  	s11 =	smul.u32 $0x300, s6;
	s12 =	sadd.s32 s5, s18;
	[dreg:$0x6] =	wrdreg s17  }
0xd: {  	s6 =	sor.u32 $0x6, s6;
	s19 =	sadd.s32 s8, s18;
	[dreg:$0x7] =	wrdreg s12  }
0xe: {  	s4 =	ssub.s32 s4, s13;
	s5 =	sadd.s32 s5, s6;
	[dreg:$0x8] =	wrdreg s19  }
0xf: {  	s7 =	smul.u32 $0x300, s14;
	s8 =	sadd.s32 s8, s6;
	[dreg:$0x9] =	wrdreg s5  }
0x10: {  	s20 =	smul.u32 $0x300, s18;
	s21 =	sadd.s32 $0x2200, s9;
	[dreg:$0xa] =	wrdreg s8  }
0x11: {  	s6 =	smul.u32 $0x300, s6;
	s22 =	sadd.s32 $0x2400, s9;
	[dreg:$0xb] =	wrdreg s21  }
0x12: {  	s14 =	sadd.s32 $0x2700, s0;
	s0 =	simm.s32 $0xA;
	[dreg:$0xc] =	wrdreg s22  }
0x13: {  	s23 =	sadd.s32 s2, s11;
	s19 =	smax.u32 s4, $0x1;
	s21 =	simm.s32 $0x6  }
0x14: {  	s22 =	simm.s32 $0xB;
	[dreg:$0xd] =	wrdreg s23;
	s24 =	sadd.s32 s2, s7  }
0x15: {  	s4 =	simm.s32 $0x0;
	s25 =	sadd.s32 s2, s20;
	[dreg:$0xe] =	wrdreg s24  }
0x16: {  	v2 =	vlaneseq.u32;
	s26 =	sadd.s32 s2, s6;
	s20 =	simm.s32 $0xD;
	[dreg:$0xf] =	wrdreg s25  }
0x17: {  	vm0 =	vmmov $0xffff;
	vm1 =	vmmov $0xff;
	v1 =	vshrl.u32 v2, $0x3;
	s2 =	simm.s32 $0x5;
	s23 =	simm.s32 $0x7;
	[dreg:$0x10] =	wrdreg s26  }
0x18: {  	v0 =	vand.u32 $0x7, v2;
	v2 =	vor.u32 $0x8, v2;
	v1 =	vmul.u32 $0x8, v1;
	s26 =	simm.s32 $0x1;
	s24 =	simm.s32 $0x8;
	s25 =	simm.s32 $0xC  }
.LBB2_1:
0x19: {  	s5 =	rddreg [dreg:$0x3]  }
0x1a: {  	[tilespmem:s1], [sflag:$0xD] =	stream.linear.gather [hbm4b:s5+s1], $0x10, $0x38;
	[tilespmem:$0x18500] =	vst v63  }
0x1b: {  	_ =	swait.ge [sflag:s20], $0x10  }
0x1c: {  	[sflag:s20] =	ssyncset.done $0x0  }
0x1d: {  	s6 =	simm.s32 $0x200;
	s18 =	rddreg [dreg:$0x4];
	[sflag:s20] =	ssyncadd.s32 $0xFFFFFFF0  }
0x1e: {  	[tilespmem:s6], [sflag:$0xD] =	stream.linear.gather [hbm4b:s18+s1], $0x10, $0x38;
	[tilespmem:$0x18500] =	vst v63  }
0x1f: {  	_ =	swait.ge [sflag:s20], $0x10  }
0x20: {  	[sflag:s20] =	ssyncset.done $0x0  }
0x21: {  	s7 =	simm.s32 $0x80;
	s6 =	rddreg [dreg:$0x5];
	[sflag:s20] =	ssyncadd.s32 $0xFFFFFFF0  }
0x22: {  	[tilespmem:s7], [sflag:$0xD] =	stream.linear.gather [hbm4b:s6+s1], $0x10, $0x38;
	[tilespmem:$0x18500] =	vst v63  }
0x23: {  	_ =	swait.ge [sflag:s20], $0x10  }
0x24: {  	[sflag:s20] =	ssyncset.done $0x0  }
0x25: {  	s9 =	simm.s32 $0x280;
	s8 =	rddreg [dreg:$0x6];
	[sflag:s20] =	ssyncadd.s32 $0xFFFFFFF0  }
0x26: {  	[tilespmem:s9], [sflag:$0xD] =	stream.linear.gather [hbm4b:s8+s1], $0x10, $0x38;
	[tilespmem:$0x18500] =	vst v63  }
0x27: {  	_ =	swait.ge [sflag:s20], $0x10  }
0x28: {  	[sflag:s20] =	ssyncset.done $0x0  }
0x29: {  	s11 =	simm.s32 $0x100;
	s10 =	rddreg [dreg:$0x7];
	[sflag:s20] =	ssyncadd.s32 $0xFFFFFFF0  }
0x2a: {  	[tilespmem:s11], [sflag:$0xD] =	stream.linear.gather [hbm4b:s10+s1], $0x10, $0x38;
	[tilespmem:$0x18500] =	vst v63  }
0x2b: {  	_ =	swait.ge [sflag:s20], $0x10  }
0x2c: {  	[sflag:s20] =	ssyncset.done $0x0  }
0x2d: {  	s13 =	simm.s32 $0x300;
	s12 =	rddreg [dreg:$0x8];
	[sflag:s20] =	ssyncadd.s32 $0xFFFFFFF0  }
0x2e: {  	[tilespmem:s13], [sflag:$0xD] =	stream.linear.gather [hbm4b:s12+s1], $0x10, $0x38;
	[tilespmem:$0x18500] =	vst v63  }
0x2f: {  	_ =	swait.ge [sflag:s20], $0x10  }
0x30: {  	[sflag:s20] =	ssyncset.done $0x0  }
0x31: {  	s16 =	simm.s32 $0x180;
	s15 =	rddreg [dreg:$0x9];
	[sflag:s20] =	ssyncadd.s32 $0xFFFFFFF0  }
0x32: {  	[tilespmem:s16], [sflag:$0xD] =	stream.linear.gather [hbm4b:s15+s1], $0x10, $0x38;
	[tilespmem:$0x18500] =	vst v63  }
0x33: {  	_ =	swait.ge [sflag:s20], $0x10  }
0x34: {  	[sflag:s20] =	ssyncset.done $0x0  }
0x35: {  	s18 =	simm.s32 $0x380;
	s17 =	rddreg [dreg:$0xa];
	[sflag:s20] =	ssyncadd.s32 $0xFFFFFFF0  }
0x36: {  	[tilespmem:s18], [sflag:$0xD] =	stream.linear.gather [hbm4b:s17+s1], $0x10, $0x38;
	[tilespmem:$0x18500] =	vst v63  }
0x37: {  	_ =	swait.ge [sflag:s20], $0x10  }
0x38: {  	[sflag:s20] =	ssyncset.done $0x0  }
0x39: {  	s7 =	simm.s32 $0x400;
	s6 =	rddreg [dreg:$0xb];
	[sflag:s20] =	ssyncadd.s32 $0xFFFFFFF0  }
0x3a: {  	[tilespmem:s7], [sflag:$0xD] =	stream.linear.gather [hbm4b:s6+s1], $0x40, $0x38;
	[tilespmem:$0x18500] =	vst v63  }
0x3b: {  	_ =	swait.ge [sflag:s20], $0x40  }
0x3c: {  	[sflag:s20] =	ssyncset.done $0x0  }
0x3d: {  	s9 =	simm.s32 $0x480;
	s8 =	rddreg [dreg:$0xc];
	[sflag:s20] =	ssyncadd.s32 $0xFFFFFFC0  }
0x3e: {  	[tilespmem:s9], [sflag:$0xD] =	stream.linear.gather [hbm4b:s8+s1], $0x40, $0x38;
	[tilespmem:$0x18500] =	vst v63  }
0x3f: {  	_ =	swait.ge [sflag:s20], $0x40  }
0x40: {  	[sflag:s20] =	ssyncset.done $0x0  }
0x41: {  	[sflag:s20] =	ssyncadd.s32 $0xFFFFFFC0  }
0x42: {  	v3 =	vld [tilespmem:$0x0];
	_ =	sdelay $0x4  }
0x43: {  	v4 =	vshrl.u32 v3, $0x3  }
0x44: {  	v4 =	vmul.u32 $0x18, v4  }
0x45: {  	v3 =	vand.u32 $0x7, v3  }
0x46: {  	v3 =	vor.u32 v3, v4  }
0x47: {  	v4 =	vperm.xlane v3, v0;
	_ =	sdelay $0x1  }
0x48: {  	v4 =	vadd.s32 v1, v4;
	_ =	sdelay $0x1  }
0x49: {  	v3 =	vperm.xlane v3, v2;
	_ =	sdelay $0x1  }
0x4a: {  	s10 =	simm.s32 $0x500;
	v3 =	vadd.s32 v1, v3  }
0x4b: {  	[tilespmem:s10], [sflag:$0x1] =	stream.indirect_vreg.gather [hbm4b:s3+s1], $0x80, v4, vm0, $0xb8;
	[tilespmem:$0x18500] =	vst v63  }
0x4c: {  	s11 =	simm.s32 $0xD00  }
0x4d: {  	[tilespmem:s11], [sflag:$0x1] =	stream.indirect_vreg.gather [hbm4b:s14+s1], $0x80, v4, vm1, $0xb8;
	[tilespmem:$0x18500] =	vst v63  }
0x4e: {  	s12 =	simm.s32 $0x1100  }
0x4f: {  	[tilespmem:s12], [sflag:$0x1] =	stream.indirect_vreg.gather [hbm4b:s3+s1], $0x80, v3, vm0, $0xb8;
	[tilespmem:$0x18500] =	vst v63  }
0x50: {  	s13 =	simm.s32 $0x1900  }
0x51: {  	[tilespmem:s13], [sflag:$0x1] =	stream.indirect_vreg.gather [hbm4b:s14+s1], $0x80, v3, vm1, $0xb8;
	[tilespmem:$0x18500] =	vst v63  }
0x52: {  	v3 =	vld [tilespmem:$0x200];
	_ =	sdelay $0x4  }
0x53: {  	v4 =	vshrl.u32 v3, $0x3  }
0x54: {  	v4 =	vmul.u32 $0x18, v4  }
0x55: {  	v3 =	vand.u32 $0x7, v3  }
0x56: {  	v3 =	vor.u32 v3, v4  }
0x57: {  	v4 =	vperm.xlane v3, v0;
	_ =	sdelay $0x1  }
0x58: {  	v4 =	vadd.s32 v1, v4;
	_ =	sdelay $0x1  }
0x59: {  	v3 =	vperm.xlane v3, v2;
	_ =	sdelay $0x1  }
0x5a: {  	s15 =	simm.s32 $0x6500;
	v3 =	vadd.s32 v1, v3  }
0x5b: {  	[tilespmem:s15], [sflag:$0x2] =	stream.indirect_vreg.gather [hbm4b:s3+s1], $0x80, v4, vm0, $0xb8;
	[tilespmem:$0x18500] =	vst v63  }
0x5c: {  	s16 =	simm.s32 $0x6D00  }
0x5d: {  	[tilespmem:s16], [sflag:$0x2] =	stream.indirect_vreg.gather [hbm4b:s14+s1], $0x80, v4, vm1, $0xb8;
	[tilespmem:$0x18500] =	vst v63  }
0x5e: {  	s17 =	simm.s32 $0x7100  }
0x5f: {  	[tilespmem:s17], [sflag:$0x2] =	stream.indirect_vreg.gather [hbm4b:s3+s1], $0x80, v3, vm0, $0xb8;
	[tilespmem:$0x18500] =	vst v63  }
0x60: {  	s18 =	simm.s32 $0x7900  }
0x61: {  	[tilespmem:s18], [sflag:$0x2] =	stream.indirect_vreg.gather [hbm4b:s14+s1], $0x80, v3, vm1, $0xb8;
	[tilespmem:$0x18500] =	vst v63  }
0x62: {  	v3 =	vld [tilespmem:$0x80];
	_ =	sdelay $0x4  }
0x63: {  	v4 =	vshrl.u32 v3, $0x3  }
0x64: {  	v4 =	vmul.u32 $0x18, v4  }
0x65: {  	v3 =	vand.u32 $0x7, v3  }
0x66: {  	v3 =	vor.u32 v3, v4  }
0x67: {  	v4 =	vperm.xlane v3, v0;
	_ =	sdelay $0x1  }
0x68: {  	v4 =	vadd.s32 v1, v4;
	_ =	sdelay $0x1  }
0x69: {  	v3 =	vperm.xlane v3, v2;
	_ =	sdelay $0x1  }
0x6a: {  	s6 =	simm.s32 $0x1D00;
	v3 =	vadd.s32 v1, v3  }
0x6b: {  	[tilespmem:s6], [sflag:$0x3] =	stream.indirect_vreg.gather [hbm4b:s3+s1], $0x80, v4, vm0, $0xb8;
	[tilespmem:$0x18500] =	vst v63  }
0x6c: {  	s7 =	simm.s32 $0x2500  }
0x6d: {  	[tilespmem:s7], [sflag:$0x3] =	stream.indirect_vreg.gather [hbm4b:s14+s1], $0x80, v4, vm1, $0xb8;
	[tilespmem:$0x18500] =	vst v63  }
0x6e: {  	s8 =	simm.s32 $0x2900  }
0x6f: {  	[tilespmem:s8], [sflag:$0x3] =	stream.indirect_vreg.gather [hbm4b:s3+s1], $0x80, v3, vm0, $0xb8;
	[tilespmem:$0x18500] =	vst v63  }
0x70: {  	s9 =	simm.s32 $0x3100  }
0x71: {  	[tilespmem:s9], [sflag:$0x3] =	stream.indirect_vreg.gather [hbm4b:s14+s1], $0x80, v3, vm1, $0xb8;
	[tilespmem:$0x18500] =	vst v63  }
0x72: {  	v3 =	vld [tilespmem:$0x280];
	_ =	sdelay $0x4  }
0x73: {  	v4 =	vshrl.u32 v3, $0x3  }
0x74: {  	v4 =	vmul.u32 $0x18, v4  }
0x75: {  	v3 =	vand.u32 $0x7, v3  }
0x76: {  	v3 =	vor.u32 v3, v4  }
0x77: {  	v4 =	vperm.xlane v3, v0;
	_ =	sdelay $0x1  }
0x78: {  	v4 =	vadd.s32 v1, v4;
	_ =	sdelay $0x1  }
0x79: {  	v3 =	vperm.xlane v3, v2;
	_ =	sdelay $0x1  }
0x7a: {  	s10 =	simm.s32 $0x7D00;
	v3 =	vadd.s32 v1, v3  }
0x7b: {  	[tilespmem:s10], [sflag:$0x4] =	stream.indirect_vreg.gather [hbm4b:s3+s1], $0x80, v4, vm0, $0xb8;
	[tilespmem:$0x18500] =	vst v63  }
0x7c: {  	s11 =	simm.s32 $0x8500  }
0x7d: {  	[tilespmem:s11], [sflag:$0x4] =	stream.indirect_vreg.gather [hbm4b:s14+s1], $0x80, v4, vm1, $0xb8;
	[tilespmem:$0x18500] =	vst v63  }
0x7e: {  	s12 =	simm.s32 $0x8900  }
0x7f: {  	[tilespmem:s12], [sflag:$0x4] =	stream.indirect_vreg.gather [hbm4b:s3+s1], $0x80, v3, vm0, $0xb8;
	[tilespmem:$0x18500] =	vst v63  }
0x80: {  	s13 =	simm.s32 $0x9100  }
0x81: {  	[tilespmem:s13], [sflag:$0x4] =	stream.indirect_vreg.gather [hbm4b:s14+s1], $0x80, v3, vm1, $0xb8;
	[tilespmem:$0x18500] =	vst v63  }
0x82: {  	v3 =	vld [tilespmem:$0x100];
	_ =	sdelay $0x4  }
0x83: {  	v4 =	vshrl.u32 v3, $0x3  }
0x84: {  	v4 =	vmul.u32 $0x18, v4  }
0x85: {  	v3 =	vand.u32 $0x7, v3  }
0x86: {  	v3 =	vor.u32 v3, v4  }
0x87: {  	v4 =	vperm.xlane v3, v0;
	_ =	sdelay $0x1  }
0x88: {  	v4 =	vadd.s32 v1, v4;
	_ =	sdelay $0x1  }
0x89: {  	v3 =	vperm.xlane v3, v2;
	_ =	sdelay $0x1  }
0x8a: {  	s15 =	simm.s32 $0x3500;
	v3 =	vadd.s32 v1, v3  }
0x8b: {  	[tilespmem:s15], [sflag:$0x5] =	stream.indirect_vreg.gather [hbm4b:s3+s1], $0x80, v4, vm0, $0xb8;
	[tilespmem:$0x18500] =	vst v63  }
0x8c: {  	s16 =	simm.s32 $0x3D00  }
0x8d: {  	[tilespmem:s16], [sflag:$0x5] =	stream.indirect_vreg.gather [hbm4b:s14+s1], $0x80, v4, vm1, $0xb8;
	[tilespmem:$0x18500] =	vst v63  }
0x8e: {  	s17 =	simm.s32 $0x4100  }
0x8f: {  	[tilespmem:s17], [sflag:$0x5] =	stream.indirect_vreg.gather [hbm4b:s3+s1], $0x80, v3, vm0, $0xb8;
	[tilespmem:$0x18500] =	vst v63  }
0x90: {  	s18 =	simm.s32 $0x4900  }
0x91: {  	[tilespmem:s18], [sflag:$0x5] =	stream.indirect_vreg.gather [hbm4b:s14+s1], $0x80, v3, vm1, $0xb8;
	[tilespmem:$0x18500] =	vst v63  }
0x92: {  	v3 =	vld [tilespmem:$0x300];
	_ =	sdelay $0x4  }
0x93: {  	v4 =	vshrl.u32 v3, $0x3  }
0x94: {  	v4 =	vmul.u32 $0x18, v4  }
0x95: {  	v3 =	vand.u32 $0x7, v3  }
0x96: {  	v3 =	vor.u32 v3, v4  }
0x97: {  	v4 =	vperm.xlane v3, v0;
	_ =	sdelay $0x1  }
0x98: {  	v4 =	vadd.s32 v1, v4;
	_ =	sdelay $0x1  }
0x99: {  	v3 =	vperm.xlane v3, v2;
	_ =	sdelay $0x1  }
0x9a: {  	s6 =	simm.s32 $0x9500;
	v3 =	vadd.s32 v1, v3  }
0x9b: {  	[tilespmem:s6], [sflag:$0x6] =	stream.indirect_vreg.gather [hbm4b:s3+s1], $0x80, v4, vm0, $0xb8;
	[tilespmem:$0x18500] =	vst v63  }
0x9c: {  	s7 =	simm.s32 $0x9D00  }
0x9d: {  	[tilespmem:s7], [sflag:$0x6] =	stream.indirect_vreg.gather [hbm4b:s14+s1], $0x80, v4, vm1, $0xb8;
	[tilespmem:$0x18500] =	vst v63  }
0x9e: {  	s8 =	simm.s32 $0xA100  }
0x9f: {  	[tilespmem:s8], [sflag:$0x6] =	stream.indirect_vreg.gather [hbm4b:s3+s1], $0x80, v3, vm0, $0xb8;
	[tilespmem:$0x18500] =	vst v63  }
0xa0: {  	s9 =	simm.s32 $0xA900  }
0xa1: {  	[tilespmem:s9], [sflag:$0x6] =	stream.indirect_vreg.gather [hbm4b:s14+s1], $0x80, v3, vm1, $0xb8;
	[tilespmem:$0x18500] =	vst v63  }
0xa2: {  	v3 =	vld [tilespmem:$0x180];
	_ =	sdelay $0x4  }
0xa3: {  	v4 =	vshrl.u32 v3, $0x3  }
0xa4: {  	v4 =	vmul.u32 $0x18, v4  }
0xa5: {  	v3 =	vand.u32 $0x7, v3  }
0xa6: {  	v3 =	vor.u32 v3, v4  }
0xa7: {  	v4 =	vperm.xlane v3, v0;
	_ =	sdelay $0x1  }
0xa8: {  	v4 =	vadd.s32 v1, v4;
	_ =	sdelay $0x1  }
0xa9: {  	v3 =	vperm.xlane v3, v2;
	_ =	sdelay $0x1  }
0xaa: {  	s10 =	simm.s32 $0x4D00;
	v3 =	vadd.s32 v1, v3  }
0xab: {  	[tilespmem:s10], [sflag:$0x7] =	stream.indirect_vreg.gather [hbm4b:s3+s1], $0x80, v4, vm0, $0xb8;
	[tilespmem:$0x18500] =	vst v63  }
0xac: {  	s11 =	simm.s32 $0x5500  }
0xad: {  	[tilespmem:s11], [sflag:$0x7] =	stream.indirect_vreg.gather [hbm4b:s14+s1], $0x80, v4, vm1, $0xb8;
	[tilespmem:$0x18500] =	vst v63  }
0xae: {  	s12 =	simm.s32 $0x5900  }
0xaf: {  	[tilespmem:s12], [sflag:$0x7] =	stream.indirect_vreg.gather [hbm4b:s3+s1], $0x80, v3, vm0, $0xb8;
	[tilespmem:$0x18500] =	vst v63  }
0xb0: {  	s13 =	simm.s32 $0x6100  }
0xb1: {  	[tilespmem:s13], [sflag:$0x7] =	stream.indirect_vreg.gather [hbm4b:s14+s1], $0x80, v3, vm1, $0xb8;
	[tilespmem:$0x18500] =	vst v63  }
0xb2: {  	v3 =	vld [tilespmem:$0x380];
	_ =	sdelay $0x4  }
0xb3: {  	v4 =	vshrl.u32 v3, $0x3  }
0xb4: {  	v4 =	vmul.u32 $0x18, v4  }
0xb5: {  	v3 =	vand.u32 $0x7, v3  }
0xb6: {  	v3 =	vor.u32 v3, v4  }
0xb7: {  	v4 =	vperm.xlane v3, v0;
	_ =	sdelay $0x1  }
0xb8: {  	v4 =	vadd.s32 v1, v4;
	_ =	sdelay $0x1  }
0xb9: {  	v3 =	vperm.xlane v3, v2;
	_ =	sdelay $0x1  }
0xba: {  	s15 =	simm.s32 $0xAD00;
	v3 =	vadd.s32 v1, v3  }
0xbb: {  	[tilespmem:s15], [sflag:$0x8] =	stream.indirect_vreg.gather [hbm4b:s3+s1], $0x80, v4, vm0, $0xb8;
	[tilespmem:$0x18500] =	vst v63  }
0xbc: {  	s16 =	simm.s32 $0xB500  }
0xbd: {  	[tilespmem:s16], [sflag:$0x8] =	stream.indirect_vreg.gather [hbm4b:s14+s1], $0x80, v4, vm1, $0xb8;
	[tilespmem:$0x18500] =	vst v63  }
0xbe: {  	s17 =	simm.s32 $0xB900  }
0xbf: {  	[tilespmem:s17], [sflag:$0x8] =	stream.indirect_vreg.gather [hbm4b:s3+s1], $0x80, v3, vm0, $0xb8;
	[tilespmem:$0x18500] =	vst v63  }
0xc0: {  	s18 =	simm.s32 $0xC100  }
0xc1: {  	[tilespmem:s18], [sflag:$0x8] =	stream.indirect_vreg.gather [hbm4b:s14+s1], $0x80, v3, vm1, $0xb8;
	[tilespmem:$0x18500] =	vst v63  }
0xc2: {  	_ =	swait.ge [sflag:s26], $0x1800  }
0xc3: {  	[sflag:s26] =	ssyncset.done $0x0  }
0xc4: {  	[sflag:s26] =	ssyncadd.s32 $0xFFFFE800  }
0xc5: {  	_ =	swait.ge [sflag:s28], $0x1800  }
0xc6: {  	[sflag:s28] =	ssyncset.done $0x0  }
0xc7: {  	[sflag:s28] =	ssyncadd.s32 $0xFFFFE800  }
0xc8: {  	v3 =	vld [tilespmem:$0x400]  }
0xc9: {  	s5 =	simm.s32 $0x0;
	v4 =	vld [tilespmem:$0x480]  }
.LBB2_2:
0xca: {  	s8 =	sshrl.u32 s5, $0x3  }
0xcb: {  	s6 =	sshll.u32 s5, $0x7;
	s7 =	smul.u32 $0xC00, s8  }
0xcc: {  	s9 =	simm.s32 $0x0;
	s6 =	sand.u32 $0x380, s6  }
0xcd: {  	s11 =	sand.u32 $0xC00, s9;
	s7 =	sor.u32 s6, s7  }
0xce: {  	s15 =	sand.u32 $0x70, s9;
	s17 =	sadd.s32 s7, s11  }
0xcf: {  	s9 =	sor.u32 s15, s17  }
0xd0: {  	v8 =	vld [tilespmem:s9+$0x500]  }
0xd1: {  	v5 =	vmov s5;
	v9 =	vld [tilespmem:s9+$0x6500]  }
0xd2: {  	v5 =	vand.u32 $0xF, v5  }
0xd3: {  	v5 =	vbroadcast v5, $0x0;
	_ =	sdelay $0x1  }
0xd4: {  	s8 =	smul.u32 $0x6000, s8;
	v6 =	vperm.xlane v3, v5;
	v7 =	vperm.xlane v4, v5;
	v5 =	vmov s6  }
0xd5: {  	v10 =	vand.u32 $0xFFFF0000, v8;
	v11 =	vand.u32 $0xFFFF0000, v9;
	v8 =	vshll.u32 v8, $0x10  }
0xd6: {  	s8 =	sshra.s32 s8, $0x2;
	v9 =	vshll.u32 v9, $0x10;
	v10 =	vmul.f32 v10, v6;
	v11 =	vmul.f32 v11, v7  }
0xd7: {  	s18 =	simm.s32 $0x10;
	s8 =	sadd.s32 $0xC500, s8;
	v8 =	vmul.f32 v8, v6;
	v9 =	vmul.f32 v9, v7  }
0xd8: {  	s10 =	sand.u32 $0x70, s18;
	s12 =	sadd.s32 s11, s8;
	s11 =	simm.s32 $0x80;
	v10 =	vadd.f32 v11, v10  }
0xd9: {  	s9 =	sand.u32 $0xC00, s11;
	s16 =	sadd.s32 s6, s12;
	s17 =	sadd.s32 s15, s12;
	v8 =	vadd.f32 v9, v8  }
0xda: {  	s12 =	simm.s32 $0x20;
	s13 =	sadd.s32 s7, s9;
	s15 =	sadd.s32 s15, s16;
	[tilespmem:v5+s17+$0xC00 ss:$0x1] =	vst.idx.msk $0xffff, v10  }
.LBB2_3:
0xdb: {  	p0 =	sne.s32 s12, $0x170;
	s13 =	sor.u32 s10, s13;
	[tilespmem:s15+$0x0] =	vst v8;
	s15 =	smov.u32 s10  }
0xdc: {  	v8 =	vld [tilespmem:s13+$0x500]  }
0xdd: {  	v9 =	vld [tilespmem:s13+$0x6500];
	_ =	sdelay $0x3  }
0xde: {  	v10 =	vshll.u32 v8, $0x10  }
0xdf: {  	v8 =	vand.u32 $0xFFFF0000, v8;
	v11 =	vshll.u32 v9, $0x10;
	v9 =	vand.u32 $0xFFFF0000, v9  }
.Ltmp0:
0xe0: {  	v8 =	vmul.f32 v8, v6;
	v9 =	vmul.f32 v9, v7;
	(pc) =	sbr.rel @p0 .LBB2_3-.Ltmp0, $4  }
0xe1: {  	v10 =	vmul.f32 v10, v6;
	v11 =	vmul.f32 v11, v7  }
0xe2: {  	s10 =	sand.u32 $0x70, s12;
	s11 =	sadd.s32 $0x80, s11;
	s13 =	sadd.s32 s9, s8;
	v9 =	vadd.f32 v9, v8  }
0xe3: {  	s9 =	sand.u32 $0xC00, s11;
	s16 =	sadd.s32 s6, s13;
	s17 =	sadd.s32 s15, s13;
	v8 =	vadd.f32 v11, v10  }
0xe4: {  	s12 =	sadd.s32 $0x10, s12;
	s13 =	sadd.s32 s7, s9;
	s15 =	sadd.s32 s15, s16;
	[tilespmem:v5+s17+$0xC00 ss:$0x1] =	vst.idx.msk $0xffff, v9  }
0xe5: {  	s7 =	sor.u32 s10, s13;
	[tilespmem:s15+$0x0] =	vst v8  }
0xe6: {  	v8 =	vld [tilespmem:s7+$0x500]  }
0xe7: {  	v9 =	vld [tilespmem:s7+$0x6500];
	_ =	sdelay $0x4  }
0xe8: {  	s5 =	sadd.s32 $0x1, s5;
	v10 =	vshll.u32 v8, $0x10;
	v8 =	vand.u32 $0xFFFF0000, v8;
	v11 =	vand.u32 $0xFFFF0000, v9  }
0xe9: {  	p0 =	sne.s32 s5, $0x10;
	v9 =	vshll.u32 v9, $0x10;
	v8 =	vmul.f32 v8, v6;
	v11 =	vmul.f32 v11, v7  }
.Ltmp1:
0xea: {  	v6 =	vmul.f32 v10, v6;
	v7 =	vmul.f32 v9, v7;
	(pc) =	sbr.rel @p0 .LBB2_2-.Ltmp1, $4  }
0xeb: {  	s18 =	sadd.s32 s9, s8;
	v8 =	vadd.f32 v11, v8  }
0xec: {  	s6 =	sadd.s32 s6, s18;
	s7 =	sadd.s32 s10, s18;
	v6 =	vadd.f32 v7, v6  }
0xed: {  	s6 =	sadd.s32 s10, s6;
	[tilespmem:v5+s7+$0xC00 ss:$0x1] =	vst.idx.msk $0xffff, v8  }
0xee: {  	[tilespmem:s6+$0x0] =	vst v6  }
0xef: {  	s5 =	simm.s32 $0x0;
	s6 =	rddreg [dreg:$0xd];
	s7 =	simm.s32 $0xC500  }
0xf0: {  	[hbm4b:s6+s5] =	stream.linear.scatter [tilespmem:s7], [sflag:$0x9], $0x3000, $0x38;
	[tilespmem:$0x18500] =	vst v63  }
0xf1: {  	_ =	swait.ge [sflag:s30], $0x1800  }
0xf2: {  	[sflag:s30] =	ssyncset.done $0x0  }
0xf3: {  	[sflag:s30] =	ssyncadd.s32 $0xFFFFE800  }
0xf4: {  	_ =	swait.ge [sflag:s31], $0x1800  }
0xf5: {  	[sflag:s31] =	ssyncset.done $0x0  }
0xf6: {  	[sflag:s31] =	ssyncadd.s32 $0xFFFFE800  }
0xf7: {  	v3 =	vld [tilespmem:$0x410]  }
0xf8: {  	s6 =	simm.s32 $0x0;
	v4 =	vld [tilespmem:$0x490]  }
.LBB2_6:
0xf9: {  	s9 =	sshrl.u32 s6, $0x3  }
0xfa: {  	s7 =	sshll.u32 s6, $0x7;
	s8 =	smul.u32 $0xC00, s9  }
0xfb: {  	s7 =	sand.u32 $0x380, s7  }
0xfc: {  	s10 =	sand.u32 $0xC00, s5;
	s8 =	sor.u32 s7, s8  }
0xfd: {  	s16 =	sand.u32 $0x70, s5;
	s11 =	sadd.s32 s8, s10  }
0xfe: {  	s11 =	sor.u32 s16, s11  }
0xff: {  	v8 =	vld [tilespmem:s11+$0x1D00]  }
0x100: {  	v5 =	vmov s6;
	v9 =	vld [tilespmem:s11+$0x7D00]  }
0x101: {  	v5 =	vand.u32 $0xF, v5  }
0x102: {  	v5 =	vbroadcast v5, $0x0;
	_ =	sdelay $0x1  }
0x103: {  	s9 =	smul.u32 $0x6000, s9;
	v6 =	vperm.xlane v3, v5;
	v7 =	vperm.xlane v4, v5;
	v5 =	vmov s7  }
0x104: {  	v10 =	vand.u32 $0xFFFF0000, v8;
	v11 =	vand.u32 $0xFFFF0000, v9;
	v8 =	vshll.u32 v8, $0x10  }
0x105: {  	s9 =	sshra.s32 s9, $0x2;
	v9 =	vshll.u32 v9, $0x10;
	v10 =	vmul.f32 v10, v6;
	v11 =	vmul.f32 v11, v7  }
0x106: {  	s12 =	simm.s32 $0x80;
	s9 =	sadd.s32 $0xF500, s9;
	v8 =	vmul.f32 v8, v6;
	v9 =	vmul.f32 v9, v7  }
0x107: {  	s18 =	simm.s32 $0x10;
	s13 =	sadd.s32 s10, s9;
	s10 =	sand.u32 $0xC00, s12;
	v10 =	vadd.f32 v11, v10  }
0x108: {  	s11 =	sand.u32 $0x70, s18;
	s17 =	sadd.s32 s7, s13;
	s18 =	sadd.s32 s16, s13;
	v8 =	vadd.f32 v9, v8  }
0x109: {  	s15 =	sadd.s32 s8, s10;
	s13 =	simm.s32 $0x20;
	s16 =	sadd.s32 s16, s17;
	[tilespmem:v5+s18+$0xC00 ss:$0x1] =	vst.idx.msk $0xffff, v10  }
.LBB2_7:
0x10a: {  	p0 =	sne.s32 s13, $0x170;
	s15 =	sor.u32 s11, s15;
	[tilespmem:s16+$0x0] =	vst v8;
	s16 =	smov.u32 s11  }
0x10b: {  	v8 =	vld [tilespmem:s15+$0x1D00]  }
0x10c: {  	v9 =	vld [tilespmem:s15+$0x7D00];
	_ =	sdelay $0x3  }
0x10d: {  	v10 =	vshll.u32 v8, $0x10  }
0x10e: {  	v8 =	vand.u32 $0xFFFF0000, v8;
	v11 =	vshll.u32 v9, $0x10;
	v9 =	vand.u32 $0xFFFF0000, v9  }
.Ltmp2:
0x10f: {  	v8 =	vmul.f32 v8, v6;
	v9 =	vmul.f32 v9, v7;
	(pc) =	sbr.rel @p0 .LBB2_7-.Ltmp2, $4  }
0x110: {  	v10 =	vmul.f32 v10, v6;
	v11 =	vmul.f32 v11, v7  }
0x111: {  	s11 =	sand.u32 $0x70, s13;
	s12 =	sadd.s32 $0x80, s12;
	s15 =	sadd.s32 s10, s9;
	v9 =	vadd.f32 v9, v8  }
0x112: {  	s10 =	sand.u32 $0xC00, s12;
	s17 =	sadd.s32 s7, s15;
	s18 =	sadd.s32 s16, s15;
	v8 =	vadd.f32 v11, v10  }
0x113: {  	s13 =	sadd.s32 $0x10, s13;
	s15 =	sadd.s32 s8, s10;
	s16 =	sadd.s32 s16, s17;
	[tilespmem:v5+s18+$0xC00 ss:$0x1] =	vst.idx.msk $0xffff, v9  }
0x114: {  	s8 =	sor.u32 s11, s15;
	[tilespmem:s16+$0x0] =	vst v8  }
0x115: {  	v8 =	vld [tilespmem:s8+$0x1D00]  }
0x116: {  	v9 =	vld [tilespmem:s8+$0x7D00];
	_ =	sdelay $0x4  }
0x117: {  	s6 =	sadd.s32 $0x1, s6;
	v10 =	vshll.u32 v8, $0x10;
	v8 =	vand.u32 $0xFFFF0000, v8;
	v11 =	vand.u32 $0xFFFF0000, v9  }
0x118: {  	p0 =	sne.s32 s6, $0x10;
	v9 =	vshll.u32 v9, $0x10;
	v8 =	vmul.f32 v8, v6;
	v11 =	vmul.f32 v11, v7  }
.Ltmp3:
0x119: {  	v6 =	vmul.f32 v10, v6;
	v7 =	vmul.f32 v9, v7;
	(pc) =	sbr.rel @p0 .LBB2_6-.Ltmp3, $4  }
0x11a: {  	s18 =	sadd.s32 s10, s9;
	v8 =	vadd.f32 v11, v8  }
0x11b: {  	s7 =	sadd.s32 s7, s18;
	s8 =	sadd.s32 s11, s18;
	v6 =	vadd.f32 v7, v6  }
0x11c: {  	s7 =	sadd.s32 s11, s7;
	[tilespmem:v5+s8+$0xC00 ss:$0x1] =	vst.idx.msk $0xffff, v8  }
0x11d: {  	[tilespmem:s7+$0x0] =	vst v6  }
0x11e: {  	s5 =	simm.s32 $0x0;
	s6 =	rddreg [dreg:$0xe];
	s7 =	simm.s32 $0xF500  }
0x11f: {  	[hbm4b:s6+s5] =	stream.linear.scatter [tilespmem:s7], [sflag:$0xA], $0x3000, $0x38;
	[tilespmem:$0x18500] =	vst v63  }
0x120: {  	_ =	swait.ge [sflag:s2], $0x1800  }
0x121: {  	[sflag:s2] =	ssyncset.done $0x0  }
0x122: {  	[sflag:s2] =	ssyncadd.s32 $0xFFFFE800  }
0x123: {  	_ =	swait.ge [sflag:s21], $0x1800  }
0x124: {  	[sflag:s21] =	ssyncset.done $0x0  }
0x125: {  	[sflag:s21] =	ssyncadd.s32 $0xFFFFE800  }
0x126: {  	v3 =	vld [tilespmem:$0x420]  }
0x127: {  	s6 =	simm.s32 $0x0;
	v4 =	vld [tilespmem:$0x4A0]  }
.LBB2_10:
0x128: {  	s9 =	sshrl.u32 s6, $0x3  }
0x129: {  	s7 =	sshll.u32 s6, $0x7;
	s8 =	smul.u32 $0xC00, s9  }
0x12a: {  	s7 =	sand.u32 $0x380, s7  }
0x12b: {  	s10 =	sand.u32 $0xC00, s5;
	s8 =	sor.u32 s7, s8  }
0x12c: {  	s16 =	sand.u32 $0x70, s5;
	s11 =	sadd.s32 s8, s10  }
0x12d: {  	s11 =	sor.u32 s16, s11  }
0x12e: {  	v8 =	vld [tilespmem:s11+$0x3500]  }
0x12f: {  	v5 =	vmov s6;
	v9 =	vld [tilespmem:s11+$0x9500]  }
0x130: {  	v5 =	vand.u32 $0xF, v5  }
0x131: {  	v5 =	vbroadcast v5, $0x0;
	_ =	sdelay $0x1  }
0x132: {  	s9 =	smul.u32 $0x6000, s9;
	v6 =	vperm.xlane v3, v5;
	v7 =	vperm.xlane v4, v5;
	v5 =	vmov s7  }
0x133: {  	v10 =	vand.u32 $0xFFFF0000, v8;
	v11 =	vand.u32 $0xFFFF0000, v9;
	v8 =	vshll.u32 v8, $0x10  }
0x134: {  	s9 =	sshra.s32 s9, $0x2;
	v9 =	vshll.u32 v9, $0x10;
	v10 =	vmul.f32 v10, v6;
	v11 =	vmul.f32 v11, v7  }
0x135: {  	s12 =	simm.s32 $0x80;
	s9 =	sadd.s32 $0x12500, s9;
	v8 =	vmul.f32 v8, v6;
	v9 =	vmul.f32 v9, v7  }
0x136: {  	s18 =	simm.s32 $0x10;
	s13 =	sadd.s32 s10, s9;
	s10 =	sand.u32 $0xC00, s12;
	v10 =	vadd.f32 v11, v10  }
0x137: {  	s11 =	sand.u32 $0x70, s18;
	s17 =	sadd.s32 s7, s13;
	s18 =	sadd.s32 s16, s13;
	v8 =	vadd.f32 v9, v8  }
0x138: {  	s15 =	sadd.s32 s8, s10;
	s13 =	simm.s32 $0x20;
	s16 =	sadd.s32 s16, s17;
	[tilespmem:v5+s18+$0xC00 ss:$0x1] =	vst.idx.msk $0xffff, v10  }
.LBB2_11:
0x139: {  	p0 =	sne.s32 s13, $0x170;
	s15 =	sor.u32 s11, s15;
	[tilespmem:s16+$0x0] =	vst v8;
	s16 =	smov.u32 s11  }
0x13a: {  	v8 =	vld [tilespmem:s15+$0x3500]  }
0x13b: {  	v9 =	vld [tilespmem:s15+$0x9500];
	_ =	sdelay $0x3  }
0x13c: {  	v10 =	vshll.u32 v8, $0x10  }
0x13d: {  	v8 =	vand.u32 $0xFFFF0000, v8;
	v11 =	vshll.u32 v9, $0x10;
	v9 =	vand.u32 $0xFFFF0000, v9  }
.Ltmp4:
0x13e: {  	v8 =	vmul.f32 v8, v6;
	v9 =	vmul.f32 v9, v7;
	(pc) =	sbr.rel @p0 .LBB2_11-.Ltmp4, $4  }
0x13f: {  	v10 =	vmul.f32 v10, v6;
	v11 =	vmul.f32 v11, v7  }
0x140: {  	s11 =	sand.u32 $0x70, s13;
	s12 =	sadd.s32 $0x80, s12;
	s15 =	sadd.s32 s10, s9;
	v9 =	vadd.f32 v9, v8  }
0x141: {  	s10 =	sand.u32 $0xC00, s12;
	s17 =	sadd.s32 s7, s15;
	s18 =	sadd.s32 s16, s15;
	v8 =	vadd.f32 v11, v10  }
0x142: {  	s13 =	sadd.s32 $0x10, s13;
	s15 =	sadd.s32 s8, s10;
	s16 =	sadd.s32 s16, s17;
	[tilespmem:v5+s18+$0xC00 ss:$0x1] =	vst.idx.msk $0xffff, v9  }
0x143: {  	s8 =	sor.u32 s11, s15;
	[tilespmem:s16+$0x0] =	vst v8  }
0x144: {  	v8 =	vld [tilespmem:s8+$0x3500]  }
0x145: {  	v9 =	vld [tilespmem:s8+$0x9500];
	_ =	sdelay $0x4  }
0x146: {  	s6 =	sadd.s32 $0x1, s6;
	v10 =	vshll.u32 v8, $0x10;
	v8 =	vand.u32 $0xFFFF0000, v8;
	v11 =	vand.u32 $0xFFFF0000, v9  }
0x147: {  	p0 =	sne.s32 s6, $0x10;
	v9 =	vshll.u32 v9, $0x10;
	v8 =	vmul.f32 v8, v6;
	v11 =	vmul.f32 v11, v7  }
.Ltmp5:
0x148: {  	v6 =	vmul.f32 v10, v6;
	v7 =	vmul.f32 v9, v7;
	(pc) =	sbr.rel @p0 .LBB2_10-.Ltmp5, $4  }
0x149: {  	s18 =	sadd.s32 s10, s9;
	v8 =	vadd.f32 v11, v8  }
0x14a: {  	s7 =	sadd.s32 s7, s18;
	s8 =	sadd.s32 s11, s18;
	v6 =	vadd.f32 v7, v6  }
0x14b: {  	s7 =	sadd.s32 s11, s7;
	[tilespmem:v5+s8+$0xC00 ss:$0x1] =	vst.idx.msk $0xffff, v8  }
0x14c: {  	[tilespmem:s7+$0x0] =	vst v6  }
0x14d: {  	s5 =	simm.s32 $0x0;
	s6 =	rddreg [dreg:$0xf];
	s7 =	simm.s32 $0x12500  }
0x14e: {  	[hbm4b:s6+s5] =	stream.linear.scatter [tilespmem:s7], [sflag:$0xB], $0x3000, $0x38;
	[tilespmem:$0x18500] =	vst v63  }
0x14f: {  	_ =	swait.ge [sflag:s23], $0x1800  }
0x150: {  	[sflag:s23] =	ssyncset.done $0x0  }
0x151: {  	[sflag:s23] =	ssyncadd.s32 $0xFFFFE800  }
0x152: {  	_ =	swait.ge [sflag:s24], $0x1800  }
0x153: {  	[sflag:s24] =	ssyncset.done $0x0  }
0x154: {  	[sflag:s24] =	ssyncadd.s32 $0xFFFFE800  }
0x155: {  	v3 =	vld [tilespmem:$0x430]  }
0x156: {  	s6 =	simm.s32 $0x0;
	v4 =	vld [tilespmem:$0x4B0]  }
.LBB2_14:
0x157: {  	s9 =	sshrl.u32 s6, $0x3  }
0x158: {  	s7 =	sshll.u32 s6, $0x7;
	s8 =	smul.u32 $0xC00, s9  }
0x159: {  	s7 =	sand.u32 $0x380, s7  }
0x15a: {  	s10 =	sand.u32 $0xC00, s5;
	s8 =	sor.u32 s7, s8  }
0x15b: {  	s16 =	sand.u32 $0x70, s5;
	s11 =	sadd.s32 s8, s10  }
0x15c: {  	s11 =	sor.u32 s16, s11  }
0x15d: {  	v8 =	vld [tilespmem:s11+$0x4D00]  }
0x15e: {  	v5 =	vmov s6;
	v9 =	vld [tilespmem:s11+$0xAD00]  }
0x15f: {  	v5 =	vand.u32 $0xF, v5  }
0x160: {  	v5 =	vbroadcast v5, $0x0;
	_ =	sdelay $0x1  }
0x161: {  	s9 =	smul.u32 $0x6000, s9;
	v6 =	vperm.xlane v3, v5;
	v7 =	vperm.xlane v4, v5;
	v5 =	vmov s7  }
0x162: {  	v10 =	vand.u32 $0xFFFF0000, v8;
	v11 =	vand.u32 $0xFFFF0000, v9;
	v8 =	vshll.u32 v8, $0x10  }
0x163: {  	s9 =	sshra.s32 s9, $0x2;
	v9 =	vshll.u32 v9, $0x10;
	v10 =	vmul.f32 v10, v6;
	v11 =	vmul.f32 v11, v7  }
0x164: {  	s12 =	simm.s32 $0x80;
	s9 =	sadd.s32 $0x15500, s9;
	v8 =	vmul.f32 v8, v6;
	v9 =	vmul.f32 v9, v7  }
0x165: {  	s18 =	simm.s32 $0x10;
	s13 =	sadd.s32 s10, s9;
	s10 =	sand.u32 $0xC00, s12;
	v10 =	vadd.f32 v11, v10  }
0x166: {  	s11 =	sand.u32 $0x70, s18;
	s17 =	sadd.s32 s7, s13;
	s18 =	sadd.s32 s16, s13;
	v8 =	vadd.f32 v9, v8  }
0x167: {  	s15 =	sadd.s32 s8, s10;
	s13 =	simm.s32 $0x20;
	s16 =	sadd.s32 s16, s17;
	[tilespmem:v5+s18+$0xC00 ss:$0x1] =	vst.idx.msk $0xffff, v10  }
.LBB2_15:
0x168: {  	p0 =	sne.s32 s13, $0x170;
	s15 =	sor.u32 s11, s15;
	[tilespmem:s16+$0x0] =	vst v8;
	s16 =	smov.u32 s11  }
0x169: {  	v8 =	vld [tilespmem:s15+$0x4D00]  }
0x16a: {  	v9 =	vld [tilespmem:s15+$0xAD00];
	_ =	sdelay $0x3  }
0x16b: {  	v10 =	vshll.u32 v8, $0x10  }
0x16c: {  	v8 =	vand.u32 $0xFFFF0000, v8;
	v11 =	vshll.u32 v9, $0x10;
	v9 =	vand.u32 $0xFFFF0000, v9  }
.Ltmp6:
0x16d: {  	v8 =	vmul.f32 v8, v6;
	v9 =	vmul.f32 v9, v7;
	(pc) =	sbr.rel @p0 .LBB2_15-.Ltmp6, $4  }
0x16e: {  	v10 =	vmul.f32 v10, v6;
	v11 =	vmul.f32 v11, v7  }
0x16f: {  	s11 =	sand.u32 $0x70, s13;
	s12 =	sadd.s32 $0x80, s12;
	s15 =	sadd.s32 s10, s9;
	v9 =	vadd.f32 v9, v8  }
0x170: {  	s10 =	sand.u32 $0xC00, s12;
	s17 =	sadd.s32 s7, s15;
	s18 =	sadd.s32 s16, s15;
	v8 =	vadd.f32 v11, v10  }
0x171: {  	s13 =	sadd.s32 $0x10, s13;
	s15 =	sadd.s32 s8, s10;
	s16 =	sadd.s32 s16, s17;
	[tilespmem:v5+s18+$0xC00 ss:$0x1] =	vst.idx.msk $0xffff, v9  }
0x172: {  	s8 =	sor.u32 s11, s15;
	[tilespmem:s16+$0x0] =	vst v8  }
0x173: {  	v8 =	vld [tilespmem:s8+$0x4D00]  }
0x174: {  	v9 =	vld [tilespmem:s8+$0xAD00];
	_ =	sdelay $0x4  }
0x175: {  	s6 =	sadd.s32 $0x1, s6;
	v10 =	vshll.u32 v8, $0x10;
	v8 =	vand.u32 $0xFFFF0000, v8;
	v11 =	vand.u32 $0xFFFF0000, v9  }
0x176: {  	p0 =	sne.s32 s6, $0x10;
	v9 =	vshll.u32 v9, $0x10;
	v8 =	vmul.f32 v8, v6;
	v11 =	vmul.f32 v11, v7  }
.Ltmp7:
0x177: {  	v6 =	vmul.f32 v10, v6;
	v7 =	vmul.f32 v9, v7;
	(pc) =	sbr.rel @p0 .LBB2_14-.Ltmp7, $4  }
0x178: {  	s18 =	sadd.s32 s10, s9;
	v8 =	vadd.f32 v11, v8  }
0x179: {  	s7 =	sadd.s32 s7, s18;
	s8 =	sadd.s32 s11, s18;
	v6 =	vadd.f32 v7, v6  }
0x17a: {  	s7 =	sadd.s32 s11, s7;
	[tilespmem:v5+s8+$0xC00 ss:$0x1] =	vst.idx.msk $0xffff, v8  }
0x17b: {  	[tilespmem:s7+$0x0] =	vst v6  }
0x17c: {  	s5 =	rddreg [dreg:$0x10];
	s6 =	simm.s32 $0x15500  }
0x17d: {  	[hbm4b:s5+s1] =	stream.linear.scatter [tilespmem:s6], [sflag:$0xC], $0x3000, $0x38;
	[tilespmem:$0x18500] =	vst v63  }
0x17e: {  	_ =	swait.ge [sflag:s29], $0x3000  }
0x17f: {  	[sflag:s29] =	ssyncset.done $0x0  }
0x180: {  	[sflag:s29] =	ssyncadd.s32 $0xFFFFD000  }
0x181: {  	_ =	swait.ge [sflag:s0], $0x3000  }
0x182: {  	[sflag:s0] =	ssyncset.done $0x0  }
0x183: {  	s4 =	sadd.s32 $0x1, s4;
	[sflag:s0] =	ssyncadd.s32 $0xFFFFD000  }
0x184: {  	p0 =	sne.s32 s4, s19;
	_ =	swait.ge [sflag:s22], $0x3000  }
.Ltmp8:
0x185: {  	[sflag:s22] =	ssyncset.done $0x0;
	(pc) =	sbr.rel @p0 .LBB2_1-.Ltmp8, $4  }
0x186: {  	[sflag:s22] =	ssyncadd.s32 $0xFFFFD000  }
0x187: {  	_ =	swait.ge [sflag:s25], $0x3000  }
0x188: {  	[sflag:s25] =	ssyncset.done $0x0  }
0x189: {  	[sflag:s25] =	ssyncadd.s32 $0xFFFFD000  }
0x18a: {  	_ =	sfence.sel $0x180000  }
0x18b: {  	[bflag:$0x0] =	sbarrier.arrive $0xFFFF  }
0x18c: {  	_ =	strace $0x9000004A  }
0x18d: {  	s0 =	stileid.u32;
	[bflag:$0x2] =	sbarrier.arrive $0xFFFF  }
0x18e: {  	p0 =	sne.s32 s0, $0x0;
	s0 =	rddreg [dreg:$0x2]  }
0x18f: {  	s0 =	sadd.s32 @!p0 $0x100000, s0  }
0x190: {  	[sflag:s0] =	ssyncadd.tile.s32 @!p0 $0x1;
	_ =	shalt  }
.Lfunc_end2:
_tile_overlayer_lowered:
.L_overlay_start_2:
0x191: {  	(tag) =	ssettag $0x2  }
0x192: {  	s0 =	rddreg [dreg:$0x0];
	s2 =	stileid.u32  }
0x193: {  	s1 =	rddreg [dreg:$0x1];
	p0 =	sne.s32 s2, $0x0  }
0x194: {  	s3 =	rddreg [dreg:$0x2];
	[bflag:$0x3] =	sbarrier.arrive $0xFFFF;
	s2 =	simm.s32 @!p0 $0x1C0D  }
0x195: {  	[timem:s3], [sflag:s2] =	dma.local @!p0 [hbm:s0], s1  }
0x196: {  	s0 =	simm.s32 @!p0 $0xD  }
0x197: {  	_ =	swait.ge @!p0 [sflag:s0], s1  }
0x198: {  	s1 =	ssub.s32 @!p0 $0x0, s1;
	[sflag:s0] =	ssyncset.done @!p0 $0x0  }
0x199: {  	[sflag:s0] =	ssyncadd.s32 @!p0 s1  }
0x19a: {  	[bflag:$0x3] =	sbarrier.arrive $0xFFFF  }
0x19b: {  	_ =	shalt  }

</sc_bundles>
